<compile_context>
chip_gen: v7x
topology: tpu7x:2x2x1
jax: 0.10.2.dev20260603
libtpu: 0.0.44.dev20260713+nightly
codegen_flags: <defaults>
</compile_context>

<pallas_src>
import functools

import jax
import jax.numpy as jnp
from jax import lax
from jax.experimental import pallas as pl
from jax.experimental.pallas import tpu as pltpu
from jax.experimental.pallas import tpu_sc as plsc

N = 10000
D = 128
R = 4
E = 80000

NC = 2
NS = 16
CHUNK = 128
CPT = 40
E_PAD = NS * CPT * CHUNK
N_ACC = N + 8
ROWS_PER_TILE = N // NS
CNT_SPLIT = 632


def _wx_body(x_ref, nw_ref, o_ref):
    o_ref[...] = x_ref[...] * nw_ref[...][..., None]


def _wx(x, nw):
    out = pl.pallas_call(
        _wx_body,
        out_shape=jax.ShapeDtypeStruct((N // 8, 8, D), jnp.float32),
    )(x.reshape(N // 8, 8, D), nw.reshape(N // 8, 8))
    return out.reshape(N, D)


def _seg_body(wx_hbm, src_hbm, tgt_hbm, a_hbm, cnt_hbm,
              srcv, tgtv, rows0, rows1, ones, zrows, zcnt, cstage, acc, cnt,
              sem0, sem1):
    c = lax.axis_index("c")
    s = lax.axis_index("s")

    def _init_row(i, _):
        for j in range(D // 16):
            zrows[i, pl.ds(j * 16, 16)] = jnp.zeros((16,), jnp.float32)
        return 0
    lax.fori_loop(0, 25, _init_row, 0)
    for j in range(CHUNK // 16):
        ones[pl.ds(j * 16, 16)] = jnp.ones((16,), jnp.float32)
    def _init_zc(i, _):
        zcnt[pl.ds(i * 16, 16)] = jnp.zeros((16,), jnp.float32)
        return 0
    lax.fori_loop(0, CNT_SPLIT // 16, _init_zc, 0)

    for rel in range(2):
        r = rel * 2 + c

        for j in range(ROWS_PER_TILE // 25):
            pltpu.sync_copy(zrows, acc.at[pl.ds(s * ROWS_PER_TILE + j * 25, 25)])
        base_c = s * CNT_SPLIT
        @pl.when(s < NS - 1)
        def _():
            pltpu.sync_copy(zcnt, cnt.at[pl.ds(base_c, CNT_SPLIT)])
        @pl.when(s == NS - 1)
        def _():
            pltpu.sync_copy(zcnt.at[pl.ds(0, N - (NS - 1) * CNT_SPLIT)],
                            cnt.at[pl.ds((NS - 1) * CNT_SPLIT, N - (NS - 1) * CNT_SPLIT)])
        plsc.subcore_barrier()

        pltpu.sync_copy(src_hbm.at[r, s], srcv)
        pltpu.sync_copy(tgt_hbm.at[r, s], tgtv)

        def _scat(i, buf):
            pltpu.sync_copy(buf, acc.at[tgtv.at[i]], add=True)
            pltpu.sync_copy(ones, cnt.at[tgtv.at[i]], add=True)

        pltpu.async_copy(wx_hbm.at[srcv.at[0]], rows0, sem0)
        def _pipe(ii, _):
            k0 = ii * 2
            pltpu.async_copy(wx_hbm.at[srcv.at[k0 + 1]], rows1, sem1)
            pltpu.make_async_copy(wx_hbm.at[srcv.at[k0]], rows0, sem0).wait()
            _scat(k0, rows0)
            @pl.when(k0 + 2 < CPT)
            def _():
                pltpu.async_copy(wx_hbm.at[srcv.at[k0 + 2]], rows0, sem0)
            pltpu.make_async_copy(wx_hbm.at[srcv.at[k0 + 1]], rows1, sem1).wait()
            _scat(k0 + 1, rows1)
            return 0
        lax.fori_loop(0, CPT // 2, _pipe, 0)

        plsc.subcore_barrier()

        @pl.when(s < NS - 1)
        def _():
            pltpu.sync_copy(acc.at[pl.ds(base_c, CNT_SPLIT)],
                            a_hbm.at[r, pl.ds(base_c, CNT_SPLIT)])
        @pl.when(s == NS - 1)
        def _():
            pltpu.sync_copy(
                acc.at[pl.ds((NS - 1) * CNT_SPLIT, N - (NS - 1) * CNT_SPLIT)],
                a_hbm.at[r, pl.ds((NS - 1) * CNT_SPLIT, N - (NS - 1) * CNT_SPLIT)])
        coff = pl.multiple_of(r * N + base_c, 8)
        @pl.when(s < NS - 1)
        def _():
            pltpu.sync_copy(cnt.at[pl.ds(base_c, CNT_SPLIT)], cstage)
            pltpu.sync_copy(cstage, cnt_hbm.at[pl.ds(coff, CNT_SPLIT)])
        @pl.when(s == NS - 1)
        def _():
            tail = N - (NS - 1) * CNT_SPLIT
            pltpu.sync_copy(cnt.at[pl.ds((NS - 1) * CNT_SPLIT, tail)],
                            cstage.at[pl.ds(0, tail)])
            pltpu.sync_copy(cstage.at[pl.ds(0, tail)],
                            cnt_hbm.at[pl.ds(coff, tail)])
        plsc.subcore_barrier()


_seg = functools.partial(
    pl.kernel,
    _seg_body,
    out_type=[
        jax.ShapeDtypeStruct((R, N, D), jnp.float32),
        jax.ShapeDtypeStruct((R * N,), jnp.float32),
    ],
    mesh=plsc.VectorSubcoreMesh(
        core_axis_name="c", subcore_axis_name="s",
        num_cores=NC, num_subcores=NS),
    scratch_types=[
        pltpu.VMEM((CPT, CHUNK), jnp.int32),
        pltpu.VMEM((CPT, CHUNK), jnp.int32),
        pltpu.VMEM((CHUNK, D), jnp.float32),
        pltpu.VMEM((CHUNK, D), jnp.float32),
        pltpu.VMEM((CHUNK,), jnp.float32),
        pltpu.VMEM((25, D), jnp.float32),
        pltpu.VMEM((CNT_SPLIT,), jnp.float32),
        pltpu.VMEM((CNT_SPLIT,), jnp.float32),
        pltpu.VMEM_SHARED((N_ACC, D), jnp.float32),
        pltpu.VMEM_SHARED((N_ACC,), jnp.float32),
        pltpu.SemaphoreType.DMA,
        pltpu.SemaphoreType.DMA,
    ],
)()


BLK = 2000


def _fin_body(x_ref, a_ref, cnt_ref, wrel_ref, wself_ref, b_ref, g_ref, be_ref,
              o_ref):
    x = x_ref[...]
    out = lax.dot_general(x, wself_ref[...], (((1,), (1,)), ((), ())),
                          preferred_element_type=jnp.float32) + b_ref[...]
    inv = 1.0 / jnp.clip(cnt_ref[...], 1.0, None)
    for r in range(R):
        ar = a_ref[r] * inv[:, r:r + 1]
        out = out + lax.dot_general(ar, wrel_ref[r], (((1,), (1,)), ((), ())),
                                    preferred_element_type=jnp.float32)
    h = jnp.maximum(out, 0.0)
    mean = jnp.mean(h, axis=1, keepdims=True)
    cen = h - mean
    var = jnp.mean(cen * cen, axis=1, keepdims=True)
    hn = cen * lax.rsqrt(var + 1e-5)
    o_ref[...] = hn * g_ref[...] + be_ref[...]


def _final(x, a, cnt_t, w_rel, w_self, b2, g2, be2):
    grid = N // BLK
    return pl.pallas_call(
        _fin_body,
        grid=(grid,),
        in_specs=[
            pl.BlockSpec((BLK, D), lambda i: (i, 0)),
            pl.BlockSpec((R, BLK, D), lambda i: (0, i, 0)),
            pl.BlockSpec((BLK, R), lambda i: (i, 0)),
            pl.BlockSpec((R, D, D), lambda i: (0, 0, 0)),
            pl.BlockSpec((D, D), lambda i: (0, 0)),
            pl.BlockSpec((1, D), lambda i: (0, 0)),
            pl.BlockSpec((1, D), lambda i: (0, 0)),
            pl.BlockSpec((1, D), lambda i: (0, 0)),
        ],
        out_specs=pl.BlockSpec((BLK, D), lambda i: (i, 0)),
        out_shape=jax.ShapeDtypeStruct((N, D), jnp.float32),
    )(x, a, cnt_t, w_rel, w_self, b2, g2, be2)


def kernel(x, node_weights, edge_index_r0, edge_index_r1, edge_index_r2,
           edge_index_r3, W_rel, W_self, b_self, ln_gamma, ln_beta):
    edges = jnp.stack([edge_index_r0, edge_index_r1, edge_index_r2,
                       edge_index_r3]).astype(jnp.int32)
    npad = E_PAD - E
    pad_src = (jnp.arange(npad, dtype=jnp.int32) * 613) % N
    pad_tgt = N + (jnp.arange(npad, dtype=jnp.int32) % (N_ACC - N))
    src = jnp.concatenate(
        [edges[:, 0, :], jnp.broadcast_to(pad_src, (R, npad))], axis=1
    ).reshape(R, NS, CPT, CHUNK)
    tgt = jnp.concatenate(
        [edges[:, 1, :], jnp.broadcast_to(pad_tgt, (R, npad))], axis=1
    ).reshape(R, NS, CPT, CHUNK)

    wx = _wx(x, node_weights)
    a, cnt = _seg(wx, src, tgt)
    cnt = cnt.reshape(R, N)
    return _final(x, a, cnt.T, W_rel, W_self, b_self.reshape(1, D),
                  ln_gamma.reshape(1, D), ln_beta.reshape(1, D))

# --- scband reference (transcript-rebuilt; emitter-appended) ---
"""Pipeline reference for scband-rgcnlayer-36799279792562 (READ-ONLY COPY).

The authoritative reference and input builder live on the scoring server;
editing this copy changes nothing except your own understanding.
"""

import jax, jax.numpy as jnp
import numpy as np

N = 10000
D_IN = 128
D_OUT = 128
R = 4
E = 80000

def setup_inputs(seed: int = 0) -> dict:
    key = jax.random.key(seed)
    ks = jax.random.split(key, 12)
    x = jax.random.normal(ks[0], (N, D_IN), dtype=jnp.float32)
    # nuclearity salience weights drawn from {1.0, 0.6, 0.8}
    node_weights = jax.random.choice(ks[1], jnp.array([1.0, 0.6, 0.8], dtype=jnp.float32), (N,))
    edges = {}
    for r in range(R):
        edges[f"edge_index_r{r}"] = jax.random.randint(ks[2 + r], (2, E), 0, N, dtype=jnp.int32).astype(jnp.int64)
    s = 1.0 / np.sqrt(D_IN)
    W_rel = jax.random.uniform(ks[6], (R, D_OUT, D_IN), minval=-s, maxval=s, dtype=jnp.float32)
    W_self = jax.random.uniform(ks[7], (D_OUT, D_IN), minval=-s, maxval=s, dtype=jnp.float32)
    b_self = jax.random.uniform(ks[8], (D_OUT,), minval=-s, maxval=s, dtype=jnp.float32)
    ln_gamma = jnp.ones((D_OUT,), dtype=jnp.float32)
    ln_beta = jnp.zeros((D_OUT,), dtype=jnp.float32)
    out = {"x": x, "node_weights": node_weights}
    out.update(edges)
    out.update({"W_rel": W_rel, "W_self": W_self, "b_self": b_self, "ln_gamma": ln_gamma, "ln_beta": ln_beta})
    return out

def reference(x, node_weights, edge_index_r0, edge_index_r1, edge_index_r2, edge_index_r3, W_rel, W_self, b_self, ln_gamma, ln_beta):
    edges = [edge_index_r0, edge_index_r1, edge_index_r2, edge_index_r3]
    # self-loop transform: W_self(x)
    out = x @ W_self.T + b_self
    for r in range(R):
        src = edges[r][0]
        tgt = edges[r][1]
        feats = x[src]  # gather
        feats = feats * node_weights[src][:, None]  # nuclearity weighting
        msg = feats @ W_rel[r].T  # per-relation linear, no bias
        agg = jax.ops.segment_sum(msg, tgt, num_segments=N)  # scatter-add
        count = jax.ops.segment_sum(jnp.ones((src.shape[0],), dtype=jnp.float32), tgt, num_segments=N)
        out = out + agg / jnp.clip(count, 1.0, None)[:, None]
    h = jax.nn.relu(out)
    # LayerNorm (eps=1e-5, elementwise affine)
    mean = jnp.mean(h, axis=-1, keepdims=True)
    var = jnp.var(h, axis=-1, keepdims=True)
    hn = (h - mean) / jnp.sqrt(var + 1e-5)
    # dropout is identity in eval mode
    return hn * ln_gamma + ln_beta

if __name__ == "__main__":
    import jax
    _d = setup_inputs()
    print(jax.jit(kernel)(*tuple(_d.values())))

</pallas_src>

<mosaic_0001>
#map = affine_map<(d0, d1) -> (0, 0)>
#map1 = affine_map<(d0, d1) -> (0, 0, 0, 0)>
#map2 = affine_map<(d0, d1) -> (0, 0, 0)>
#map3 = affine_map<(d0, d1) -> (0)>
module attributes {stable_mosaic.version = 14 : i64} {
  func.func @_seg_body(%arg0: i32, %arg1: i32, %arg2: memref<10000x128xf32, #tpu.memory_space<hbm>>, %arg3: memref<4x16x40x128xi32, #tpu.memory_space<hbm>>, %arg4: memref<4x16x40x128xi32, #tpu.memory_space<hbm>>, %arg5: memref<4x10000x128xf32, #tpu.memory_space<hbm>>, %arg6: memref<40000xf32, #tpu.memory_space<hbm>>, %arg7: memref<40x128xi32, #tpu.memory_space<vmem>>, %arg8: memref<40x128xi32, #tpu.memory_space<vmem>>, %arg9: memref<128x128xf32, #tpu.memory_space<vmem>>, %arg10: memref<128x128xf32, #tpu.memory_space<vmem>>, %arg11: memref<128xf32, #tpu.memory_space<vmem>>, %arg12: memref<25x128xf32, #tpu.memory_space<vmem>>, %arg13: memref<632xf32, #tpu.memory_space<vmem>>, %arg14: memref<632xf32, #tpu.memory_space<vmem>>, %arg15: memref<10008x128xf32, #tpu.memory_space<vmem_shared>>, %arg16: memref<10008xf32, #tpu.memory_space<vmem_shared>>, %arg17: memref<!tpu.dma_semaphore, #tpu.memory_space<semaphore_mem>>, %arg18: memref<!tpu.dma_semaphore, #tpu.memory_space<semaphore_mem>>) attributes {dimension_semantics = [#tpu.dimension_semantics<core_parallel>, #tpu.dimension_semantics<subcore_parallel>], iteration_bounds = array<i64: 2, 16>, scalar_prefetch = 0 : i64, scratch_operands = 12 : i64, tpu.core_type = #tpu.core_type<sc_vector_subcore>, window_params = [{transform_indices = #map}, {transform_indices = #map1}, {transform_indices = #map1}, {transform_indices = #map2}, {transform_indices = #map3}]} {
    %scan3A = arith.constant 0 : i32
    %scan3A_0 = arith.constant 0 : i32
    %scan3A_1 = arith.constant 25 : i32
    %scan3A_2 = arith.addi %scan3A_0, %scan3A_1 : i32
    %scan3A_3 = arith.constant 1 : i32
    %scan3A_4 = scf.for %scan3A_360 = %scan3A_0 to %scan3A_2 step %scan3A_3 iter_args(%scan3A_361 = %scan3A) -> (i32)  : i32 {
      %broadcast_in_dim3A_362 = arith.constant 0.000000e+00 : f32
      %broadcast_in_dim3A_363 = vector.broadcast %broadcast_in_dim3A_362 : f32 to vector<16xf32>
      %swap3A_364 = arith.index_cast %scan3A_360 : i32 to index
      %swap3A_365 = arith.constant 0 : index
      %swap3A_366 = tpu.vector_load %arg12[%swap3A_364, %swap3A_365] {strides = array<i32>} : memref<25x128xf32, #tpu.memory_space<vmem>>, vector<1x16xf32>,
      %swap3A_367 = vector.shape_cast %swap3A_366 : vector<1x16xf32> to vector<16xf32>
      %swap3A_368 = vector.shape_cast %broadcast_in_dim3A_363 : vector<16xf32> to vector<1x16xf32>
      tpu.vector_store %arg12[%swap3A_364, %swap3A_365], %swap3A_368 {strides = array<i32>} : memref<25x128xf32, #tpu.memory_space<vmem>>, vector<1x16xf32>,
      %broadcast_in_dim3A_369 = arith.constant 0.000000e+00 : f32
      %broadcast_in_dim3A_370 = vector.broadcast %broadcast_in_dim3A_369 : f32 to vector<16xf32>
      %swap3A_371 = arith.index_cast %scan3A_360 : i32 to index
      %swap3A_372 = arith.constant 16 : index
      %swap3A_373 = tpu.vector_load %arg12[%swap3A_371, %swap3A_372] {strides = array<i32>} : memref<25x128xf32, #tpu.memory_space<vmem>>, vector<1x16xf32>,
      %swap3A_374 = vector.shape_cast %swap3A_373 : vector<1x16xf32> to vector<16xf32>
      %swap3A_375 = vector.shape_cast %broadcast_in_dim3A_370 : vector<16xf32> to vector<1x16xf32>
      tpu.vector_store %arg12[%swap3A_371, %swap3A_372], %swap3A_375 {strides = array<i32>} : memref<25x128xf32, #tpu.memory_space<vmem>>, vector<1x16xf32>,
      %broadcast_in_dim3A_376 = arith.constant 0.000000e+00 : f32
      %broadcast_in_dim3A_377 = vector.broadcast %broadcast_in_dim3A_376 : f32 to vector<16xf32>
      %swap3A_378 = arith.index_cast %scan3A_360 : i32 to index
      %swap3A_379 = arith.constant 32 : index
      %swap3A_380 = tpu.vector_load %arg12[%swap3A_378, %swap3A_379] {strides = array<i32>} : memref<25x128xf32, #tpu.memory_space<vmem>>, vector<1x16xf32>,
      %swap3A_381 = vector.shape_cast %swap3A_380 : vector<1x16xf32> to vector<16xf32>
      %swap3A_382 = vector.shape_cast %broadcast_in_dim3A_377 : vector<16xf32> to vector<1x16xf32>
      tpu.vector_store %arg12[%swap3A_378, %swap3A_379], %swap3A_382 {strides = array<i32>} : memref<25x128xf32, #tpu.memory_space<vmem>>, vector<1x16xf32>,
      %broadcast_in_dim3A_383 = arith.constant 0.000000e+00 : f32
      %broadcast_in_dim3A_384 = vector.broadcast %broadcast_in_dim3A_383 : f32 to vector<16xf32>
      %swap3A_385 = arith.index_cast %scan3A_360 : i32 to index
      %swap3A_386 = arith.constant 48 : index
      %swap3A_387 = tpu.vector_load %arg12[%swap3A_385, %swap3A_386] {strides = array<i32>} : memref<25x128xf32, #tpu.memory_space<vmem>>, vector<1x16xf32>,
      %swap3A_388 = vector.shape_cast %swap3A_387 : vector<1x16xf32> to vector<16xf32>
      %swap3A_389 = vector.shape_cast %broadcast_in_dim3A_384 : vector<16xf32> to vector<1x16xf32>
      tpu.vector_store %arg12[%swap3A_385, %swap3A_386], %swap3A_389 {strides = array<i32>} : memref<25x128xf32, #tpu.memory_space<vmem>>, vector<1x16xf32>,
      %broadcast_in_dim3A_390 = arith.constant 0.000000e+00 : f32
      %broadcast_in_dim3A_391 = vector.broadcast %broadcast_in_dim3A_390 : f32 to vector<16xf32>
      %swap3A_392 = arith.index_cast %scan3A_360 : i32 to index
      %swap3A_393 = arith.constant 64 : index
      %swap3A_394 = tpu.vector_load %arg12[%swap3A_392, %swap3A_393] {strides = array<i32>} : memref<25x128xf32, #tpu.memory_space<vmem>>, vector<1x16xf32>,
      %swap3A_395 = vector.shape_cast %swap3A_394 : vector<1x16xf32> to vector<16xf32>
      %swap3A_396 = vector.shape_cast %broadcast_in_dim3A_391 : vector<16xf32> to vector<1x16xf32>
      tpu.vector_store %arg12[%swap3A_392, %swap3A_393], %swap3A_396 {strides = array<i32>} : memref<25x128xf32, #tpu.memory_space<vmem>>, vector<1x16xf32>,
      %broadcast_in_dim3A_397 = arith.constant 0.000000e+00 : f32
      %broadcast_in_dim3A_398 = vector.broadcast %broadcast_in_dim3A_397 : f32 to vector<16xf32>
      %swap3A_399 = arith.index_cast %scan3A_360 : i32 to index
      %swap3A_400 = arith.constant 80 : index
      %swap3A_401 = tpu.vector_load %arg12[%swap3A_399, %swap3A_400] {strides = array<i32>} : memref<25x128xf32, #tpu.memory_space<vmem>>, vector<1x16xf32>,
      %swap3A_402 = vector.shape_cast %swap3A_401 : vector<1x16xf32> to vector<16xf32>
      %swap3A_403 = vector.shape_cast %broadcast_in_dim3A_398 : vector<16xf32> to vector<1x16xf32>
      tpu.vector_store %arg12[%swap3A_399, %swap3A_400], %swap3A_403 {strides = array<i32>} : memref<25x128xf32, #tpu.memory_space<vmem>>, vector<1x16xf32>,
      %broadcast_in_dim3A_404 = arith.constant 0.000000e+00 : f32
      %broadcast_in_dim3A_405 = vector.broadcast %broadcast_in_dim3A_404 : f32 to vector<16xf32>
      %swap3A_406 = arith.index_cast %scan3A_360 : i32 to index
      %swap3A_407 = arith.constant 96 : index
      %swap3A_408 = tpu.vector_load %arg12[%swap3A_406, %swap3A_407] {strides = array<i32>} : memref<25x128xf32, #tpu.memory_space<vmem>>, vector<1x16xf32>,
      %swap3A_409 = vector.shape_cast %swap3A_408 : vector<1x16xf32> to vector<16xf32>
      %swap3A_410 = vector.shape_cast %broadcast_in_dim3A_405 : vector<16xf32> to vector<1x16xf32>
      tpu.vector_store %arg12[%swap3A_406, %swap3A_407], %swap3A_410 {strides = array<i32>} : memref<25x128xf32, #tpu.memory_space<vmem>>, vector<1x16xf32>,
      %broadcast_in_dim3A_411 = arith.constant 0.000000e+00 : f32
      %broadcast_in_dim3A_412 = vector.broadcast %broadcast_in_dim3A_411 : f32 to vector<16xf32>
      %swap3A_413 = arith.index_cast %scan3A_360 : i32 to index
      %swap3A_414 = arith.constant 112 : index
      %swap3A_415 = tpu.vector_load %arg12[%swap3A_413, %swap3A_414] {strides = array<i32>} : memref<25x128xf32, #tpu.memory_space<vmem>>, vector<1x16xf32>,
      %swap3A_416 = vector.shape_cast %swap3A_415 : vector<1x16xf32> to vector<16xf32>
      %swap3A_417 = vector.shape_cast %broadcast_in_dim3A_412 : vector<16xf32> to vector<1x16xf32>
      tpu.vector_store %arg12[%swap3A_413, %swap3A_414], %swap3A_417 {strides = array<i32>} : memref<25x128xf32, #tpu.memory_space<vmem>>, vector<1x16xf32>,
      %scan3A_418 = arith.constant 0 : i32
      scf.yield %scan3A_418 : i32
    }
    %scan3A_5 = arith.constant 25 : i32
    %broadcast_in_dim3A = arith.constant 1.000000e+00 : f32
    %broadcast_in_dim3A_6 = vector.broadcast %broadcast_in_dim3A : f32 to vector<16xf32>
    %swap3A = arith.constant 0 : index
    %swap3A_7 = tpu.vector_load %arg11[%swap3A] {strides = array<i32>} : memref<128xf32, #tpu.memory_space<vmem>>, vector<16xf32>,
    %swap3A_8 = vector.shape_cast %swap3A_7 : vector<16xf32> to vector<16xf32>
    %swap3A_9 = vector.shape_cast %broadcast_in_dim3A_6 : vector<16xf32> to vector<16xf32>
    tpu.vector_store %arg11[%swap3A], %swap3A_9 {strides = array<i32>} : memref<128xf32, #tpu.memory_space<vmem>>, vector<16xf32>,
    %broadcast_in_dim3A_10 = arith.constant 1.000000e+00 : f32
    %broadcast_in_dim3A_11 = vector.broadcast %broadcast_in_dim3A_10 : f32 to vector<16xf32>
    %swap3A_12 = arith.constant 16 : index
    %swap3A_13 = tpu.vector_load %arg11[%swap3A_12] {strides = array<i32>} : memref<128xf32, #tpu.memory_space<vmem>>, vector<16xf32>,
    %swap3A_14 = vector.shape_cast %swap3A_13 : vector<16xf32> to vector<16xf32>
    %swap3A_15 = vector.shape_cast %broadcast_in_dim3A_11 : vector<16xf32> to vector<16xf32>
    tpu.vector_store %arg11[%swap3A_12], %swap3A_15 {strides = array<i32>} : memref<128xf32, #tpu.memory_space<vmem>>, vector<16xf32>,
    %broadcast_in_dim3A_16 = arith.constant 1.000000e+00 : f32
    %broadcast_in_dim3A_17 = vector.broadcast %broadcast_in_dim3A_16 : f32 to vector<16xf32>
    %swap3A_18 = arith.constant 32 : index
    %swap3A_19 = tpu.vector_load %arg11[%swap3A_18] {strides = array<i32>} : memref<128xf32, #tpu.memory_space<vmem>>, vector<16xf32>,
    %swap3A_20 = vector.shape_cast %swap3A_19 : vector<16xf32> to vector<16xf32>
    %swap3A_21 = vector.shape_cast %broadcast_in_dim3A_17 : vector<16xf32> to vector<16xf32>
    tpu.vector_store %arg11[%swap3A_18], %swap3A_21 {strides = array<i32>} : memref<128xf32, #tpu.memory_space<vmem>>, vector<16xf32>,
    %broadcast_in_dim3A_22 = arith.constant 1.000000e+00 : f32
    %broadcast_in_dim3A_23 = vector.broadcast %broadcast_in_dim3A_22 : f32 to vector<16xf32>
    %swap3A_24 = arith.constant 48 : index
    %swap3A_25 = tpu.vector_load %arg11[%swap3A_24] {strides = array<i32>} : memref<128xf32, #tpu.memory_space<vmem>>, vector<16xf32>,
    %swap3A_26 = vector.shape_cast %swap3A_25 : vector<16xf32> to vector<16xf32>
    %swap3A_27 = vector.shape_cast %broadcast_in_dim3A_23 : vector<16xf32> to vector<16xf32>
    tpu.vector_store %arg11[%swap3A_24], %swap3A_27 {strides = array<i32>} : memref<128xf32, #tpu.memory_space<vmem>>, vector<16xf32>,
    %broadcast_in_dim3A_28 = arith.constant 1.000000e+00 : f32
    %broadcast_in_dim3A_29 = vector.broadcast %broadcast_in_dim3A_28 : f32 to vector<16xf32>
    %swap3A_30 = arith.constant 64 : index
    %swap3A_31 = tpu.vector_load %arg11[%swap3A_30] {strides = array<i32>} : memref<128xf32, #tpu.memory_space<vmem>>, vector<16xf32>,
    %swap3A_32 = vector.shape_cast %swap3A_31 : vector<16xf32> to vector<16xf32>
    %swap3A_33 = vector.shape_cast %broadcast_in_dim3A_29 : vector<16xf32> to vector<16xf32>
    tpu.vector_store %arg11[%swap3A_30], %swap3A_33 {strides = array<i32>} : memref<128xf32, #tpu.memory_space<vmem>>, vector<16xf32>,
    %broadcast_in_dim3A_34 = arith.constant 1.000000e+00 : f32
    %broadcast_in_dim3A_35 = vector.broadcast %broadcast_in_dim3A_34 : f32 to vector<16xf32>
    %swap3A_36 = arith.constant 80 : index
    %swap3A_37 = tpu.vector_load %arg11[%swap3A_36] {strides = array<i32>} : memref<128xf32, #tpu.memory_space<vmem>>, vector<16xf32>,
    %swap3A_38 = vector.shape_cast %swap3A_37 : vector<16xf32> to vector<16xf32>
    %swap3A_39 = vector.shape_cast %broadcast_in_dim3A_35 : vector<16xf32> to vector<16xf32>
    tpu.vector_store %arg11[%swap3A_36], %swap3A_39 {strides = array<i32>} : memref<128xf32, #tpu.memory_space<vmem>>, vector<16xf32>,
    %broadcast_in_dim3A_40 = arith.constant 1.000000e+00 : f32
    %broadcast_in_dim3A_41 = vector.broadcast %broadcast_in_dim3A_40 : f32 to vector<16xf32>
    %swap3A_42 = arith.constant 96 : index
    %swap3A_43 = tpu.vector_load %arg11[%swap3A_42] {strides = array<i32>} : memref<128xf32, #tpu.memory_space<vmem>>, vector<16xf32>,
    %swap3A_44 = vector.shape_cast %swap3A_43 : vector<16xf32> to vector<16xf32>
    %swap3A_45 = vector.shape_cast %broadcast_in_dim3A_41 : vector<16xf32> to vector<16xf32>
    tpu.vector_store %arg11[%swap3A_42], %swap3A_45 {strides = array<i32>} : memref<128xf32, #tpu.memory_space<vmem>>, vector<16xf32>,
    %broadcast_in_dim3A_46 = arith.constant 1.000000e+00 : f32
    %broadcast_in_dim3A_47 = vector.broadcast %broadcast_in_dim3A_46 : f32 to vector<16xf32>
    %swap3A_48 = arith.constant 112 : index
    %swap3A_49 = tpu.vector_load %arg11[%swap3A_48] {strides = array<i32>} : memref<128xf32, #tpu.memory_space<vmem>>, vector<16xf32>,
    %swap3A_50 = vector.shape_cast %swap3A_49 : vector<16xf32> to vector<16xf32>
    %swap3A_51 = vector.shape_cast %broadcast_in_dim3A_47 : vector<16xf32> to vector<16xf32>
    tpu.vector_store %arg11[%swap3A_48], %swap3A_51 {strides = array<i32>} : memref<128xf32, #tpu.memory_space<vmem>>, vector<16xf32>,
    %scan3A_52 = arith.constant 0 : i32
    %scan3A_53 = arith.constant 0 : i32
    %scan3A_54 = arith.constant 39 : i32
    %scan3A_55 = arith.addi %scan3A_53, %scan3A_54 : i32
    %scan3A_56 = arith.constant 1 : i32
    %scan3A_57 = scf.for %scan3A_360 = %scan3A_53 to %scan3A_55 step %scan3A_56 iter_args(%scan3A_361 = %scan3A_52) -> (i32)  : i32 {
      %broadcast_in_dim3A_362 = arith.constant 0.000000e+00 : f32
      %broadcast_in_dim3A_363 = vector.broadcast %broadcast_in_dim3A_362 : f32 to vector<16xf32>
      %mul3A_364 = arith.constant 16 : i32
      %mul3A_365 = arith.muli %scan3A_360, %mul3A_364 : i32
      %swap3A_366 = arith.index_cast %mul3A_365 : i32 to index
      %swap3A_367 = tpu.vector_load %arg13[%swap3A_366] {strides = array<i32>} : memref<632xf32, #tpu.memory_space<vmem>>, vector<16xf32>,
      %swap3A_368 = vector.shape_cast %swap3A_367 : vector<16xf32> to vector<16xf32>
      %swap3A_369 = vector.shape_cast %broadcast_in_dim3A_363 : vector<16xf32> to vector<16xf32>
      tpu.vector_store %arg13[%swap3A_366], %swap3A_369 {strides = array<i32>} : memref<632xf32, #tpu.memory_space<vmem>>, vector<16xf32>,
      %scan3A_370 = arith.constant 0 : i32
      scf.yield %scan3A_370 : i32
    }
    %scan3A_58 = arith.constant 39 : i32
    %add3A = arith.constant 0 : i32
    %add3A_59 = arith.addi %add3A, %arg0 : i32
    %mul3A = arith.constant 625 : i32
    %mul3A_60 = arith.muli %arg1, %mul3A : i32
    %add3A_61 = arith.constant 0 : i32
    %add3A_62 = arith.addi %mul3A_60, %add3A_61 : i32
    "tpu.region"() ({
      %run_scoped3A = tpu.sem_alloc : memref<!tpu.dma_semaphore, #tpu.memory_space<semaphore_mem>>
      %dma_start3A_360 = arith.constant 0 : i32
      %dma_start3A_361 = tpu.memref_slice %arg15[%add3A_62, %dma_start3A_360] : memref<10008x128xf32, #tpu.memory_space<vmem_shared>> -> memref<25x128xf32, #tpu.memory_space<vmem_shared>>
      %dma_start3A_362 = arith.constant 0 : i32
      %dma_start3A_363 = tpu.memref_slice %arg15[%add3A_62, %dma_start3A_362] : memref<10008x128xf32, #tpu.memory_space<vmem_shared>> -> memref<25x128xf32, #tpu.memory_space<vmem_shared>>
      tpu.enqueue_dma source(%arg12 : memref<25x128xf32, #tpu.memory_space<vmem>>) target(%dma_start3A_363 : memref<25x128xf32, #tpu.memory_space<vmem_shared>>) target_semaphore(%run_scoped3A : memref<!tpu.dma_semaphore, #tpu.memory_space<semaphore_mem>>)
      %dma_wait3A = arith.constant 0 : i32
      %dma_wait3A_364 = tpu.memref_slice %arg15[%add3A_62, %dma_wait3A] : memref<10008x128xf32, #tpu.memory_space<vmem_shared>> -> memref<25x128xf32, #tpu.memory_space<vmem_shared>>
      %dma_wait3A_365 = arith.constant 0 : i32
      %dma_wait3A_366 = tpu.memref_slice %arg15[%add3A_62, %dma_wait3A_365] : memref<10008x128xf32, #tpu.memory_space<vmem_shared>> -> memref<25x128xf32, #tpu.memory_space<vmem_shared>>
      tpu.wait_dma2 semaphore(%run_scoped3A : memref<!tpu.dma_semaphore, #tpu.memory_space<semaphore_mem>>) src(%arg12 : memref<25x128xf32, #tpu.memory_space<vmem>>) dst(%dma_wait3A_366 : memref<25x128xf32, #tpu.memory_space<vmem_shared>>)
      tpu.yield
    }) : () -> ()
    %mul3A_63 = arith.constant 625 : i32
    %mul3A_64 = arith.muli %arg1, %mul3A_63 : i32
    %add3A_65 = arith.constant 25 : i32
    %add3A_66 = arith.addi %mul3A_64, %add3A_65 : i32
    "tpu.region"() ({
      %run_scoped3A = tpu.sem_alloc : memref<!tpu.dma_semaphore, #tpu.memory_space<semaphore_mem>>
      %dma_start3A_360 = arith.constant 0 : i32
      %dma_start3A_361 = tpu.memref_slice %arg15[%add3A_66, %dma_start3A_360] : memref<10008x128xf32, #tpu.memory_space<vmem_shared>> -> memref<25x128xf32, #tpu.memory_space<vmem_shared>>
      %dma_start3A_362 = arith.constant 0 : i32
      %dma_start3A_363 = tpu.memref_slice %arg15[%add3A_66, %dma_start3A_362] : memref<10008x128xf32, #tpu.memory_space<vmem_shared>> -> memref<25x128xf32, #tpu.memory_space<vmem_shared>>
      tpu.enqueue_dma source(%arg12 : memref<25x128xf32, #tpu.memory_space<vmem>>) target(%dma_start3A_363 : memref<25x128xf32, #tpu.memory_space<vmem_shared>>) target_semaphore(%run_scoped3A : memref<!tpu.dma_semaphore, #tpu.memory_space<semaphore_mem>>)
      %dma_wait3A = arith.constant 0 : i32
      %dma_wait3A_364 = tpu.memref_slice %arg15[%add3A_66, %dma_wait3A] : memref<10008x128xf32, #tpu.memory_space<vmem_shared>> -> memref<25x128xf32, #tpu.memory_space<vmem_shared>>
      %dma_wait3A_365 = arith.constant 0 : i32
      %dma_wait3A_366 = tpu.memref_slice %arg15[%add3A_66, %dma_wait3A_365] : memref<10008x128xf32, #tpu.memory_space<vmem_shared>> -> memref<25x128xf32, #tpu.memory_space<vmem_shared>>
      tpu.wait_dma2 semaphore(%run_scoped3A : memref<!tpu.dma_semaphore, #tpu.memory_space<semaphore_mem>>) src(%arg12 : memref<25x128xf32, #tpu.memory_space<vmem>>) dst(%dma_wait3A_366 : memref<25x128xf32, #tpu.memory_space<vmem_shared>>)
      tpu.yield
    }) : () -> ()
    %mul3A_67 = arith.constant 625 : i32
    %mul3A_68 = arith.muli %arg1, %mul3A_67 : i32
    %add3A_69 = arith.constant 50 : i32
    %add3A_70 = arith.addi %mul3A_68, %add3A_69 : i32
    "tpu.region"() ({
      %run_scoped3A = tpu.sem_alloc : memref<!tpu.dma_semaphore, #tpu.memory_space<semaphore_mem>>
      %dma_start3A_360 = arith.constant 0 : i32
      %dma_start3A_361 = tpu.memref_slice %arg15[%add3A_70, %dma_start3A_360] : memref<10008x128xf32, #tpu.memory_space<vmem_shared>> -> memref<25x128xf32, #tpu.memory_space<vmem_shared>>
      %dma_start3A_362 = arith.constant 0 : i32
      %dma_start3A_363 = tpu.memref_slice %arg15[%add3A_70, %dma_start3A_362] : memref<10008x128xf32, #tpu.memory_space<vmem_shared>> -> memref<25x128xf32, #tpu.memory_space<vmem_shared>>
      tpu.enqueue_dma source(%arg12 : memref<25x128xf32, #tpu.memory_space<vmem>>) target(%dma_start3A_363 : memref<25x128xf32, #tpu.memory_space<vmem_shared>>) target_semaphore(%run_scoped3A : memref<!tpu.dma_semaphore, #tpu.memory_space<semaphore_mem>>)
      %dma_wait3A = arith.constant 0 : i32
      %dma_wait3A_364 = tpu.memref_slice %arg15[%add3A_70, %dma_wait3A] : memref<10008x128xf32, #tpu.memory_space<vmem_shared>> -> memref<25x128xf32, #tpu.memory_space<vmem_shared>>
      %dma_wait3A_365 = arith.constant 0 : i32
      %dma_wait3A_366 = tpu.memref_slice %arg15[%add3A_70, %dma_wait3A_365] : memref<10008x128xf32, #tpu.memory_space<vmem_shared>> -> memref<25x128xf32, #tpu.memory_space<vmem_shared>>
      tpu.wait_dma2 semaphore(%run_scoped3A : memref<!tpu.dma_semaphore, #tpu.memory_space<semaphore_mem>>) src(%arg12 : memref<25x128xf32, #tpu.memory_space<vmem>>) dst(%dma_wait3A_366 : memref<25x128xf32, #tpu.memory_space<vmem_shared>>)
      tpu.yield
    }) : () -> ()
    %mul3A_71 = arith.constant 625 : i32
    %mul3A_72 = arith.muli %arg1, %mul3A_71 : i32
    %add3A_73 = arith.constant 75 : i32
    %add3A_74 = arith.addi %mul3A_72, %add3A_73 : i32
    "tpu.region"() ({
      %run_scoped3A = tpu.sem_alloc : memref<!tpu.dma_semaphore, #tpu.memory_space<semaphore_mem>>
      %dma_start3A_360 = arith.constant 0 : i32
      %dma_start3A_361 = tpu.memref_slice %arg15[%add3A_74, %dma_start3A_360] : memref<10008x128xf32, #tpu.memory_space<vmem_shared>> -> memref<25x128xf32, #tpu.memory_space<vmem_shared>>
      %dma_start3A_362 = arith.constant 0 : i32
      %dma_start3A_363 = tpu.memref_slice %arg15[%add3A_74, %dma_start3A_362] : memref<10008x128xf32, #tpu.memory_space<vmem_shared>> -> memref<25x128xf32, #tpu.memory_space<vmem_shared>>
      tpu.enqueue_dma source(%arg12 : memref<25x128xf32, #tpu.memory_space<vmem>>) target(%dma_start3A_363 : memref<25x128xf32, #tpu.memory_space<vmem_shared>>) target_semaphore(%run_scoped3A : memref<!tpu.dma_semaphore, #tpu.memory_space<semaphore_mem>>)
      %dma_wait3A = arith.constant 0 : i32
      %dma_wait3A_364 = tpu.memref_slice %arg15[%add3A_74, %dma_wait3A] : memref<10008x128xf32, #tpu.memory_space<vmem_shared>> -> memref<25x128xf32, #tpu.memory_space<vmem_shared>>
      %dma_wait3A_365 = arith.constant 0 : i32
      %dma_wait3A_366 = tpu.memref_slice %arg15[%add3A_74, %dma_wait3A_365] : memref<10008x128xf32, #tpu.memory_space<vmem_shared>> -> memref<25x128xf32, #tpu.memory_space<vmem_shared>>
      tpu.wait_dma2 semaphore(%run_scoped3A : memref<!tpu.dma_semaphore, #tpu.memory_space<semaphore_mem>>) src(%arg12 : memref<25x128xf32, #tpu.memory_space<vmem>>) dst(%dma_wait3A_366 : memref<25x128xf32, #tpu.memory_space<vmem_shared>>)
      tpu.yield
    }) : () -> ()
    %mul3A_75 = arith.constant 625 : i32
    %mul3A_76 = arith.muli %arg1, %mul3A_75 : i32
    %add3A_77 = arith.constant 100 : i32
    %add3A_78 = arith.addi %mul3A_76, %add3A_77 : i32
    "tpu.region"() ({
      %run_scoped3A = tpu.sem_alloc : memref<!tpu.dma_semaphore, #tpu.memory_space<semaphore_mem>>
      %dma_start3A_360 = arith.constant 0 : i32
      %dma_start3A_361 = tpu.memref_slice %arg15[%add3A_78, %dma_start3A_360] : memref<10008x128xf32, #tpu.memory_space<vmem_shared>> -> memref<25x128xf32, #tpu.memory_space<vmem_shared>>
      %dma_start3A_362 = arith.constant 0 : i32
      %dma_start3A_363 = tpu.memref_slice %arg15[%add3A_78, %dma_start3A_362] : memref<10008x128xf32, #tpu.memory_space<vmem_shared>> -> memref<25x128xf32, #tpu.memory_space<vmem_shared>>
      tpu.enqueue_dma source(%arg12 : memref<25x128xf32, #tpu.memory_space<vmem>>) target(%dma_start3A_363 : memref<25x128xf32, #tpu.memory_space<vmem_shared>>) target_semaphore(%run_scoped3A : memref<!tpu.dma_semaphore, #tpu.memory_space<semaphore_mem>>)
      %dma_wait3A = arith.constant 0 : i32
      %dma_wait3A_364 = tpu.memref_slice %arg15[%add3A_78, %dma_wait3A] : memref<10008x128xf32, #tpu.memory_space<vmem_shared>> -> memref<25x128xf32, #tpu.memory_space<vmem_shared>>
      %dma_wait3A_365 = arith.constant 0 : i32
      %dma_wait3A_366 = tpu.memref_slice %arg15[%add3A_78, %dma_wait3A_365] : memref<10008x128xf32, #tpu.memory_space<vmem_shared>> -> memref<25x128xf32, #tpu.memory_space<vmem_shared>>
      tpu.wait_dma2 semaphore(%run_scoped3A : memref<!tpu.dma_semaphore, #tpu.memory_space<semaphore_mem>>) src(%arg12 : memref<25x128xf32, #tpu.memory_space<vmem>>) dst(%dma_wait3A_366 : memref<25x128xf32, #tpu.memory_space<vmem_shared>>)
      tpu.yield
    }) : () -> ()
    %mul3A_79 = arith.constant 625 : i32
    %mul3A_80 = arith.muli %arg1, %mul3A_79 : i32
    %add3A_81 = arith.constant 125 : i32
    %add3A_82 = arith.addi %mul3A_80, %add3A_81 : i32
    "tpu.region"() ({
      %run_scoped3A = tpu.sem_alloc : memref<!tpu.dma_semaphore, #tpu.memory_space<semaphore_mem>>
      %dma_start3A_360 = arith.constant 0 : i32
      %dma_start3A_361 = tpu.memref_slice %arg15[%add3A_82, %dma_start3A_360] : memref<10008x128xf32, #tpu.memory_space<vmem_shared>> -> memref<25x128xf32, #tpu.memory_space<vmem_shared>>
      %dma_start3A_362 = arith.constant 0 : i32
      %dma_start3A_363 = tpu.memref_slice %arg15[%add3A_82, %dma_start3A_362] : memref<10008x128xf32, #tpu.memory_space<vmem_shared>> -> memref<25x128xf32, #tpu.memory_space<vmem_shared>>
      tpu.enqueue_dma source(%arg12 : memref<25x128xf32, #tpu.memory_space<vmem>>) target(%dma_start3A_363 : memref<25x128xf32, #tpu.memory_space<vmem_shared>>) target_semaphore(%run_scoped3A : memref<!tpu.dma_semaphore, #tpu.memory_space<semaphore_mem>>)
      %dma_wait3A = arith.constant 0 : i32
      %dma_wait3A_364 = tpu.memref_slice %arg15[%add3A_82, %dma_wait3A] : memref<10008x128xf32, #tpu.memory_space<vmem_shared>> -> memref<25x128xf32, #tpu.memory_space<vmem_shared>>
      %dma_wait3A_365 = arith.constant 0 : i32
      %dma_wait3A_366 = tpu.memref_slice %arg15[%add3A_82, %dma_wait3A_365] : memref<10008x128xf32, #tpu.memory_space<vmem_shared>> -> memref<25x128xf32, #tpu.memory_space<vmem_shared>>
      tpu.wait_dma2 semaphore(%run_scoped3A : memref<!tpu.dma_semaphore, #tpu.memory_space<semaphore_mem>>) src(%arg12 : memref<25x128xf32, #tpu.memory_space<vmem>>) dst(%dma_wait3A_366 : memref<25x128xf32, #tpu.memory_space<vmem_shared>>)
      tpu.yield
    }) : () -> ()
    %mul3A_83 = arith.constant 625 : i32
    %mul3A_84 = arith.muli %arg1, %mul3A_83 : i32
    %add3A_85 = arith.constant 150 : i32
    %add3A_86 = arith.addi %mul3A_84, %add3A_85 : i32
    "tpu.region"() ({
      %run_scoped3A = tpu.sem_alloc : memref<!tpu.dma_semaphore, #tpu.memory_space<semaphore_mem>>
      %dma_start3A_360 = arith.constant 0 : i32
      %dma_start3A_361 = tpu.memref_slice %arg15[%add3A_86, %dma_start3A_360] : memref<10008x128xf32, #tpu.memory_space<vmem_shared>> -> memref<25x128xf32, #tpu.memory_space<vmem_shared>>
      %dma_start3A_362 = arith.constant 0 : i32
      %dma_start3A_363 = tpu.memref_slice %arg15[%add3A_86, %dma_start3A_362] : memref<10008x128xf32, #tpu.memory_space<vmem_shared>> -> memref<25x128xf32, #tpu.memory_space<vmem_shared>>
      tpu.enqueue_dma source(%arg12 : memref<25x128xf32, #tpu.memory_space<vmem>>) target(%dma_start3A_363 : memref<25x128xf32, #tpu.memory_space<vmem_shared>>) target_semaphore(%run_scoped3A : memref<!tpu.dma_semaphore, #tpu.memory_space<semaphore_mem>>)
      %dma_wait3A = arith.constant 0 : i32
      %dma_wait3A_364 = tpu.memref_slice %arg15[%add3A_86, %dma_wait3A] : memref<10008x128xf32, #tpu.memory_space<vmem_shared>> -> memref<25x128xf32, #tpu.memory_space<vmem_shared>>
      %dma_wait3A_365 = arith.constant 0 : i32
      %dma_wait3A_366 = tpu.memref_slice %arg15[%add3A_86, %dma_wait3A_365] : memref<10008x128xf32, #tpu.memory_space<vmem_shared>> -> memref<25x128xf32, #tpu.memory_space<vmem_shared>>
      tpu.wait_dma2 semaphore(%run_scoped3A : memref<!tpu.dma_semaphore, #tpu.memory_space<semaphore_mem>>) src(%arg12 : memref<25x128xf32, #tpu.memory_space<vmem>>) dst(%dma_wait3A_366 : memref<25x128xf32, #tpu.memory_space<vmem_shared>>)
      tpu.yield
    }) : () -> ()
    %mul3A_87 = arith.constant 625 : i32
    %mul3A_88 = arith.muli %arg1, %mul3A_87 : i32
    %add3A_89 = arith.constant 175 : i32
    %add3A_90 = arith.addi %mul3A_88, %add3A_89 : i32
    "tpu.region"() ({
      %run_scoped3A = tpu.sem_alloc : memref<!tpu.dma_semaphore, #tpu.memory_space<semaphore_mem>>
      %dma_start3A_360 = arith.constant 0 : i32
      %dma_start3A_361 = tpu.memref_slice %arg15[%add3A_90, %dma_start3A_360] : memref<10008x128xf32, #tpu.memory_space<vmem_shared>> -> memref<25x128xf32, #tpu.memory_space<vmem_shared>>
      %dma_start3A_362 = arith.constant 0 : i32
      %dma_start3A_363 = tpu.memref_slice %arg15[%add3A_90, %dma_start3A_362] : memref<10008x128xf32, #tpu.memory_space<vmem_shared>> -> memref<25x128xf32, #tpu.memory_space<vmem_shared>>
      tpu.enqueue_dma source(%arg12 : memref<25x128xf32, #tpu.memory_space<vmem>>) target(%dma_start3A_363 : memref<25x128xf32, #tpu.memory_space<vmem_shared>>) target_semaphore(%run_scoped3A : memref<!tpu.dma_semaphore, #tpu.memory_space<semaphore_mem>>)
      %dma_wait3A = arith.constant 0 : i32
      %dma_wait3A_364 = tpu.memref_slice %arg15[%add3A_90, %dma_wait3A] : memref<10008x128xf32, #tpu.memory_space<vmem_shared>> -> memref<25x128xf32, #tpu.memory_space<vmem_shared>>
      %dma_wait3A_365 = arith.constant 0 : i32
      %dma_wait3A_366 = tpu.memref_slice %arg15[%add3A_90, %dma_wait3A_365] : memref<10008x128xf32, #tpu.memory_space<vmem_shared>> -> memref<25x128xf32, #tpu.memory_space<vmem_shared>>
      tpu.wait_dma2 semaphore(%run_scoped3A : memref<!tpu.dma_semaphore, #tpu.memory_space<semaphore_mem>>) src(%arg12 : memref<25x128xf32, #tpu.memory_space<vmem>>) dst(%dma_wait3A_366 : memref<25x128xf32, #tpu.memory_space<vmem_shared>>)
      tpu.yield
    }) : () -> ()
    %mul3A_91 = arith.constant 625 : i32
    %mul3A_92 = arith.muli %arg1, %mul3A_91 : i32
    %add3A_93 = arith.constant 200 : i32
    %add3A_94 = arith.addi %mul3A_92, %add3A_93 : i32
    "tpu.region"() ({
      %run_scoped3A = tpu.sem_alloc : memref<!tpu.dma_semaphore, #tpu.memory_space<semaphore_mem>>
      %dma_start3A_360 = arith.constant 0 : i32
      %dma_start3A_361 = tpu.memref_slice %arg15[%add3A_94, %dma_start3A_360] : memref<10008x128xf32, #tpu.memory_space<vmem_shared>> -> memref<25x128xf32, #tpu.memory_space<vmem_shared>>
      %dma_start3A_362 = arith.constant 0 : i32
      %dma_start3A_363 = tpu.memref_slice %arg15[%add3A_94, %dma_start3A_362] : memref<10008x128xf32, #tpu.memory_space<vmem_shared>> -> memref<25x128xf32, #tpu.memory_space<vmem_shared>>
      tpu.enqueue_dma source(%arg12 : memref<25x128xf32, #tpu.memory_space<vmem>>) target(%dma_start3A_363 : memref<25x128xf32, #tpu.memory_space<vmem_shared>>) target_semaphore(%run_scoped3A : memref<!tpu.dma_semaphore, #tpu.memory_space<semaphore_mem>>)
      %dma_wait3A = arith.constant 0 : i32
      %dma_wait3A_364 = tpu.memref_slice %arg15[%add3A_94, %dma_wait3A] : memref<10008x128xf32, #tpu.memory_space<vmem_shared>> -> memref<25x128xf32, #tpu.memory_space<vmem_shared>>
      %dma_wait3A_365 = arith.constant 0 : i32
      %dma_wait3A_366 = tpu.memref_slice %arg15[%add3A_94, %dma_wait3A_365] : memref<10008x128xf32, #tpu.memory_space<vmem_shared>> -> memref<25x128xf32, #tpu.memory_space<vmem_shared>>
      tpu.wait_dma2 semaphore(%run_scoped3A : memref<!tpu.dma_semaphore, #tpu.memory_space<semaphore_mem>>) src(%arg12 : memref<25x128xf32, #tpu.memory_space<vmem>>) dst(%dma_wait3A_366 : memref<25x128xf32, #tpu.memory_space<vmem_shared>>)
      tpu.yield
    }) : () -> ()
    %mul3A_95 = arith.constant 625 : i32
    %mul3A_96 = arith.muli %arg1, %mul3A_95 : i32
    %add3A_97 = arith.constant 225 : i32
    %add3A_98 = arith.addi %mul3A_96, %add3A_97 : i32
    "tpu.region"() ({
      %run_scoped3A = tpu.sem_alloc : memref<!tpu.dma_semaphore, #tpu.memory_space<semaphore_mem>>
      %dma_start3A_360 = arith.constant 0 : i32
      %dma_start3A_361 = tpu.memref_slice %arg15[%add3A_98, %dma_start3A_360] : memref<10008x128xf32, #tpu.memory_space<vmem_shared>> -> memref<25x128xf32, #tpu.memory_space<vmem_shared>>
      %dma_start3A_362 = arith.constant 0 : i32
      %dma_start3A_363 = tpu.memref_slice %arg15[%add3A_98, %dma_start3A_362] : memref<10008x128xf32, #tpu.memory_space<vmem_shared>> -> memref<25x128xf32, #tpu.memory_space<vmem_shared>>
      tpu.enqueue_dma source(%arg12 : memref<25x128xf32, #tpu.memory_space<vmem>>) target(%dma_start3A_363 : memref<25x128xf32, #tpu.memory_space<vmem_shared>>) target_semaphore(%run_scoped3A : memref<!tpu.dma_semaphore, #tpu.memory_space<semaphore_mem>>)
      %dma_wait3A = arith.constant 0 : i32
      %dma_wait3A_364 = tpu.memref_slice %arg15[%add3A_98, %dma_wait3A] : memref<10008x128xf32, #tpu.memory_space<vmem_shared>> -> memref<25x128xf32, #tpu.memory_space<vmem_shared>>
      %dma_wait3A_365 = arith.constant 0 : i32
      %dma_wait3A_366 = tpu.memref_slice %arg15[%add3A_98, %dma_wait3A_365] : memref<10008x128xf32, #tpu.memory_space<vmem_shared>> -> memref<25x128xf32, #tpu.memory_space<vmem_shared>>
      tpu.wait_dma2 semaphore(%run_scoped3A : memref<!tpu.dma_semaphore, #tpu.memory_space<semaphore_mem>>) src(%arg12 : memref<25x128xf32, #tpu.memory_space<vmem>>) dst(%dma_wait3A_366 : memref<25x128xf32, #tpu.memory_space<vmem_shared>>)
      tpu.yield
    }) : () -> ()
    %mul3A_99 = arith.constant 625 : i32
    %mul3A_100 = arith.muli %arg1, %mul3A_99 : i32
    %add3A_101 = arith.constant 250 : i32
    %add3A_102 = arith.addi %mul3A_100, %add3A_101 : i32
    "tpu.region"() ({
      %run_scoped3A = tpu.sem_alloc : memref<!tpu.dma_semaphore, #tpu.memory_space<semaphore_mem>>
      %dma_start3A_360 = arith.constant 0 : i32
      %dma_start3A_361 = tpu.memref_slice %arg15[%add3A_102, %dma_start3A_360] : memref<10008x128xf32, #tpu.memory_space<vmem_shared>> -> memref<25x128xf32, #tpu.memory_space<vmem_shared>>
      %dma_start3A_362 = arith.constant 0 : i32
      %dma_start3A_363 = tpu.memref_slice %arg15[%add3A_102, %dma_start3A_362] : memref<10008x128xf32, #tpu.memory_space<vmem_shared>> -> memref<25x128xf32, #tpu.memory_space<vmem_shared>>
      tpu.enqueue_dma source(%arg12 : memref<25x128xf32, #tpu.memory_space<vmem>>) target(%dma_start3A_363 : memref<25x128xf32, #tpu.memory_space<vmem_shared>>) target_semaphore(%run_scoped3A : memref<!tpu.dma_semaphore, #tpu.memory_space<semaphore_mem>>)
      %dma_wait3A = arith.constant 0 : i32
      %dma_wait3A_364 = tpu.memref_slice %arg15[%add3A_102, %dma_wait3A] : memref<10008x128xf32, #tpu.memory_space<vmem_shared>> -> memref<25x128xf32, #tpu.memory_space<vmem_shared>>
      %dma_wait3A_365 = arith.constant 0 : i32
      %dma_wait3A_366 = tpu.memref_slice %arg15[%add3A_102, %dma_wait3A_365] : memref<10008x128xf32, #tpu.memory_space<vmem_shared>> -> memref<25x128xf32, #tpu.memory_space<vmem_shared>>
      tpu.wait_dma2 semaphore(%run_scoped3A : memref<!tpu.dma_semaphore, #tpu.memory_space<semaphore_mem>>) src(%arg12 : memref<25x128xf32, #tpu.memory_space<vmem>>) dst(%dma_wait3A_366 : memref<25x128xf32, #tpu.memory_space<vmem_shared>>)
      tpu.yield
    }) : () -> ()
    %mul3A_103 = arith.constant 625 : i32
    %mul3A_104 = arith.muli %arg1, %mul3A_103 : i32
    %add3A_105 = arith.constant 275 : i32
    %add3A_106 = arith.addi %mul3A_104, %add3A_105 : i32
    "tpu.region"() ({
      %run_scoped3A = tpu.sem_alloc : memref<!tpu.dma_semaphore, #tpu.memory_space<semaphore_mem>>
      %dma_start3A_360 = arith.constant 0 : i32
      %dma_start3A_361 = tpu.memref_slice %arg15[%add3A_106, %dma_start3A_360] : memref<10008x128xf32, #tpu.memory_space<vmem_shared>> -> memref<25x128xf32, #tpu.memory_space<vmem_shared>>
      %dma_start3A_362 = arith.constant 0 : i32
      %dma_start3A_363 = tpu.memref_slice %arg15[%add3A_106, %dma_start3A_362] : memref<10008x128xf32, #tpu.memory_space<vmem_shared>> -> memref<25x128xf32, #tpu.memory_space<vmem_shared>>
      tpu.enqueue_dma source(%arg12 : memref<25x128xf32, #tpu.memory_space<vmem>>) target(%dma_start3A_363 : memref<25x128xf32, #tpu.memory_space<vmem_shared>>) target_semaphore(%run_scoped3A : memref<!tpu.dma_semaphore, #tpu.memory_space<semaphore_mem>>)
      %dma_wait3A = arith.constant 0 : i32
      %dma_wait3A_364 = tpu.memref_slice %arg15[%add3A_106, %dma_wait3A] : memref<10008x128xf32, #tpu.memory_space<vmem_shared>> -> memref<25x128xf32, #tpu.memory_space<vmem_shared>>
      %dma_wait3A_365 = arith.constant 0 : i32
      %dma_wait3A_366 = tpu.memref_slice %arg15[%add3A_106, %dma_wait3A_365] : memref<10008x128xf32, #tpu.memory_space<vmem_shared>> -> memref<25x128xf32, #tpu.memory_space<vmem_shared>>
      tpu.wait_dma2 semaphore(%run_scoped3A : memref<!tpu.dma_semaphore, #tpu.memory_space<semaphore_mem>>) src(%arg12 : memref<25x128xf32, #tpu.memory_space<vmem>>) dst(%dma_wait3A_366 : memref<25x128xf32, #tpu.memory_space<vmem_shared>>)
      tpu.yield
    }) : () -> ()
    %mul3A_107 = arith.constant 625 : i32
    %mul3A_108 = arith.muli %arg1, %mul3A_107 : i32
    %add3A_109 = arith.constant 300 : i32
    %add3A_110 = arith.addi %mul3A_108, %add3A_109 : i32
    "tpu.region"() ({
      %run_scoped3A = tpu.sem_alloc : memref<!tpu.dma_semaphore, #tpu.memory_space<semaphore_mem>>
      %dma_start3A_360 = arith.constant 0 : i32
      %dma_start3A_361 = tpu.memref_slice %arg15[%add3A_110, %dma_start3A_360] : memref<10008x128xf32, #tpu.memory_space<vmem_shared>> -> memref<25x128xf32, #tpu.memory_space<vmem_shared>>
      %dma_start3A_362 = arith.constant 0 : i32
      %dma_start3A_363 = tpu.memref_slice %arg15[%add3A_110, %dma_start3A_362] : memref<10008x128xf32, #tpu.memory_space<vmem_shared>> -> memref<25x128xf32, #tpu.memory_space<vmem_shared>>
      tpu.enqueue_dma source(%arg12 : memref<25x128xf32, #tpu.memory_space<vmem>>) target(%dma_start3A_363 : memref<25x128xf32, #tpu.memory_space<vmem_shared>>) target_semaphore(%run_scoped3A : memref<!tpu.dma_semaphore, #tpu.memory_space<semaphore_mem>>)
      %dma_wait3A = arith.constant 0 : i32
      %dma_wait3A_364 = tpu.memref_slice %arg15[%add3A_110, %dma_wait3A] : memref<10008x128xf32, #tpu.memory_space<vmem_shared>> -> memref<25x128xf32, #tpu.memory_space<vmem_shared>>
      %dma_wait3A_365 = arith.constant 0 : i32
      %dma_wait3A_366 = tpu.memref_slice %arg15[%add3A_110, %dma_wait3A_365] : memref<10008x128xf32, #tpu.memory_space<vmem_shared>> -> memref<25x128xf32, #tpu.memory_space<vmem_shared>>
      tpu.wait_dma2 semaphore(%run_scoped3A : memref<!tpu.dma_semaphore, #tpu.memory_space<semaphore_mem>>) src(%arg12 : memref<25x128xf32, #tpu.memory_space<vmem>>) dst(%dma_wait3A_366 : memref<25x128xf32, #tpu.memory_space<vmem_shared>>)
      tpu.yield
    }) : () -> ()
    %mul3A_111 = arith.constant 625 : i32
    %mul3A_112 = arith.muli %arg1, %mul3A_111 : i32
    %add3A_113 = arith.constant 325 : i32
    %add3A_114 = arith.addi %mul3A_112, %add3A_113 : i32
    "tpu.region"() ({
      %run_scoped3A = tpu.sem_alloc : memref<!tpu.dma_semaphore, #tpu.memory_space<semaphore_mem>>
      %dma_start3A_360 = arith.constant 0 : i32
      %dma_start3A_361 = tpu.memref_slice %arg15[%add3A_114, %dma_start3A_360] : memref<10008x128xf32, #tpu.memory_space<vmem_shared>> -> memref<25x128xf32, #tpu.memory_space<vmem_shared>>
      %dma_start3A_362 = arith.constant 0 : i32
      %dma_start3A_363 = tpu.memref_slice %arg15[%add3A_114, %dma_start3A_362] : memref<10008x128xf32, #tpu.memory_space<vmem_shared>> -> memref<25x128xf32, #tpu.memory_space<vmem_shared>>
      tpu.enqueue_dma source(%arg12 : memref<25x128xf32, #tpu.memory_space<vmem>>) target(%dma_start3A_363 : memref<25x128xf32, #tpu.memory_space<vmem_shared>>) target_semaphore(%run_scoped3A : memref<!tpu.dma_semaphore, #tpu.memory_space<semaphore_mem>>)
      %dma_wait3A = arith.constant 0 : i32
      %dma_wait3A_364 = tpu.memref_slice %arg15[%add3A_114, %dma_wait3A] : memref<10008x128xf32, #tpu.memory_space<vmem_shared>> -> memref<25x128xf32, #tpu.memory_space<vmem_shared>>
      %dma_wait3A_365 = arith.constant 0 : i32
      %dma_wait3A_366 = tpu.memref_slice %arg15[%add3A_114, %dma_wait3A_365] : memref<10008x128xf32, #tpu.memory_space<vmem_shared>> -> memref<25x128xf32, #tpu.memory_space<vmem_shared>>
      tpu.wait_dma2 semaphore(%run_scoped3A : memref<!tpu.dma_semaphore, #tpu.memory_space<semaphore_mem>>) src(%arg12 : memref<25x128xf32, #tpu.memory_space<vmem>>) dst(%dma_wait3A_366 : memref<25x128xf32, #tpu.memory_space<vmem_shared>>)
      tpu.yield
    }) : () -> ()
    %mul3A_115 = arith.constant 625 : i32
    %mul3A_116 = arith.muli %arg1, %mul3A_115 : i32
    %add3A_117 = arith.constant 350 : i32
    %add3A_118 = arith.addi %mul3A_116, %add3A_117 : i32
    "tpu.region"() ({
      %run_scoped3A = tpu.sem_alloc : memref<!tpu.dma_semaphore, #tpu.memory_space<semaphore_mem>>
      %dma_start3A_360 = arith.constant 0 : i32
      %dma_start3A_361 = tpu.memref_slice %arg15[%add3A_118, %dma_start3A_360] : memref<10008x128xf32, #tpu.memory_space<vmem_shared>> -> memref<25x128xf32, #tpu.memory_space<vmem_shared>>
      %dma_start3A_362 = arith.constant 0 : i32
      %dma_start3A_363 = tpu.memref_slice %arg15[%add3A_118, %dma_start3A_362] : memref<10008x128xf32, #tpu.memory_space<vmem_shared>> -> memref<25x128xf32, #tpu.memory_space<vmem_shared>>
      tpu.enqueue_dma source(%arg12 : memref<25x128xf32, #tpu.memory_space<vmem>>) target(%dma_start3A_363 : memref<25x128xf32, #tpu.memory_space<vmem_shared>>) target_semaphore(%run_scoped3A : memref<!tpu.dma_semaphore, #tpu.memory_space<semaphore_mem>>)
      %dma_wait3A = arith.constant 0 : i32
      %dma_wait3A_364 = tpu.memref_slice %arg15[%add3A_118, %dma_wait3A] : memref<10008x128xf32, #tpu.memory_space<vmem_shared>> -> memref<25x128xf32, #tpu.memory_space<vmem_shared>>
      %dma_wait3A_365 = arith.constant 0 : i32
      %dma_wait3A_366 = tpu.memref_slice %arg15[%add3A_118, %dma_wait3A_365] : memref<10008x128xf32, #tpu.memory_space<vmem_shared>> -> memref<25x128xf32, #tpu.memory_space<vmem_shared>>
      tpu.wait_dma2 semaphore(%run_scoped3A : memref<!tpu.dma_semaphore, #tpu.memory_space<semaphore_mem>>) src(%arg12 : memref<25x128xf32, #tpu.memory_space<vmem>>) dst(%dma_wait3A_366 : memref<25x128xf32, #tpu.memory_space<vmem_shared>>)
      tpu.yield
    }) : () -> ()
    %mul3A_119 = arith.constant 625 : i32
    %mul3A_120 = arith.muli %arg1, %mul3A_119 : i32
    %add3A_121 = arith.constant 375 : i32
    %add3A_122 = arith.addi %mul3A_120, %add3A_121 : i32
    "tpu.region"() ({
      %run_scoped3A = tpu.sem_alloc : memref<!tpu.dma_semaphore, #tpu.memory_space<semaphore_mem>>
      %dma_start3A_360 = arith.constant 0 : i32
      %dma_start3A_361 = tpu.memref_slice %arg15[%add3A_122, %dma_start3A_360] : memref<10008x128xf32, #tpu.memory_space<vmem_shared>> -> memref<25x128xf32, #tpu.memory_space<vmem_shared>>
      %dma_start3A_362 = arith.constant 0 : i32
      %dma_start3A_363 = tpu.memref_slice %arg15[%add3A_122, %dma_start3A_362] : memref<10008x128xf32, #tpu.memory_space<vmem_shared>> -> memref<25x128xf32, #tpu.memory_space<vmem_shared>>
      tpu.enqueue_dma source(%arg12 : memref<25x128xf32, #tpu.memory_space<vmem>>) target(%dma_start3A_363 : memref<25x128xf32, #tpu.memory_space<vmem_shared>>) target_semaphore(%run_scoped3A : memref<!tpu.dma_semaphore, #tpu.memory_space<semaphore_mem>>)
      %dma_wait3A = arith.constant 0 : i32
      %dma_wait3A_364 = tpu.memref_slice %arg15[%add3A_122, %dma_wait3A] : memref<10008x128xf32, #tpu.memory_space<vmem_shared>> -> memref<25x128xf32, #tpu.memory_space<vmem_shared>>
      %dma_wait3A_365 = arith.constant 0 : i32
      %dma_wait3A_366 = tpu.memref_slice %arg15[%add3A_122, %dma_wait3A_365] : memref<10008x128xf32, #tpu.memory_space<vmem_shared>> -> memref<25x128xf32, #tpu.memory_space<vmem_shared>>
      tpu.wait_dma2 semaphore(%run_scoped3A : memref<!tpu.dma_semaphore, #tpu.memory_space<semaphore_mem>>) src(%arg12 : memref<25x128xf32, #tpu.memory_space<vmem>>) dst(%dma_wait3A_366 : memref<25x128xf32, #tpu.memory_space<vmem_shared>>)
      tpu.yield
    }) : () -> ()
    %mul3A_123 = arith.constant 625 : i32
    %mul3A_124 = arith.muli %arg1, %mul3A_123 : i32
    %add3A_125 = arith.constant 400 : i32
    %add3A_126 = arith.addi %mul3A_124, %add3A_125 : i32
    "tpu.region"() ({
      %run_scoped3A = tpu.sem_alloc : memref<!tpu.dma_semaphore, #tpu.memory_space<semaphore_mem>>
      %dma_start3A_360 = arith.constant 0 : i32
      %dma_start3A_361 = tpu.memref_slice %arg15[%add3A_126, %dma_start3A_360] : memref<10008x128xf32, #tpu.memory_space<vmem_shared>> -> memref<25x128xf32, #tpu.memory_space<vmem_shared>>
      %dma_start3A_362 = arith.constant 0 : i32
      %dma_start3A_363 = tpu.memref_slice %arg15[%add3A_126, %dma_start3A_362] : memref<10008x128xf32, #tpu.memory_space<vmem_shared>> -> memref<25x128xf32, #tpu.memory_space<vmem_shared>>
      tpu.enqueue_dma source(%arg12 : memref<25x128xf32, #tpu.memory_space<vmem>>) target(%dma_start3A_363 : memref<25x128xf32, #tpu.memory_space<vmem_shared>>) target_semaphore(%run_scoped3A : memref<!tpu.dma_semaphore, #tpu.memory_space<semaphore_mem>>)
      %dma_wait3A = arith.constant 0 : i32
      %dma_wait3A_364 = tpu.memref_slice %arg15[%add3A_126, %dma_wait3A] : memref<10008x128xf32, #tpu.memory_space<vmem_shared>> -> memref<25x128xf32, #tpu.memory_space<vmem_shared>>
      %dma_wait3A_365 = arith.constant 0 : i32
      %dma_wait3A_366 = tpu.memref_slice %arg15[%add3A_126, %dma_wait3A_365] : memref<10008x128xf32, #tpu.memory_space<vmem_shared>> -> memref<25x128xf32, #tpu.memory_space<vmem_shared>>
      tpu.wait_dma2 semaphore(%run_scoped3A : memref<!tpu.dma_semaphore, #tpu.memory_space<semaphore_mem>>) src(%arg12 : memref<25x128xf32, #tpu.memory_space<vmem>>) dst(%dma_wait3A_366 : memref<25x128xf32, #tpu.memory_space<vmem_shared>>)
      tpu.yield
    }) : () -> ()
    %mul3A_127 = arith.constant 625 : i32
    %mul3A_128 = arith.muli %arg1, %mul3A_127 : i32
    %add3A_129 = arith.constant 425 : i32
    %add3A_130 = arith.addi %mul3A_128, %add3A_129 : i32
    "tpu.region"() ({
      %run_scoped3A = tpu.sem_alloc : memref<!tpu.dma_semaphore, #tpu.memory_space<semaphore_mem>>
      %dma_start3A_360 = arith.constant 0 : i32
      %dma_start3A_361 = tpu.memref_slice %arg15[%add3A_130, %dma_start3A_360] : memref<10008x128xf32, #tpu.memory_space<vmem_shared>> -> memref<25x128xf32, #tpu.memory_space<vmem_shared>>
      %dma_start3A_362 = arith.constant 0 : i32
      %dma_start3A_363 = tpu.memref_slice %arg15[%add3A_130, %dma_start3A_362] : memref<10008x128xf32, #tpu.memory_space<vmem_shared>> -> memref<25x128xf32, #tpu.memory_space<vmem_shared>>
      tpu.enqueue_dma source(%arg12 : memref<25x128xf32, #tpu.memory_space<vmem>>) target(%dma_start3A_363 : memref<25x128xf32, #tpu.memory_space<vmem_shared>>) target_semaphore(%run_scoped3A : memref<!tpu.dma_semaphore, #tpu.memory_space<semaphore_mem>>)
      %dma_wait3A = arith.constant 0 : i32
      %dma_wait3A_364 = tpu.memref_slice %arg15[%add3A_130, %dma_wait3A] : memref<10008x128xf32, #tpu.memory_space<vmem_shared>> -> memref<25x128xf32, #tpu.memory_space<vmem_shared>>
      %dma_wait3A_365 = arith.constant 0 : i32
      %dma_wait3A_366 = tpu.memref_slice %arg15[%add3A_130, %dma_wait3A_365] : memref<10008x128xf32, #tpu.memory_space<vmem_shared>> -> memref<25x128xf32, #tpu.memory_space<vmem_shared>>
      tpu.wait_dma2 semaphore(%run_scoped3A : memref<!tpu.dma_semaphore, #tpu.memory_space<semaphore_mem>>) src(%arg12 : memref<25x128xf32, #tpu.memory_space<vmem>>) dst(%dma_wait3A_366 : memref<25x128xf32, #tpu.memory_space<vmem_shared>>)
      tpu.yield
    }) : () -> ()
    %mul3A_131 = arith.constant 625 : i32
    %mul3A_132 = arith.muli %arg1, %mul3A_131 : i32
    %add3A_133 = arith.constant 450 : i32
    %add3A_134 = arith.addi %mul3A_132, %add3A_133 : i32
    "tpu.region"() ({
      %run_scoped3A = tpu.sem_alloc : memref<!tpu.dma_semaphore, #tpu.memory_space<semaphore_mem>>
      %dma_start3A_360 = arith.constant 0 : i32
      %dma_start3A_361 = tpu.memref_slice %arg15[%add3A_134, %dma_start3A_360] : memref<10008x128xf32, #tpu.memory_space<vmem_shared>> -> memref<25x128xf32, #tpu.memory_space<vmem_shared>>
      %dma_start3A_362 = arith.constant 0 : i32
      %dma_start3A_363 = tpu.memref_slice %arg15[%add3A_134, %dma_start3A_362] : memref<10008x128xf32, #tpu.memory_space<vmem_shared>> -> memref<25x128xf32, #tpu.memory_space<vmem_shared>>
      tpu.enqueue_dma source(%arg12 : memref<25x128xf32, #tpu.memory_space<vmem>>) target(%dma_start3A_363 : memref<25x128xf32, #tpu.memory_space<vmem_shared>>) target_semaphore(%run_scoped3A : memref<!tpu.dma_semaphore, #tpu.memory_space<semaphore_mem>>)
      %dma_wait3A = arith.constant 0 : i32
      %dma_wait3A_364 = tpu.memref_slice %arg15[%add3A_134, %dma_wait3A] : memref<10008x128xf32, #tpu.memory_space<vmem_shared>> -> memref<25x128xf32, #tpu.memory_space<vmem_shared>>
      %dma_wait3A_365 = arith.constant 0 : i32
      %dma_wait3A_366 = tpu.memref_slice %arg15[%add3A_134, %dma_wait3A_365] : memref<10008x128xf32, #tpu.memory_space<vmem_shared>> -> memref<25x128xf32, #tpu.memory_space<vmem_shared>>
      tpu.wait_dma2 semaphore(%run_scoped3A : memref<!tpu.dma_semaphore, #tpu.memory_space<semaphore_mem>>) src(%arg12 : memref<25x128xf32, #tpu.memory_space<vmem>>) dst(%dma_wait3A_366 : memref<25x128xf32, #tpu.memory_space<vmem_shared>>)
      tpu.yield
    }) : () -> ()
    %mul3A_135 = arith.constant 625 : i32
    %mul3A_136 = arith.muli %arg1, %mul3A_135 : i32
    %add3A_137 = arith.constant 475 : i32
    %add3A_138 = arith.addi %mul3A_136, %add3A_137 : i32
    "tpu.region"() ({
      %run_scoped3A = tpu.sem_alloc : memref<!tpu.dma_semaphore, #tpu.memory_space<semaphore_mem>>
      %dma_start3A_360 = arith.constant 0 : i32
      %dma_start3A_361 = tpu.memref_slice %arg15[%add3A_138, %dma_start3A_360] : memref<10008x128xf32, #tpu.memory_space<vmem_shared>> -> memref<25x128xf32, #tpu.memory_space<vmem_shared>>
      %dma_start3A_362 = arith.constant 0 : i32
      %dma_start3A_363 = tpu.memref_slice %arg15[%add3A_138, %dma_start3A_362] : memref<10008x128xf32, #tpu.memory_space<vmem_shared>> -> memref<25x128xf32, #tpu.memory_space<vmem_shared>>
      tpu.enqueue_dma source(%arg12 : memref<25x128xf32, #tpu.memory_space<vmem>>) target(%dma_start3A_363 : memref<25x128xf32, #tpu.memory_space<vmem_shared>>) target_semaphore(%run_scoped3A : memref<!tpu.dma_semaphore, #tpu.memory_space<semaphore_mem>>)
      %dma_wait3A = arith.constant 0 : i32
      %dma_wait3A_364 = tpu.memref_slice %arg15[%add3A_138, %dma_wait3A] : memref<10008x128xf32, #tpu.memory_space<vmem_shared>> -> memref<25x128xf32, #tpu.memory_space<vmem_shared>>
      %dma_wait3A_365 = arith.constant 0 : i32
      %dma_wait3A_366 = tpu.memref_slice %arg15[%add3A_138, %dma_wait3A_365] : memref<10008x128xf32, #tpu.memory_space<vmem_shared>> -> memref<25x128xf32, #tpu.memory_space<vmem_shared>>
      tpu.wait_dma2 semaphore(%run_scoped3A : memref<!tpu.dma_semaphore, #tpu.memory_space<semaphore_mem>>) src(%arg12 : memref<25x128xf32, #tpu.memory_space<vmem>>) dst(%dma_wait3A_366 : memref<25x128xf32, #tpu.memory_space<vmem_shared>>)
      tpu.yield
    }) : () -> ()
    %mul3A_139 = arith.constant 625 : i32
    %mul3A_140 = arith.muli %arg1, %mul3A_139 : i32
    %add3A_141 = arith.constant 500 : i32
    %add3A_142 = arith.addi %mul3A_140, %add3A_141 : i32
    "tpu.region"() ({
      %run_scoped3A = tpu.sem_alloc : memref<!tpu.dma_semaphore, #tpu.memory_space<semaphore_mem>>
      %dma_start3A_360 = arith.constant 0 : i32
      %dma_start3A_361 = tpu.memref_slice %arg15[%add3A_142, %dma_start3A_360] : memref<10008x128xf32, #tpu.memory_space<vmem_shared>> -> memref<25x128xf32, #tpu.memory_space<vmem_shared>>
      %dma_start3A_362 = arith.constant 0 : i32
      %dma_start3A_363 = tpu.memref_slice %arg15[%add3A_142, %dma_start3A_362] : memref<10008x128xf32, #tpu.memory_space<vmem_shared>> -> memref<25x128xf32, #tpu.memory_space<vmem_shared>>
      tpu.enqueue_dma source(%arg12 : memref<25x128xf32, #tpu.memory_space<vmem>>) target(%dma_start3A_363 : memref<25x128xf32, #tpu.memory_space<vmem_shared>>) target_semaphore(%run_scoped3A : memref<!tpu.dma_semaphore, #tpu.memory_space<semaphore_mem>>)
      %dma_wait3A = arith.constant 0 : i32
      %dma_wait3A_364 = tpu.memref_slice %arg15[%add3A_142, %dma_wait3A] : memref<10008x128xf32, #tpu.memory_space<vmem_shared>> -> memref<25x128xf32, #tpu.memory_space<vmem_shared>>
      %dma_wait3A_365 = arith.constant 0 : i32
      %dma_wait3A_366 = tpu.memref_slice %arg15[%add3A_142, %dma_wait3A_365] : memref<10008x128xf32, #tpu.memory_space<vmem_shared>> -> memref<25x128xf32, #tpu.memory_space<vmem_shared>>
      tpu.wait_dma2 semaphore(%run_scoped3A : memref<!tpu.dma_semaphore, #tpu.memory_space<semaphore_mem>>) src(%arg12 : memref<25x128xf32, #tpu.memory_space<vmem>>) dst(%dma_wait3A_366 : memref<25x128xf32, #tpu.memory_space<vmem_shared>>)
      tpu.yield
    }) : () -> ()
    %mul3A_143 = arith.constant 625 : i32
    %mul3A_144 = arith.muli %arg1, %mul3A_143 : i32
    %add3A_145 = arith.constant 525 : i32
    %add3A_146 = arith.addi %mul3A_144, %add3A_145 : i32
    "tpu.region"() ({
      %run_scoped3A = tpu.sem_alloc : memref<!tpu.dma_semaphore, #tpu.memory_space<semaphore_mem>>
      %dma_start3A_360 = arith.constant 0 : i32
      %dma_start3A_361 = tpu.memref_slice %arg15[%add3A_146, %dma_start3A_360] : memref<10008x128xf32, #tpu.memory_space<vmem_shared>> -> memref<25x128xf32, #tpu.memory_space<vmem_shared>>
      %dma_start3A_362 = arith.constant 0 : i32
      %dma_start3A_363 = tpu.memref_slice %arg15[%add3A_146, %dma_start3A_362] : memref<10008x128xf32, #tpu.memory_space<vmem_shared>> -> memref<25x128xf32, #tpu.memory_space<vmem_shared>>
      tpu.enqueue_dma source(%arg12 : memref<25x128xf32, #tpu.memory_space<vmem>>) target(%dma_start3A_363 : memref<25x128xf32, #tpu.memory_space<vmem_shared>>) target_semaphore(%run_scoped3A : memref<!tpu.dma_semaphore, #tpu.memory_space<semaphore_mem>>)
      %dma_wait3A = arith.constant 0 : i32
      %dma_wait3A_364 = tpu.memref_slice %arg15[%add3A_146, %dma_wait3A] : memref<10008x128xf32, #tpu.memory_space<vmem_shared>> -> memref<25x128xf32, #tpu.memory_space<vmem_shared>>
      %dma_wait3A_365 = arith.constant 0 : i32
      %dma_wait3A_366 = tpu.memref_slice %arg15[%add3A_146, %dma_wait3A_365] : memref<10008x128xf32, #tpu.memory_space<vmem_shared>> -> memref<25x128xf32, #tpu.memory_space<vmem_shared>>
      tpu.wait_dma2 semaphore(%run_scoped3A : memref<!tpu.dma_semaphore, #tpu.memory_space<semaphore_mem>>) src(%arg12 : memref<25x128xf32, #tpu.memory_space<vmem>>) dst(%dma_wait3A_366 : memref<25x128xf32, #tpu.memory_space<vmem_shared>>)
      tpu.yield
    }) : () -> ()
    %mul3A_147 = arith.constant 625 : i32
    %mul3A_148 = arith.muli %arg1, %mul3A_147 : i32
    %add3A_149 = arith.constant 550 : i32
    %add3A_150 = arith.addi %mul3A_148, %add3A_149 : i32
    "tpu.region"() ({
      %run_scoped3A = tpu.sem_alloc : memref<!tpu.dma_semaphore, #tpu.memory_space<semaphore_mem>>
      %dma_start3A_360 = arith.constant 0 : i32
      %dma_start3A_361 = tpu.memref_slice %arg15[%add3A_150, %dma_start3A_360] : memref<10008x128xf32, #tpu.memory_space<vmem_shared>> -> memref<25x128xf32, #tpu.memory_space<vmem_shared>>
      %dma_start3A_362 = arith.constant 0 : i32
      %dma_start3A_363 = tpu.memref_slice %arg15[%add3A_150, %dma_start3A_362] : memref<10008x128xf32, #tpu.memory_space<vmem_shared>> -> memref<25x128xf32, #tpu.memory_space<vmem_shared>>
      tpu.enqueue_dma source(%arg12 : memref<25x128xf32, #tpu.memory_space<vmem>>) target(%dma_start3A_363 : memref<25x128xf32, #tpu.memory_space<vmem_shared>>) target_semaphore(%run_scoped3A : memref<!tpu.dma_semaphore, #tpu.memory_space<semaphore_mem>>)
      %dma_wait3A = arith.constant 0 : i32
      %dma_wait3A_364 = tpu.memref_slice %arg15[%add3A_150, %dma_wait3A] : memref<10008x128xf32, #tpu.memory_space<vmem_shared>> -> memref<25x128xf32, #tpu.memory_space<vmem_shared>>
      %dma_wait3A_365 = arith.constant 0 : i32
      %dma_wait3A_366 = tpu.memref_slice %arg15[%add3A_150, %dma_wait3A_365] : memref<10008x128xf32, #tpu.memory_space<vmem_shared>> -> memref<25x128xf32, #tpu.memory_space<vmem_shared>>
      tpu.wait_dma2 semaphore(%run_scoped3A : memref<!tpu.dma_semaphore, #tpu.memory_space<semaphore_mem>>) src(%arg12 : memref<25x128xf32, #tpu.memory_space<vmem>>) dst(%dma_wait3A_366 : memref<25x128xf32, #tpu.memory_space<vmem_shared>>)
      tpu.yield
    }) : () -> ()
    %mul3A_151 = arith.constant 625 : i32
    %mul3A_152 = arith.muli %arg1, %mul3A_151 : i32
    %add3A_153 = arith.constant 575 : i32
    %add3A_154 = arith.addi %mul3A_152, %add3A_153 : i32
    "tpu.region"() ({
      %run_scoped3A = tpu.sem_alloc : memref<!tpu.dma_semaphore, #tpu.memory_space<semaphore_mem>>
      %dma_start3A_360 = arith.constant 0 : i32
      %dma_start3A_361 = tpu.memref_slice %arg15[%add3A_154, %dma_start3A_360] : memref<10008x128xf32, #tpu.memory_space<vmem_shared>> -> memref<25x128xf32, #tpu.memory_space<vmem_shared>>
      %dma_start3A_362 = arith.constant 0 : i32
      %dma_start3A_363 = tpu.memref_slice %arg15[%add3A_154, %dma_start3A_362] : memref<10008x128xf32, #tpu.memory_space<vmem_shared>> -> memref<25x128xf32, #tpu.memory_space<vmem_shared>>
      tpu.enqueue_dma source(%arg12 : memref<25x128xf32, #tpu.memory_space<vmem>>) target(%dma_start3A_363 : memref<25x128xf32, #tpu.memory_space<vmem_shared>>) target_semaphore(%run_scoped3A : memref<!tpu.dma_semaphore, #tpu.memory_space<semaphore_mem>>)
      %dma_wait3A = arith.constant 0 : i32
      %dma_wait3A_364 = tpu.memref_slice %arg15[%add3A_154, %dma_wait3A] : memref<10008x128xf32, #tpu.memory_space<vmem_shared>> -> memref<25x128xf32, #tpu.memory_space<vmem_shared>>
      %dma_wait3A_365 = arith.constant 0 : i32
      %dma_wait3A_366 = tpu.memref_slice %arg15[%add3A_154, %dma_wait3A_365] : memref<10008x128xf32, #tpu.memory_space<vmem_shared>> -> memref<25x128xf32, #tpu.memory_space<vmem_shared>>
      tpu.wait_dma2 semaphore(%run_scoped3A : memref<!tpu.dma_semaphore, #tpu.memory_space<semaphore_mem>>) src(%arg12 : memref<25x128xf32, #tpu.memory_space<vmem>>) dst(%dma_wait3A_366 : memref<25x128xf32, #tpu.memory_space<vmem_shared>>)
      tpu.yield
    }) : () -> ()
    %mul3A_155 = arith.constant 625 : i32
    %mul3A_156 = arith.muli %arg1, %mul3A_155 : i32
    %add3A_157 = arith.constant 600 : i32
    %add3A_158 = arith.addi %mul3A_156, %add3A_157 : i32
    "tpu.region"() ({
      %run_scoped3A = tpu.sem_alloc : memref<!tpu.dma_semaphore, #tpu.memory_space<semaphore_mem>>
      %dma_start3A_360 = arith.constant 0 : i32
      %dma_start3A_361 = tpu.memref_slice %arg15[%add3A_158, %dma_start3A_360] : memref<10008x128xf32, #tpu.memory_space<vmem_shared>> -> memref<25x128xf32, #tpu.memory_space<vmem_shared>>
      %dma_start3A_362 = arith.constant 0 : i32
      %dma_start3A_363 = tpu.memref_slice %arg15[%add3A_158, %dma_start3A_362] : memref<10008x128xf32, #tpu.memory_space<vmem_shared>> -> memref<25x128xf32, #tpu.memory_space<vmem_shared>>
      tpu.enqueue_dma source(%arg12 : memref<25x128xf32, #tpu.memory_space<vmem>>) target(%dma_start3A_363 : memref<25x128xf32, #tpu.memory_space<vmem_shared>>) target_semaphore(%run_scoped3A : memref<!tpu.dma_semaphore, #tpu.memory_space<semaphore_mem>>)
      %dma_wait3A = arith.constant 0 : i32
      %dma_wait3A_364 = tpu.memref_slice %arg15[%add3A_158, %dma_wait3A] : memref<10008x128xf32, #tpu.memory_space<vmem_shared>> -> memref<25x128xf32, #tpu.memory_space<vmem_shared>>
      %dma_wait3A_365 = arith.constant 0 : i32
      %dma_wait3A_366 = tpu.memref_slice %arg15[%add3A_158, %dma_wait3A_365] : memref<10008x128xf32, #tpu.memory_space<vmem_shared>> -> memref<25x128xf32, #tpu.memory_space<vmem_shared>>
      tpu.wait_dma2 semaphore(%run_scoped3A : memref<!tpu.dma_semaphore, #tpu.memory_space<semaphore_mem>>) src(%arg12 : memref<25x128xf32, #tpu.memory_space<vmem>>) dst(%dma_wait3A_366 : memref<25x128xf32, #tpu.memory_space<vmem_shared>>)
      tpu.yield
    }) : () -> ()
    %mul3A_159 = arith.constant 632 : i32
    %mul3A_160 = arith.muli %arg1, %mul3A_159 : i32
    %lt3A = arith.constant 15 : i32
    %lt3A_161 = arith.cmpi slt, %arg1, %lt3A : i32
    %convert_element_type3A = arith.extui %lt3A_161 : i1 to i32
    %cond3A = arith.constant 0 : i32
    %cond3A_162 = arith.cmpi ne, %convert_element_type3A, %cond3A : i32
    scf.if %cond3A_162 {
      "tpu.region"() ({
        %run_scoped3A = tpu.sem_alloc : memref<!tpu.dma_semaphore, #tpu.memory_space<semaphore_mem>>
        %dma_start3A_360 = tpu.memref_slice %arg16[%mul3A_160] : memref<10008xf32, #tpu.memory_space<vmem_shared>> -> memref<632xf32, #tpu.memory_space<vmem_shared>>
        %dma_start3A_361 = tpu.memref_slice %arg16[%mul3A_160] : memref<10008xf32, #tpu.memory_space<vmem_shared>> -> memref<632xf32, #tpu.memory_space<vmem_shared>>
        tpu.enqueue_dma source(%arg13 : memref<632xf32, #tpu.memory_space<vmem>>) target(%dma_start3A_361 : memref<632xf32, #tpu.memory_space<vmem_shared>>) target_semaphore(%run_scoped3A : memref<!tpu.dma_semaphore, #tpu.memory_space<semaphore_mem>>)
        %dma_wait3A = tpu.memref_slice %arg16[%mul3A_160] : memref<10008xf32, #tpu.memory_space<vmem_shared>> -> memref<632xf32, #tpu.memory_space<vmem_shared>>
        %dma_wait3A_362 = tpu.memref_slice %arg16[%mul3A_160] : memref<10008xf32, #tpu.memory_space<vmem_shared>> -> memref<632xf32, #tpu.memory_space<vmem_shared>>
        tpu.wait_dma2 semaphore(%run_scoped3A : memref<!tpu.dma_semaphore, #tpu.memory_space<semaphore_mem>>) src(%arg13 : memref<632xf32, #tpu.memory_space<vmem>>) dst(%dma_wait3A_362 : memref<632xf32, #tpu.memory_space<vmem_shared>>)
        tpu.yield
      }) : () -> ()
    } else {
    }
    %eq3A = arith.constant 15 : i32
    %eq3A_163 = arith.cmpi eq, %arg1, %eq3A : i32
    %convert_element_type3A_164 = arith.extui %eq3A_163 : i1 to i32
    %cond3A_165 = arith.constant 0 : i32
    %cond3A_166 = arith.cmpi ne, %convert_element_type3A_164, %cond3A_165 : i32
    scf.if %cond3A_166 {
      "tpu.region"() ({
        %run_scoped3A = tpu.sem_alloc : memref<!tpu.dma_semaphore, #tpu.memory_space<semaphore_mem>>
        %dma_start3A_360 = arith.constant 0 : i32
        %dma_start3A_361 = tpu.memref_slice %arg13[%dma_start3A_360] : memref<632xf32, #tpu.memory_space<vmem>> -> memref<520xf32, #tpu.memory_space<vmem>>
        %dma_start3A_362 = arith.constant 9480 : i32
        %dma_start3A_363 = tpu.memref_slice %arg16[%dma_start3A_362] : memref<10008xf32, #tpu.memory_space<vmem_shared>> -> memref<520xf32, #tpu.memory_space<vmem_shared>>
        %dma_start3A_364 = arith.constant 9480 : i32
        %dma_start3A_365 = tpu.memref_slice %arg16[%dma_start3A_364] : memref<10008xf32, #tpu.memory_space<vmem_shared>> -> memref<520xf32, #tpu.memory_space<vmem_shared>>
        %dma_start3A_366 = arith.constant 0 : i32
        %dma_start3A_367 = tpu.memref_slice %arg13[%dma_start3A_366] : memref<632xf32, #tpu.memory_space<vmem>> -> memref<520xf32, #tpu.memory_space<vmem>>
        tpu.enqueue_dma source(%dma_start3A_367 : memref<520xf32, #tpu.memory_space<vmem>>) target(%dma_start3A_365 : memref<520xf32, #tpu.memory_space<vmem_shared>>) target_semaphore(%run_scoped3A : memref<!tpu.dma_semaphore, #tpu.memory_space<semaphore_mem>>)
        %dma_wait3A = arith.constant 0 : i32
        %dma_wait3A_368 = tpu.memref_slice %arg13[%dma_wait3A] : memref<632xf32, #tpu.memory_space<vmem>> -> memref<520xf32, #tpu.memory_space<vmem>>
        %dma_wait3A_369 = arith.constant 9480 : i32
        %dma_wait3A_370 = tpu.memref_slice %arg16[%dma_wait3A_369] : memref<10008xf32, #tpu.memory_space<vmem_shared>> -> memref<520xf32, #tpu.memory_space<vmem_shared>>
        %dma_wait3A_371 = arith.constant 9480 : i32
        %dma_wait3A_372 = tpu.memref_slice %arg16[%dma_wait3A_371] : memref<10008xf32, #tpu.memory_space<vmem_shared>> -> memref<520xf32, #tpu.memory_space<vmem_shared>>
        %dma_wait3A_373 = arith.constant 0 : i32
        %dma_wait3A_374 = tpu.memref_slice %arg13[%dma_wait3A_373] : memref<632xf32, #tpu.memory_space<vmem>> -> memref<520xf32, #tpu.memory_space<vmem>>
        tpu.wait_dma2 semaphore(%run_scoped3A : memref<!tpu.dma_semaphore, #tpu.memory_space<semaphore_mem>>) src(%dma_wait3A_374 : memref<520xf32, #tpu.memory_space<vmem>>) dst(%dma_wait3A_372 : memref<520xf32, #tpu.memory_space<vmem_shared>>)
        tpu.yield
      }) : () -> ()
    } else {
    }
    %barrier3A = arith.constant 0 : index
    tpu.barrier barrier_id(%barrier3A)
    "tpu.region"() ({
      %run_scoped3A = tpu.sem_alloc : memref<!tpu.dma_semaphore, #tpu.memory_space<semaphore_mem>>
      %dma_start3A_360 = arith.constant 0 : i32
      %dma_start3A_361 = arith.constant 0 : i32
      %dma_start3A_362 = tpu.memref_slice %arg3[%add3A_59, %arg1, %dma_start3A_360, %dma_start3A_361] : memref<4x16x40x128xi32, #tpu.memory_space<hbm>> -> memref<1x1x40x128xi32, #tpu.memory_space<hbm>>
      %dma_start3A_363 = tpu.memref_squeeze %dma_start3A_362 : memref<1x1x40x128xi32, #tpu.memory_space<hbm>> -> memref<40x128xi32, #tpu.memory_space<hbm>>
      %dma_start3A_364 = arith.constant 0 : i32
      %dma_start3A_365 = arith.constant 0 : i32
      %dma_start3A_366 = tpu.memref_slice %arg3[%add3A_59, %arg1, %dma_start3A_364, %dma_start3A_365] : memref<4x16x40x128xi32, #tpu.memory_space<hbm>> -> memref<1x1x40x128xi32, #tpu.memory_space<hbm>>
      %dma_start3A_367 = tpu.memref_squeeze %dma_start3A_366 : memref<1x1x40x128xi32, #tpu.memory_space<hbm>> -> memref<40x128xi32, #tpu.memory_space<hbm>>
      tpu.enqueue_dma source(%dma_start3A_367 : memref<40x128xi32, #tpu.memory_space<hbm>>) target(%arg7 : memref<40x128xi32, #tpu.memory_space<vmem>>) target_semaphore(%run_scoped3A : memref<!tpu.dma_semaphore, #tpu.memory_space<semaphore_mem>>)
      %dma_wait3A = arith.constant 0 : i32
      %dma_wait3A_368 = arith.constant 0 : i32
      %dma_wait3A_369 = tpu.memref_slice %arg3[%add3A_59, %arg1, %dma_wait3A, %dma_wait3A_368] : memref<4x16x40x128xi32, #tpu.memory_space<hbm>> -> memref<1x1x40x128xi32, #tpu.memory_space<hbm>>
      %dma_wait3A_370 = tpu.memref_squeeze %dma_wait3A_369 : memref<1x1x40x128xi32, #tpu.memory_space<hbm>> -> memref<40x128xi32, #tpu.memory_space<hbm>>
      %dma_wait3A_371 = arith.constant 0 : i32
      %dma_wait3A_372 = arith.constant 0 : i32
      %dma_wait3A_373 = tpu.memref_slice %arg3[%add3A_59, %arg1, %dma_wait3A_371, %dma_wait3A_372] : memref<4x16x40x128xi32, #tpu.memory_space<hbm>> -> memref<1x1x40x128xi32, #tpu.memory_space<hbm>>
      %dma_wait3A_374 = tpu.memref_squeeze %dma_wait3A_373 : memref<1x1x40x128xi32, #tpu.memory_space<hbm>> -> memref<40x128xi32, #tpu.memory_space<hbm>>
      tpu.wait_dma2 semaphore(%run_scoped3A : memref<!tpu.dma_semaphore, #tpu.memory_space<semaphore_mem>>) src(%dma_wait3A_374 : memref<40x128xi32, #tpu.memory_space<hbm>>) dst(%arg7 : memref<40x128xi32, #tpu.memory_space<vmem>>)
      tpu.yield
    }) : () -> ()
    "tpu.region"() ({
      %run_scoped3A = tpu.sem_alloc : memref<!tpu.dma_semaphore, #tpu.memory_space<semaphore_mem>>
      %dma_start3A_360 = arith.constant 0 : i32
      %dma_start3A_361 = arith.constant 0 : i32
      %dma_start3A_362 = tpu.memref_slice %arg4[%add3A_59, %arg1, %dma_start3A_360, %dma_start3A_361] : memref<4x16x40x128xi32, #tpu.memory_space<hbm>> -> memref<1x1x40x128xi32, #tpu.memory_space<hbm>>
      %dma_start3A_363 = tpu.memref_squeeze %dma_start3A_362 : memref<1x1x40x128xi32, #tpu.memory_space<hbm>> -> memref<40x128xi32, #tpu.memory_space<hbm>>
      %dma_start3A_364 = arith.constant 0 : i32
      %dma_start3A_365 = arith.constant 0 : i32
      %dma_start3A_366 = tpu.memref_slice %arg4[%add3A_59, %arg1, %dma_start3A_364, %dma_start3A_365] : memref<4x16x40x128xi32, #tpu.memory_space<hbm>> -> memref<1x1x40x128xi32, #tpu.memory_space<hbm>>
      %dma_start3A_367 = tpu.memref_squeeze %dma_start3A_366 : memref<1x1x40x128xi32, #tpu.memory_space<hbm>> -> memref<40x128xi32, #tpu.memory_space<hbm>>
      tpu.enqueue_dma source(%dma_start3A_367 : memref<40x128xi32, #tpu.memory_space<hbm>>) target(%arg8 : memref<40x128xi32, #tpu.memory_space<vmem>>) target_semaphore(%run_scoped3A : memref<!tpu.dma_semaphore, #tpu.memory_space<semaphore_mem>>)
      %dma_wait3A = arith.constant 0 : i32
      %dma_wait3A_368 = arith.constant 0 : i32
      %dma_wait3A_369 = tpu.memref_slice %arg4[%add3A_59, %arg1, %dma_wait3A, %dma_wait3A_368] : memref<4x16x40x128xi32, #tpu.memory_space<hbm>> -> memref<1x1x40x128xi32, #tpu.memory_space<hbm>>
      %dma_wait3A_370 = tpu.memref_squeeze %dma_wait3A_369 : memref<1x1x40x128xi32, #tpu.memory_space<hbm>> -> memref<40x128xi32, #tpu.memory_space<hbm>>
      %dma_wait3A_371 = arith.constant 0 : i32
      %dma_wait3A_372 = arith.constant 0 : i32
      %dma_wait3A_373 = tpu.memref_slice %arg4[%add3A_59, %arg1, %dma_wait3A_371, %dma_wait3A_372] : memref<4x16x40x128xi32, #tpu.memory_space<hbm>> -> memref<1x1x40x128xi32, #tpu.memory_space<hbm>>
      %dma_wait3A_374 = tpu.memref_squeeze %dma_wait3A_373 : memref<1x1x40x128xi32, #tpu.memory_space<hbm>> -> memref<40x128xi32, #tpu.memory_space<hbm>>
      tpu.wait_dma2 semaphore(%run_scoped3A : memref<!tpu.dma_semaphore, #tpu.memory_space<semaphore_mem>>) src(%dma_wait3A_374 : memref<40x128xi32, #tpu.memory_space<hbm>>) dst(%arg8 : memref<40x128xi32, #tpu.memory_space<vmem>>)
      tpu.yield
    }) : () -> ()
    %dma_start3A = arith.constant 0 : i32
    %dma_start3A_167 = arith.constant 0 : i32
    %dma_start3A_168 = tpu.memref_slice %arg7[%dma_start3A, %dma_start3A_167] : memref<40x128xi32, #tpu.memory_space<vmem>> -> memref<1x128xi32, #tpu.memory_space<vmem>>
    %dma_start3A_169 = tpu.memref_squeeze %dma_start3A_168 : memref<1x128xi32, #tpu.memory_space<vmem>> -> memref<128xi32, #tpu.memory_space<vmem>>
    %dma_start3A_170 = arith.constant 0 : i32
    %dma_start3A_171 = arith.constant 0 : i32
    %dma_start3A_172 = tpu.memref_slice %arg2[%dma_start3A_170, %dma_start3A_171] : memref<10000x128xf32, #tpu.memory_space<hbm>> -> memref<10000x128xf32, #tpu.memory_space<hbm>>
    tpu.enqueue_indirect_dma source(%dma_start3A_172 : memref<10000x128xf32, #tpu.memory_space<hbm>>) target(%arg9 : memref<128x128xf32, #tpu.memory_space<vmem>>) offsets(%dma_start3A_169 : memref<128xi32, #tpu.memory_space<vmem>>) semaphore(%arg17 : memref<!tpu.dma_semaphore, #tpu.memory_space<semaphore_mem>>)
    %scan3A_173 = arith.constant 0 : i32
    %scan3A_174 = arith.constant 0 : i32
    %scan3A_175 = arith.constant 20 : i32
    %scan3A_176 = arith.addi %scan3A_174, %scan3A_175 : i32
    %scan3A_177 = arith.constant 1 : i32
    %scan3A_178 = scf.for %scan3A_360 = %scan3A_174 to %scan3A_176 step %scan3A_177 iter_args(%scan3A_361 = %scan3A_173) -> (i32)  : i32 {
      %mul3A_362 = arith.constant 2 : i32
      %mul3A_363 = arith.muli %scan3A_360, %mul3A_362 : i32
      %add3A_364 = arith.constant 1 : i32
      %add3A_365 = arith.addi %mul3A_363, %add3A_364 : i32
      %dma_start3A_366 = arith.constant 0 : i32
      %dma_start3A_367 = tpu.memref_slice %arg7[%add3A_365, %dma_start3A_366] : memref<40x128xi32, #tpu.memory_space<vmem>> -> memref<1x128xi32, #tpu.memory_space<vmem>>
      %dma_start3A_368 = tpu.memref_squeeze %dma_start3A_367 : memref<1x128xi32, #tpu.memory_space<vmem>> -> memref<128xi32, #tpu.memory_space<vmem>>
      %dma_start3A_369 = arith.constant 0 : i32
      %dma_start3A_370 = arith.constant 0 : i32
      %dma_start3A_371 = tpu.memref_slice %arg2[%dma_start3A_369, %dma_start3A_370] : memref<10000x128xf32, #tpu.memory_space<hbm>> -> memref<10000x128xf32, #tpu.memory_space<hbm>>
      tpu.enqueue_indirect_dma source(%dma_start3A_371 : memref<10000x128xf32, #tpu.memory_space<hbm>>) target(%arg10 : memref<128x128xf32, #tpu.memory_space<vmem>>) offsets(%dma_start3A_368 : memref<128xi32, #tpu.memory_space<vmem>>) semaphore(%arg18 : memref<!tpu.dma_semaphore, #tpu.memory_space<semaphore_mem>>)
      %dma_wait3A = arith.constant 0 : i32
      %dma_wait3A_372 = tpu.memref_slice %arg7[%mul3A_363, %dma_wait3A] : memref<40x128xi32, #tpu.memory_space<vmem>> -> memref<1x128xi32, #tpu.memory_space<vmem>>
      %dma_wait3A_373 = tpu.memref_squeeze %dma_wait3A_372 : memref<1x128xi32, #tpu.memory_space<vmem>> -> memref<128xi32, #tpu.memory_space<vmem>>
      %dma_wait3A_374 = arith.constant 0 : i32
      %dma_wait3A_375 = arith.constant 0 : i32
      %dma_wait3A_376 = tpu.memref_slice %arg2[%dma_wait3A_374, %dma_wait3A_375] : memref<10000x128xf32, #tpu.memory_space<hbm>> -> memref<10000x128xf32, #tpu.memory_space<hbm>>
      tpu.wait_indirect_dma semaphore(%arg17 : memref<!tpu.dma_semaphore, #tpu.memory_space<semaphore_mem>>) src(%dma_wait3A_376 : memref<10000x128xf32, #tpu.memory_space<hbm>>) dst(%arg9 : memref<128x128xf32, #tpu.memory_space<vmem>>)
      "tpu.region"() ({
        %run_scoped3A = tpu.sem_alloc : memref<!tpu.dma_semaphore, #tpu.memory_space<semaphore_mem>>
        %dma_start3A_395 = arith.constant 0 : i32
        %dma_start3A_396 = tpu.memref_slice %arg8[%mul3A_363, %dma_start3A_395] : memref<40x128xi32, #tpu.memory_space<vmem>> -> memref<1x128xi32, #tpu.memory_space<vmem>>
        %dma_start3A_397 = tpu.memref_squeeze %dma_start3A_396 : memref<1x128xi32, #tpu.memory_space<vmem>> -> memref<128xi32, #tpu.memory_space<vmem>>
        %dma_start3A_398 = arith.constant 0 : i32
        %dma_start3A_399 = arith.constant 0 : i32
        %dma_start3A_400 = tpu.memref_slice %arg15[%dma_start3A_398, %dma_start3A_399] : memref<10008x128xf32, #tpu.memory_space<vmem_shared>> -> memref<10008x128xf32, #tpu.memory_space<vmem_shared>>
        tpu.enqueue_indirect_dma source(%arg9 : memref<128x128xf32, #tpu.memory_space<vmem>>) target(%dma_start3A_400 : memref<10008x128xf32, #tpu.memory_space<vmem_shared>>) offsets(%dma_start3A_397 : memref<128xi32, #tpu.memory_space<vmem>>) semaphore(%run_scoped3A : memref<!tpu.dma_semaphore, #tpu.memory_space<semaphore_mem>>) {add = true}
        %dma_wait3A_401 = arith.constant 0 : i32
        %dma_wait3A_402 = tpu.memref_slice %arg8[%mul3A_363, %dma_wait3A_401] : memref<40x128xi32, #tpu.memory_space<vmem>> -> memref<1x128xi32, #tpu.memory_space<vmem>>
        %dma_wait3A_403 = tpu.memref_squeeze %dma_wait3A_402 : memref<1x128xi32, #tpu.memory_space<vmem>> -> memref<128xi32, #tpu.memory_space<vmem>>
        %dma_wait3A_404 = arith.constant 0 : i32
        %dma_wait3A_405 = arith.constant 0 : i32
        %dma_wait3A_406 = tpu.memref_slice %arg15[%dma_wait3A_404, %dma_wait3A_405] : memref<10008x128xf32, #tpu.memory_space<vmem_shared>> -> memref<10008x128xf32, #tpu.memory_space<vmem_shared>>
        tpu.wait_indirect_dma semaphore(%run_scoped3A : memref<!tpu.dma_semaphore, #tpu.memory_space<semaphore_mem>>) src(%arg9 : memref<128x128xf32, #tpu.memory_space<vmem>>) dst(%dma_wait3A_406 : memref<10008x128xf32, #tpu.memory_space<vmem_shared>>)
        tpu.yield
      }) : () -> ()
      "tpu.region"() ({
        %run_scoped3A = tpu.sem_alloc : memref<!tpu.dma_semaphore, #tpu.memory_space<semaphore_mem>>
        %dma_start3A_395 = arith.constant 0 : i32
        %dma_start3A_396 = tpu.memref_slice %arg8[%mul3A_363, %dma_start3A_395] : memref<40x128xi32, #tpu.memory_space<vmem>> -> memref<1x128xi32, #tpu.memory_space<vmem>>
        %dma_start3A_397 = tpu.memref_squeeze %dma_start3A_396 : memref<1x128xi32, #tpu.memory_space<vmem>> -> memref<128xi32, #tpu.memory_space<vmem>>
        %dma_start3A_398 = arith.constant 0 : i32
        %dma_start3A_399 = tpu.memref_slice %arg16[%dma_start3A_398] : memref<10008xf32, #tpu.memory_space<vmem_shared>> -> memref<10008xf32, #tpu.memory_space<vmem_shared>>
        tpu.enqueue_indirect_dma source(%arg11 : memref<128xf32, #tpu.memory_space<vmem>>) target(%dma_start3A_399 : memref<10008xf32, #tpu.memory_space<vmem_shared>>) offsets(%dma_start3A_397 : memref<128xi32, #tpu.memory_space<vmem>>) semaphore(%run_scoped3A : memref<!tpu.dma_semaphore, #tpu.memory_space<semaphore_mem>>) {add = true}
        %dma_wait3A_400 = arith.constant 0 : i32
        %dma_wait3A_401 = tpu.memref_slice %arg8[%mul3A_363, %dma_wait3A_400] : memref<40x128xi32, #tpu.memory_space<vmem>> -> memref<1x128xi32, #tpu.memory_space<vmem>>
        %dma_wait3A_402 = tpu.memref_squeeze %dma_wait3A_401 : memref<1x128xi32, #tpu.memory_space<vmem>> -> memref<128xi32, #tpu.memory_space<vmem>>
        %dma_wait3A_403 = arith.constant 0 : i32
        %dma_wait3A_404 = tpu.memref_slice %arg16[%dma_wait3A_403] : memref<10008xf32, #tpu.memory_space<vmem_shared>> -> memref<10008xf32, #tpu.memory_space<vmem_shared>>
        tpu.wait_indirect_dma semaphore(%run_scoped3A : memref<!tpu.dma_semaphore, #tpu.memory_space<semaphore_mem>>) src(%arg11 : memref<128xf32, #tpu.memory_space<vmem>>) dst(%dma_wait3A_404 : memref<10008xf32, #tpu.memory_space<vmem_shared>>)
        tpu.yield
      }) : () -> ()
      %add3A_377 = arith.constant 2 : i32
      %add3A_378 = arith.addi %mul3A_363, %add3A_377 : i32
      %lt3A_379 = arith.constant 40 : i32
      %lt3A_380 = arith.cmpi slt, %add3A_378, %lt3A_379 : i32
      %convert_element_type3A_381 = arith.extui %lt3A_380 : i1 to i32
      %cond3A_382 = arith.constant 0 : i32
      %cond3A_383 = arith.cmpi ne, %convert_element_type3A_381, %cond3A_382 : i32
      scf.if %cond3A_383 {
        %add3A_395 = arith.constant 2 : i32
        %add3A_396 = arith.addi %mul3A_363, %add3A_395 : i32
        %dma_start3A_397 = arith.constant 0 : i32
        %dma_start3A_398 = tpu.memref_slice %arg7[%add3A_396, %dma_start3A_397] : memref<40x128xi32, #tpu.memory_space<vmem>> -> memref<1x128xi32, #tpu.memory_space<vmem>>
        %dma_start3A_399 = tpu.memref_squeeze %dma_start3A_398 : memref<1x128xi32, #tpu.memory_space<vmem>> -> memref<128xi32, #tpu.memory_space<vmem>>
        %dma_start3A_400 = arith.constant 0 : i32
        %dma_start3A_401 = arith.constant 0 : i32
        %dma_start3A_402 = tpu.memref_slice %arg2[%dma_start3A_400, %dma_start3A_401] : memref<10000x128xf32, #tpu.memory_space<hbm>> -> memref<10000x128xf32, #tpu.memory_space<hbm>>
        tpu.enqueue_indirect_dma source(%dma_start3A_402 : memref<10000x128xf32, #tpu.memory_space<hbm>>) target(%arg9 : memref<128x128xf32, #tpu.memory_space<vmem>>) offsets(%dma_start3A_399 : memref<128xi32, #tpu.memory_space<vmem>>) semaphore(%arg17 : memref<!tpu.dma_semaphore, #tpu.memory_space<semaphore_mem>>)
      } else {
      }
      %add3A_384 = arith.constant 1 : i32
      %add3A_385 = arith.addi %mul3A_363, %add3A_384 : i32
      %dma_wait3A_386 = arith.constant 0 : i32
      %dma_wait3A_387 = tpu.memref_slice %arg7[%add3A_385, %dma_wait3A_386] : memref<40x128xi32, #tpu.memory_space<vmem>> -> memref<1x128xi32, #tpu.memory_space<vmem>>
      %dma_wait3A_388 = tpu.memref_squeeze %dma_wait3A_387 : memref<1x128xi32, #tpu.memory_space<vmem>> -> memref<128xi32, #tpu.memory_space<vmem>>
      %dma_wait3A_389 = arith.constant 0 : i32
      %dma_wait3A_390 = arith.constant 0 : i32
      %dma_wait3A_391 = tpu.memref_slice %arg2[%dma_wait3A_389, %dma_wait3A_390] : memref<10000x128xf32, #tpu.memory_space<hbm>> -> memref<10000x128xf32, #tpu.memory_space<hbm>>
      tpu.wait_indirect_dma semaphore(%arg18 : memref<!tpu.dma_semaphore, #tpu.memory_space<semaphore_mem>>) src(%dma_wait3A_391 : memref<10000x128xf32, #tpu.memory_space<hbm>>) dst(%arg10 : memref<128x128xf32, #tpu.memory_space<vmem>>)
      %add3A_392 = arith.constant 1 : i32
      %add3A_393 = arith.addi %mul3A_363, %add3A_392 : i32
      "tpu.region"() ({
        %run_scoped3A = tpu.sem_alloc : memref<!tpu.dma_semaphore, #tpu.memory_space<semaphore_mem>>
        %dma_start3A_395 = arith.constant 0 : i32
        %dma_start3A_396 = tpu.memref_slice %arg8[%add3A_393, %dma_start3A_395] : memref<40x128xi32, #tpu.memory_space<vmem>> -> memref<1x128xi32, #tpu.memory_space<vmem>>
        %dma_start3A_397 = tpu.memref_squeeze %dma_start3A_396 : memref<1x128xi32, #tpu.memory_space<vmem>> -> memref<128xi32, #tpu.memory_space<vmem>>
        %dma_start3A_398 = arith.constant 0 : i32
        %dma_start3A_399 = arith.constant 0 : i32
        %dma_start3A_400 = tpu.memref_slice %arg15[%dma_start3A_398, %dma_start3A_399] : memref<10008x128xf32, #tpu.memory_space<vmem_shared>> -> memref<10008x128xf32, #tpu.memory_space<vmem_shared>>
        tpu.enqueue_indirect_dma source(%arg10 : memref<128x128xf32, #tpu.memory_space<vmem>>) target(%dma_start3A_400 : memref<10008x128xf32, #tpu.memory_space<vmem_shared>>) offsets(%dma_start3A_397 : memref<128xi32, #tpu.memory_space<vmem>>) semaphore(%run_scoped3A : memref<!tpu.dma_semaphore, #tpu.memory_space<semaphore_mem>>) {add = true}
        %dma_wait3A_401 = arith.constant 0 : i32
        %dma_wait3A_402 = tpu.memref_slice %arg8[%add3A_393, %dma_wait3A_401] : memref<40x128xi32, #tpu.memory_space<vmem>> -> memref<1x128xi32, #tpu.memory_space<vmem>>
        %dma_wait3A_403 = tpu.memref_squeeze %dma_wait3A_402 : memref<1x128xi32, #tpu.memory_space<vmem>> -> memref<128xi32, #tpu.memory_space<vmem>>
        %dma_wait3A_404 = arith.constant 0 : i32
        %dma_wait3A_405 = arith.constant 0 : i32
        %dma_wait3A_406 = tpu.memref_slice %arg15[%dma_wait3A_404, %dma_wait3A_405] : memref<10008x128xf32, #tpu.memory_space<vmem_shared>> -> memref<10008x128xf32, #tpu.memory_space<vmem_shared>>
        tpu.wait_indirect_dma semaphore(%run_scoped3A : memref<!tpu.dma_semaphore, #tpu.memory_space<semaphore_mem>>) src(%arg10 : memref<128x128xf32, #tpu.memory_space<vmem>>) dst(%dma_wait3A_406 : memref<10008x128xf32, #tpu.memory_space<vmem_shared>>)
        tpu.yield
      }) : () -> ()
      "tpu.region"() ({
        %run_scoped3A = tpu.sem_alloc : memref<!tpu.dma_semaphore, #tpu.memory_space<semaphore_mem>>
        %dma_start3A_395 = arith.constant 0 : i32
        %dma_start3A_396 = tpu.memref_slice %arg8[%add3A_393, %dma_start3A_395] : memref<40x128xi32, #tpu.memory_space<vmem>> -> memref<1x128xi32, #tpu.memory_space<vmem>>
        %dma_start3A_397 = tpu.memref_squeeze %dma_start3A_396 : memref<1x128xi32, #tpu.memory_space<vmem>> -> memref<128xi32, #tpu.memory_space<vmem>>
        %dma_start3A_398 = arith.constant 0 : i32
        %dma_start3A_399 = tpu.memref_slice %arg16[%dma_start3A_398] : memref<10008xf32, #tpu.memory_space<vmem_shared>> -> memref<10008xf32, #tpu.memory_space<vmem_shared>>
        tpu.enqueue_indirect_dma source(%arg11 : memref<128xf32, #tpu.memory_space<vmem>>) target(%dma_start3A_399 : memref<10008xf32, #tpu.memory_space<vmem_shared>>) offsets(%dma_start3A_397 : memref<128xi32, #tpu.memory_space<vmem>>) semaphore(%run_scoped3A : memref<!tpu.dma_semaphore, #tpu.memory_space<semaphore_mem>>) {add = true}
        %dma_wait3A_400 = arith.constant 0 : i32
        %dma_wait3A_401 = tpu.memref_slice %arg8[%add3A_393, %dma_wait3A_400] : memref<40x128xi32, #tpu.memory_space<vmem>> -> memref<1x128xi32, #tpu.memory_space<vmem>>
        %dma_wait3A_402 = tpu.memref_squeeze %dma_wait3A_401 : memref<1x128xi32, #tpu.memory_space<vmem>> -> memref<128xi32, #tpu.memory_space<vmem>>
        %dma_wait3A_403 = arith.constant 0 : i32
        %dma_wait3A_404 = tpu.memref_slice %arg16[%dma_wait3A_403] : memref<10008xf32, #tpu.memory_space<vmem_shared>> -> memref<10008xf32, #tpu.memory_space<vmem_shared>>
        tpu.wait_indirect_dma semaphore(%run_scoped3A : memref<!tpu.dma_semaphore, #tpu.memory_space<semaphore_mem>>) src(%arg11 : memref<128xf32, #tpu.memory_space<vmem>>) dst(%dma_wait3A_404 : memref<10008xf32, #tpu.memory_space<vmem_shared>>)
        tpu.yield
      }) : () -> ()
      %scan3A_394 = arith.constant 0 : i32
      scf.yield %scan3A_394 : i32
    }
    %scan3A_179 = arith.constant 20 : i32
    %barrier3A_180 = arith.constant 0 : index
    tpu.barrier barrier_id(%barrier3A_180)
    %lt3A_181 = arith.constant 15 : i32
    %lt3A_182 = arith.cmpi slt, %arg1, %lt3A_181 : i32
    %convert_element_type3A_183 = arith.extui %lt3A_182 : i1 to i32
    %cond3A_184 = arith.constant 0 : i32
    %cond3A_185 = arith.cmpi ne, %convert_element_type3A_183, %cond3A_184 : i32
    scf.if %cond3A_185 {
      "tpu.region"() ({
        %run_scoped3A = tpu.sem_alloc : memref<!tpu.dma_semaphore, #tpu.memory_space<semaphore_mem>>
        %dma_start3A_360 = arith.constant 0 : i32
        %dma_start3A_361 = tpu.memref_slice %arg5[%add3A_59, %mul3A_160, %dma_start3A_360] : memref<4x10000x128xf32, #tpu.memory_space<hbm>> -> memref<1x632x128xf32, #tpu.memory_space<hbm>>
        %dma_start3A_362 = tpu.memref_squeeze %dma_start3A_361 : memref<1x632x128xf32, #tpu.memory_space<hbm>> -> memref<632x128xf32, #tpu.memory_space<hbm>>
        %dma_start3A_363 = arith.constant 0 : i32
        %dma_start3A_364 = tpu.memref_slice %arg15[%mul3A_160, %dma_start3A_363] : memref<10008x128xf32, #tpu.memory_space<vmem_shared>> -> memref<632x128xf32, #tpu.memory_space<vmem_shared>>
        tpu.enqueue_dma source(%dma_start3A_364 : memref<632x128xf32, #tpu.memory_space<vmem_shared>>) target(%dma_start3A_362 : memref<632x128xf32, #tpu.memory_space<hbm>>) target_semaphore(%run_scoped3A : memref<!tpu.dma_semaphore, #tpu.memory_space<semaphore_mem>>)
        %dma_wait3A = arith.constant 0 : i32
        %dma_wait3A_365 = tpu.memref_slice %arg5[%add3A_59, %mul3A_160, %dma_wait3A] : memref<4x10000x128xf32, #tpu.memory_space<hbm>> -> memref<1x632x128xf32, #tpu.memory_space<hbm>>
        %dma_wait3A_366 = tpu.memref_squeeze %dma_wait3A_365 : memref<1x632x128xf32, #tpu.memory_space<hbm>> -> memref<632x128xf32, #tpu.memory_space<hbm>>
        %dma_wait3A_367 = arith.constant 0 : i32
        %dma_wait3A_368 = tpu.memref_slice %arg15[%mul3A_160, %dma_wait3A_367] : memref<10008x128xf32, #tpu.memory_space<vmem_shared>> -> memref<632x128xf32, #tpu.memory_space<vmem_shared>>
        tpu.wait_dma2 semaphore(%run_scoped3A : memref<!tpu.dma_semaphore, #tpu.memory_space<semaphore_mem>>) src(%dma_wait3A_368 : memref<632x128xf32, #tpu.memory_space<vmem_shared>>) dst(%dma_wait3A_366 : memref<632x128xf32, #tpu.memory_space<hbm>>)
        tpu.yield
      }) : () -> ()
    } else {
    }
    %eq3A_186 = arith.constant 15 : i32
    %eq3A_187 = arith.cmpi eq, %arg1, %eq3A_186 : i32
    %convert_element_type3A_188 = arith.extui %eq3A_187 : i1 to i32
    %cond3A_189 = arith.constant 0 : i32
    %cond3A_190 = arith.cmpi ne, %convert_element_type3A_188, %cond3A_189 : i32
    scf.if %cond3A_190 {
      "tpu.region"() ({
        %run_scoped3A = tpu.sem_alloc : memref<!tpu.dma_semaphore, #tpu.memory_space<semaphore_mem>>
        %dma_start3A_360 = arith.constant 9480 : i32
        %dma_start3A_361 = arith.constant 0 : i32
        %dma_start3A_362 = tpu.memref_slice %arg5[%add3A_59, %dma_start3A_360, %dma_start3A_361] : memref<4x10000x128xf32, #tpu.memory_space<hbm>> -> memref<1x520x128xf32, #tpu.memory_space<hbm>>
        %dma_start3A_363 = tpu.memref_squeeze %dma_start3A_362 : memref<1x520x128xf32, #tpu.memory_space<hbm>> -> memref<520x128xf32, #tpu.memory_space<hbm>>
        %dma_start3A_364 = arith.constant 9480 : i32
        %dma_start3A_365 = arith.constant 0 : i32
        %dma_start3A_366 = tpu.memref_slice %arg15[%dma_start3A_364, %dma_start3A_365] : memref<10008x128xf32, #tpu.memory_space<vmem_shared>> -> memref<520x128xf32, #tpu.memory_space<vmem_shared>>
        tpu.enqueue_dma source(%dma_start3A_366 : memref<520x128xf32, #tpu.memory_space<vmem_shared>>) target(%dma_start3A_363 : memref<520x128xf32, #tpu.memory_space<hbm>>) target_semaphore(%run_scoped3A : memref<!tpu.dma_semaphore, #tpu.memory_space<semaphore_mem>>)
        %dma_wait3A = arith.constant 9480 : i32
        %dma_wait3A_367 = arith.constant 0 : i32
        %dma_wait3A_368 = tpu.memref_slice %arg5[%add3A_59, %dma_wait3A, %dma_wait3A_367] : memref<4x10000x128xf32, #tpu.memory_space<hbm>> -> memref<1x520x128xf32, #tpu.memory_space<hbm>>
        %dma_wait3A_369 = tpu.memref_squeeze %dma_wait3A_368 : memref<1x520x128xf32, #tpu.memory_space<hbm>> -> memref<520x128xf32, #tpu.memory_space<hbm>>
        %dma_wait3A_370 = arith.constant 9480 : i32
        %dma_wait3A_371 = arith.constant 0 : i32
        %dma_wait3A_372 = tpu.memref_slice %arg15[%dma_wait3A_370, %dma_wait3A_371] : memref<10008x128xf32, #tpu.memory_space<vmem_shared>> -> memref<520x128xf32, #tpu.memory_space<vmem_shared>>
        tpu.wait_dma2 semaphore(%run_scoped3A : memref<!tpu.dma_semaphore, #tpu.memory_space<semaphore_mem>>) src(%dma_wait3A_372 : memref<520x128xf32, #tpu.memory_space<vmem_shared>>) dst(%dma_wait3A_369 : memref<520x128xf32, #tpu.memory_space<hbm>>)
        tpu.yield
      }) : () -> ()
    } else {
    }
    %mul3A_191 = arith.constant 10000 : i32
    %mul3A_192 = arith.muli %add3A_59, %mul3A_191 : i32
    %add3A_193 = arith.addi %mul3A_192, %mul3A_160 : i32
    %multiple_of3A = tpu.assume_multiple %add3A_193, 8 : i32
    %lt3A_194 = arith.constant 15 : i32
    %lt3A_195 = arith.cmpi slt, %arg1, %lt3A_194 : i32
    %convert_element_type3A_196 = arith.extui %lt3A_195 : i1 to i32
    %cond3A_197 = arith.constant 0 : i32
    %cond3A_198 = arith.cmpi ne, %convert_element_type3A_196, %cond3A_197 : i32
    scf.if %cond3A_198 {
      "tpu.region"() ({
        %run_scoped3A = tpu.sem_alloc : memref<!tpu.dma_semaphore, #tpu.memory_space<semaphore_mem>>
        %dma_start3A_360 = tpu.memref_slice %arg16[%mul3A_160] : memref<10008xf32, #tpu.memory_space<vmem_shared>> -> memref<632xf32, #tpu.memory_space<vmem_shared>>
        %dma_start3A_361 = tpu.memref_slice %arg16[%mul3A_160] : memref<10008xf32, #tpu.memory_space<vmem_shared>> -> memref<632xf32, #tpu.memory_space<vmem_shared>>
        tpu.enqueue_dma source(%dma_start3A_361 : memref<632xf32, #tpu.memory_space<vmem_shared>>) target(%arg14 : memref<632xf32, #tpu.memory_space<vmem>>) target_semaphore(%run_scoped3A : memref<!tpu.dma_semaphore, #tpu.memory_space<semaphore_mem>>)
        %dma_wait3A = tpu.memref_slice %arg16[%mul3A_160] : memref<10008xf32, #tpu.memory_space<vmem_shared>> -> memref<632xf32, #tpu.memory_space<vmem_shared>>
        %dma_wait3A_362 = tpu.memref_slice %arg16[%mul3A_160] : memref<10008xf32, #tpu.memory_space<vmem_shared>> -> memref<632xf32, #tpu.memory_space<vmem_shared>>
        tpu.wait_dma2 semaphore(%run_scoped3A : memref<!tpu.dma_semaphore, #tpu.memory_space<semaphore_mem>>) src(%dma_wait3A_362 : memref<632xf32, #tpu.memory_space<vmem_shared>>) dst(%arg14 : memref<632xf32, #tpu.memory_space<vmem>>)
        tpu.yield
      }) : () -> ()
      "tpu.region"() ({
        %run_scoped3A = tpu.sem_alloc : memref<!tpu.dma_semaphore, #tpu.memory_space<semaphore_mem>>
        %dma_start3A_360 = tpu.memref_slice %arg6[%multiple_of3A] : memref<40000xf32, #tpu.memory_space<hbm>> -> memref<632xf32, #tpu.memory_space<hbm>>
        %dma_start3A_361 = tpu.memref_slice %arg6[%multiple_of3A] : memref<40000xf32, #tpu.memory_space<hbm>> -> memref<632xf32, #tpu.memory_space<hbm>>
        tpu.enqueue_dma source(%arg14 : memref<632xf32, #tpu.memory_space<vmem>>) target(%dma_start3A_361 : memref<632xf32, #tpu.memory_space<hbm>>) target_semaphore(%run_scoped3A : memref<!tpu.dma_semaphore, #tpu.memory_space<semaphore_mem>>)
        %dma_wait3A = tpu.memref_slice %arg6[%multiple_of3A] : memref<40000xf32, #tpu.memory_space<hbm>> -> memref<632xf32, #tpu.memory_space<hbm>>
        %dma_wait3A_362 = tpu.memref_slice %arg6[%multiple_of3A] : memref<40000xf32, #tpu.memory_space<hbm>> -> memref<632xf32, #tpu.memory_space<hbm>>
        tpu.wait_dma2 semaphore(%run_scoped3A : memref<!tpu.dma_semaphore, #tpu.memory_space<semaphore_mem>>) src(%arg14 : memref<632xf32, #tpu.memory_space<vmem>>) dst(%dma_wait3A_362 : memref<632xf32, #tpu.memory_space<hbm>>)
        tpu.yield
      }) : () -> ()
    } else {
    }
    %eq3A_199 = arith.constant 15 : i32
    %eq3A_200 = arith.cmpi eq, %arg1, %eq3A_199 : i32
    %convert_element_type3A_201 = arith.extui %eq3A_200 : i1 to i32
    %cond3A_202 = arith.constant 0 : i32
    %cond3A_203 = arith.cmpi ne, %convert_element_type3A_201, %cond3A_202 : i32
    scf.if %cond3A_203 {
      "tpu.region"() ({
        %run_scoped3A = tpu.sem_alloc : memref<!tpu.dma_semaphore, #tpu.memory_space<semaphore_mem>>
        %dma_start3A_360 = arith.constant 0 : i32
        %dma_start3A_361 = tpu.memref_slice %arg14[%dma_start3A_360] : memref<632xf32, #tpu.memory_space<vmem>> -> memref<520xf32, #tpu.memory_space<vmem>>
        %dma_start3A_362 = arith.constant 9480 : i32
        %dma_start3A_363 = tpu.memref_slice %arg16[%dma_start3A_362] : memref<10008xf32, #tpu.memory_space<vmem_shared>> -> memref<520xf32, #tpu.memory_space<vmem_shared>>
        %dma_start3A_364 = arith.constant 0 : i32
        %dma_start3A_365 = tpu.memref_slice %arg14[%dma_start3A_364] : memref<632xf32, #tpu.memory_space<vmem>> -> memref<520xf32, #tpu.memory_space<vmem>>
        %dma_start3A_366 = arith.constant 9480 : i32
        %dma_start3A_367 = tpu.memref_slice %arg16[%dma_start3A_366] : memref<10008xf32, #tpu.memory_space<vmem_shared>> -> memref<520xf32, #tpu.memory_space<vmem_shared>>
        tpu.enqueue_dma source(%dma_start3A_367 : memref<520xf32, #tpu.memory_space<vmem_shared>>) target(%dma_start3A_365 : memref<520xf32, #tpu.memory_space<vmem>>) target_semaphore(%run_scoped3A : memref<!tpu.dma_semaphore, #tpu.memory_space<semaphore_mem>>)
        %dma_wait3A = arith.constant 0 : i32
        %dma_wait3A_368 = tpu.memref_slice %arg14[%dma_wait3A] : memref<632xf32, #tpu.memory_space<vmem>> -> memref<520xf32, #tpu.memory_space<vmem>>
        %dma_wait3A_369 = arith.constant 9480 : i32
        %dma_wait3A_370 = tpu.memref_slice %arg16[%dma_wait3A_369] : memref<10008xf32, #tpu.memory_space<vmem_shared>> -> memref<520xf32, #tpu.memory_space<vmem_shared>>
        %dma_wait3A_371 = arith.constant 0 : i32
        %dma_wait3A_372 = tpu.memref_slice %arg14[%dma_wait3A_371] : memref<632xf32, #tpu.memory_space<vmem>> -> memref<520xf32, #tpu.memory_space<vmem>>
        %dma_wait3A_373 = arith.constant 9480 : i32
        %dma_wait3A_374 = tpu.memref_slice %arg16[%dma_wait3A_373] : memref<10008xf32, #tpu.memory_space<vmem_shared>> -> memref<520xf32, #tpu.memory_space<vmem_shared>>
        tpu.wait_dma2 semaphore(%run_scoped3A : memref<!tpu.dma_semaphore, #tpu.memory_space<semaphore_mem>>) src(%dma_wait3A_374 : memref<520xf32, #tpu.memory_space<vmem_shared>>) dst(%dma_wait3A_372 : memref<520xf32, #tpu.memory_space<vmem>>)
        tpu.yield
      }) : () -> ()
      "tpu.region"() ({
        %run_scoped3A = tpu.sem_alloc : memref<!tpu.dma_semaphore, #tpu.memory_space<semaphore_mem>>
        %dma_start3A_360 = arith.constant 0 : i32
        %dma_start3A_361 = tpu.memref_slice %arg14[%dma_start3A_360] : memref<632xf32, #tpu.memory_space<vmem>> -> memref<520xf32, #tpu.memory_space<vmem>>
        %dma_start3A_362 = tpu.memref_slice %arg6[%multiple_of3A] : memref<40000xf32, #tpu.memory_space<hbm>> -> memref<520xf32, #tpu.memory_space<hbm>>
        %dma_start3A_363 = tpu.memref_slice %arg6[%multiple_of3A] : memref<40000xf32, #tpu.memory_space<hbm>> -> memref<520xf32, #tpu.memory_space<hbm>>
        %dma_start3A_364 = arith.constant 0 : i32
        %dma_start3A_365 = tpu.memref_slice %arg14[%dma_start3A_364] : memref<632xf32, #tpu.memory_space<vmem>> -> memref<520xf32, #tpu.memory_space<vmem>>
        tpu.enqueue_dma source(%dma_start3A_365 : memref<520xf32, #tpu.memory_space<vmem>>) target(%dma_start3A_363 : memref<520xf32, #tpu.memory_space<hbm>>) target_semaphore(%run_scoped3A : memref<!tpu.dma_semaphore, #tpu.memory_space<semaphore_mem>>)
        %dma_wait3A = arith.constant 0 : i32
        %dma_wait3A_366 = tpu.memref_slice %arg14[%dma_wait3A] : memref<632xf32, #tpu.memory_space<vmem>> -> memref<520xf32, #tpu.memory_space<vmem>>
        %dma_wait3A_367 = tpu.memref_slice %arg6[%multiple_of3A] : memref<40000xf32, #tpu.memory_space<hbm>> -> memref<520xf32, #tpu.memory_space<hbm>>
        %dma_wait3A_368 = tpu.memref_slice %arg6[%multiple_of3A] : memref<40000xf32, #tpu.memory_space<hbm>> -> memref<520xf32, #tpu.memory_space<hbm>>
        %dma_wait3A_369 = arith.constant 0 : i32
        %dma_wait3A_370 = tpu.memref_slice %arg14[%dma_wait3A_369] : memref<632xf32, #tpu.memory_space<vmem>> -> memref<520xf32, #tpu.memory_space<vmem>>
        tpu.wait_dma2 semaphore(%run_scoped3A : memref<!tpu.dma_semaphore, #tpu.memory_space<semaphore_mem>>) src(%dma_wait3A_370 : memref<520xf32, #tpu.memory_space<vmem>>) dst(%dma_wait3A_368 : memref<520xf32, #tpu.memory_space<hbm>>)
        tpu.yield
      }) : () -> ()
    } else {
    }
    %barrier3A_204 = arith.constant 0 : index
    tpu.barrier barrier_id(%barrier3A_204)
    %add3A_205 = arith.constant 2 : i32
    %add3A_206 = arith.addi %add3A_205, %arg0 : i32
    %mul3A_207 = arith.constant 625 : i32
    %mul3A_208 = arith.muli %arg1, %mul3A_207 : i32
    %add3A_209 = arith.constant 0 : i32
    %add3A_210 = arith.addi %mul3A_208, %add3A_209 : i32
    "tpu.region"() ({
      %run_scoped3A = tpu.sem_alloc : memref<!tpu.dma_semaphore, #tpu.memory_space<semaphore_mem>>
      %dma_start3A_360 = arith.constant 0 : i32
      %dma_start3A_361 = tpu.memref_slice %arg15[%add3A_210, %dma_start3A_360] : memref<10008x128xf32, #tpu.memory_space<vmem_shared>> -> memref<25x128xf32, #tpu.memory_space<vmem_shared>>
      %dma_start3A_362 = arith.constant 0 : i32
      %dma_start3A_363 = tpu.memref_slice %arg15[%add3A_210, %dma_start3A_362] : memref<10008x128xf32, #tpu.memory_space<vmem_shared>> -> memref<25x128xf32, #tpu.memory_space<vmem_shared>>
      tpu.enqueue_dma source(%arg12 : memref<25x128xf32, #tpu.memory_space<vmem>>) target(%dma_start3A_363 : memref<25x128xf32, #tpu.memory_space<vmem_shared>>) target_semaphore(%run_scoped3A : memref<!tpu.dma_semaphore, #tpu.memory_space<semaphore_mem>>)
      %dma_wait3A = arith.constant 0 : i32
      %dma_wait3A_364 = tpu.memref_slice %arg15[%add3A_210, %dma_wait3A] : memref<10008x128xf32, #tpu.memory_space<vmem_shared>> -> memref<25x128xf32, #tpu.memory_space<vmem_shared>>
      %dma_wait3A_365 = arith.constant 0 : i32
      %dma_wait3A_366 = tpu.memref_slice %arg15[%add3A_210, %dma_wait3A_365] : memref<10008x128xf32, #tpu.memory_space<vmem_shared>> -> memref<25x128xf32, #tpu.memory_space<vmem_shared>>
      tpu.wait_dma2 semaphore(%run_scoped3A : memref<!tpu.dma_semaphore, #tpu.memory_space<semaphore_mem>>) src(%arg12 : memref<25x128xf32, #tpu.memory_space<vmem>>) dst(%dma_wait3A_366 : memref<25x128xf32, #tpu.memory_space<vmem_shared>>)
      tpu.yield
    }) : () -> ()
    %mul3A_211 = arith.constant 625 : i32
    %mul3A_212 = arith.muli %arg1, %mul3A_211 : i32
    %add3A_213 = arith.constant 25 : i32
    %add3A_214 = arith.addi %mul3A_212, %add3A_213 : i32
    "tpu.region"() ({
      %run_scoped3A = tpu.sem_alloc : memref<!tpu.dma_semaphore, #tpu.memory_space<semaphore_mem>>
      %dma_start3A_360 = arith.constant 0 : i32
      %dma_start3A_361 = tpu.memref_slice %arg15[%add3A_214, %dma_start3A_360] : memref<10008x128xf32, #tpu.memory_space<vmem_shared>> -> memref<25x128xf32, #tpu.memory_space<vmem_shared>>
      %dma_start3A_362 = arith.constant 0 : i32
      %dma_start3A_363 = tpu.memref_slice %arg15[%add3A_214, %dma_start3A_362] : memref<10008x128xf32, #tpu.memory_space<vmem_shared>> -> memref<25x128xf32, #tpu.memory_space<vmem_shared>>
      tpu.enqueue_dma source(%arg12 : memref<25x128xf32, #tpu.memory_space<vmem>>) target(%dma_start3A_363 : memref<25x128xf32, #tpu.memory_space<vmem_shared>>) target_semaphore(%run_scoped3A : memref<!tpu.dma_semaphore, #tpu.memory_space<semaphore_mem>>)
      %dma_wait3A = arith.constant 0 : i32
      %dma_wait3A_364 = tpu.memref_slice %arg15[%add3A_214, %dma_wait3A] : memref<10008x128xf32, #tpu.memory_space<vmem_shared>> -> memref<25x128xf32, #tpu.memory_space<vmem_shared>>
      %dma_wait3A_365 = arith.constant 0 : i32
      %dma_wait3A_366 = tpu.memref_slice %arg15[%add3A_214, %dma_wait3A_365] : memref<10008x128xf32, #tpu.memory_space<vmem_shared>> -> memref<25x128xf32, #tpu.memory_space<vmem_shared>>
      tpu.wait_dma2 semaphore(%run_scoped3A : memref<!tpu.dma_semaphore, #tpu.memory_space<semaphore_mem>>) src(%arg12 : memref<25x128xf32, #tpu.memory_space<vmem>>) dst(%dma_wait3A_366 : memref<25x128xf32, #tpu.memory_space<vmem_shared>>)
      tpu.yield
    }) : () -> ()
    %mul3A_215 = arith.constant 625 : i32
    %mul3A_216 = arith.muli %arg1, %mul3A_215 : i32
    %add3A_217 = arith.constant 50 : i32
    %add3A_218 = arith.addi %mul3A_216, %add3A_217 : i32
    "tpu.region"() ({
      %run_scoped3A = tpu.sem_alloc : memref<!tpu.dma_semaphore, #tpu.memory_space<semaphore_mem>>
      %dma_start3A_360 = arith.constant 0 : i32
      %dma_start3A_361 = tpu.memref_slice %arg15[%add3A_218, %dma_start3A_360] : memref<10008x128xf32, #tpu.memory_space<vmem_shared>> -> memref<25x128xf32, #tpu.memory_space<vmem_shared>>
      %dma_start3A_362 = arith.constant 0 : i32
      %dma_start3A_363 = tpu.memref_slice %arg15[%add3A_218, %dma_start3A_362] : memref<10008x128xf32, #tpu.memory_space<vmem_shared>> -> memref<25x128xf32, #tpu.memory_space<vmem_shared>>
      tpu.enqueue_dma source(%arg12 : memref<25x128xf32, #tpu.memory_space<vmem>>) target(%dma_start3A_363 : memref<25x128xf32, #tpu.memory_space<vmem_shared>>) target_semaphore(%run_scoped3A : memref<!tpu.dma_semaphore, #tpu.memory_space<semaphore_mem>>)
      %dma_wait3A = arith.constant 0 : i32
      %dma_wait3A_364 = tpu.memref_slice %arg15[%add3A_218, %dma_wait3A] : memref<10008x128xf32, #tpu.memory_space<vmem_shared>> -> memref<25x128xf32, #tpu.memory_space<vmem_shared>>
      %dma_wait3A_365 = arith.constant 0 : i32
      %dma_wait3A_366 = tpu.memref_slice %arg15[%add3A_218, %dma_wait3A_365] : memref<10008x128xf32, #tpu.memory_space<vmem_shared>> -> memref<25x128xf32, #tpu.memory_space<vmem_shared>>
      tpu.wait_dma2 semaphore(%run_scoped3A : memref<!tpu.dma_semaphore, #tpu.memory_space<semaphore_mem>>) src(%arg12 : memref<25x128xf32, #tpu.memory_space<vmem>>) dst(%dma_wait3A_366 : memref<25x128xf32, #tpu.memory_space<vmem_shared>>)
      tpu.yield
    }) : () -> ()
    %mul3A_219 = arith.constant 625 : i32
    %mul3A_220 = arith.muli %arg1, %mul3A_219 : i32
    %add3A_221 = arith.constant 75 : i32
    %add3A_222 = arith.addi %mul3A_220, %add3A_221 : i32
    "tpu.region"() ({
      %run_scoped3A = tpu.sem_alloc : memref<!tpu.dma_semaphore, #tpu.memory_space<semaphore_mem>>
      %dma_start3A_360 = arith.constant 0 : i32
      %dma_start3A_361 = tpu.memref_slice %arg15[%add3A_222, %dma_start3A_360] : memref<10008x128xf32, #tpu.memory_space<vmem_shared>> -> memref<25x128xf32, #tpu.memory_space<vmem_shared>>
      %dma_start3A_362 = arith.constant 0 : i32
      %dma_start3A_363 = tpu.memref_slice %arg15[%add3A_222, %dma_start3A_362] : memref<10008x128xf32, #tpu.memory_space<vmem_shared>> -> memref<25x128xf32, #tpu.memory_space<vmem_shared>>
      tpu.enqueue_dma source(%arg12 : memref<25x128xf32, #tpu.memory_space<vmem>>) target(%dma_start3A_363 : memref<25x128xf32, #tpu.memory_space<vmem_shared>>) target_semaphore(%run_scoped3A : memref<!tpu.dma_semaphore, #tpu.memory_space<semaphore_mem>>)
      %dma_wait3A = arith.constant 0 : i32
      %dma_wait3A_364 = tpu.memref_slice %arg15[%add3A_222, %dma_wait3A] : memref<10008x128xf32, #tpu.memory_space<vmem_shared>> -> memref<25x128xf32, #tpu.memory_space<vmem_shared>>
      %dma_wait3A_365 = arith.constant 0 : i32
      %dma_wait3A_366 = tpu.memref_slice %arg15[%add3A_222, %dma_wait3A_365] : memref<10008x128xf32, #tpu.memory_space<vmem_shared>> -> memref<25x128xf32, #tpu.memory_space<vmem_shared>>
      tpu.wait_dma2 semaphore(%run_scoped3A : memref<!tpu.dma_semaphore, #tpu.memory_space<semaphore_mem>>) src(%arg12 : memref<25x128xf32, #tpu.memory_space<vmem>>) dst(%dma_wait3A_366 : memref<25x128xf32, #tpu.memory_space<vmem_shared>>)
      tpu.yield
    }) : () -> ()
    %mul3A_223 = arith.constant 625 : i32
    %mul3A_224 = arith.muli %arg1, %mul3A_223 : i32
    %add3A_225 = arith.constant 100 : i32
    %add3A_226 = arith.addi %mul3A_224, %add3A_225 : i32
    "tpu.region"() ({
      %run_scoped3A = tpu.sem_alloc : memref<!tpu.dma_semaphore, #tpu.memory_space<semaphore_mem>>
      %dma_start3A_360 = arith.constant 0 : i32
      %dma_start3A_361 = tpu.memref_slice %arg15[%add3A_226, %dma_start3A_360] : memref<10008x128xf32, #tpu.memory_space<vmem_shared>> -> memref<25x128xf32, #tpu.memory_space<vmem_shared>>
      %dma_start3A_362 = arith.constant 0 : i32
      %dma_start3A_363 = tpu.memref_slice %arg15[%add3A_226, %dma_start3A_362] : memref<10008x128xf32, #tpu.memory_space<vmem_shared>> -> memref<25x128xf32, #tpu.memory_space<vmem_shared>>
      tpu.enqueue_dma source(%arg12 : memref<25x128xf32, #tpu.memory_space<vmem>>) target(%dma_start3A_363 : memref<25x128xf32, #tpu.memory_space<vmem_shared>>) target_semaphore(%run_scoped3A : memref<!tpu.dma_semaphore, #tpu.memory_space<semaphore_mem>>)
      %dma_wait3A = arith.constant 0 : i32
      %dma_wait3A_364 = tpu.memref_slice %arg15[%add3A_226, %dma_wait3A] : memref<10008x128xf32, #tpu.memory_space<vmem_shared>> -> memref<25x128xf32, #tpu.memory_space<vmem_shared>>
      %dma_wait3A_365 = arith.constant 0 : i32
      %dma_wait3A_366 = tpu.memref_slice %arg15[%add3A_226, %dma_wait3A_365] : memref<10008x128xf32, #tpu.memory_space<vmem_shared>> -> memref<25x128xf32, #tpu.memory_space<vmem_shared>>
      tpu.wait_dma2 semaphore(%run_scoped3A : memref<!tpu.dma_semaphore, #tpu.memory_space<semaphore_mem>>) src(%arg12 : memref<25x128xf32, #tpu.memory_space<vmem>>) dst(%dma_wait3A_366 : memref<25x128xf32, #tpu.memory_space<vmem_shared>>)
      tpu.yield
    }) : () -> ()
    %mul3A_227 = arith.constant 625 : i32
    %mul3A_228 = arith.muli %arg1, %mul3A_227 : i32
    %add3A_229 = arith.constant 125 : i32
    %add3A_230 = arith.addi %mul3A_228, %add3A_229 : i32
    "tpu.region"() ({
      %run_scoped3A = tpu.sem_alloc : memref<!tpu.dma_semaphore, #tpu.memory_space<semaphore_mem>>
      %dma_start3A_360 = arith.constant 0 : i32
      %dma_start3A_361 = tpu.memref_slice %arg15[%add3A_230, %dma_start3A_360] : memref<10008x128xf32, #tpu.memory_space<vmem_shared>> -> memref<25x128xf32, #tpu.memory_space<vmem_shared>>
      %dma_start3A_362 = arith.constant 0 : i32
      %dma_start3A_363 = tpu.memref_slice %arg15[%add3A_230, %dma_start3A_362] : memref<10008x128xf32, #tpu.memory_space<vmem_shared>> -> memref<25x128xf32, #tpu.memory_space<vmem_shared>>
      tpu.enqueue_dma source(%arg12 : memref<25x128xf32, #tpu.memory_space<vmem>>) target(%dma_start3A_363 : memref<25x128xf32, #tpu.memory_space<vmem_shared>>) target_semaphore(%run_scoped3A : memref<!tpu.dma_semaphore, #tpu.memory_space<semaphore_mem>>)
      %dma_wait3A = arith.constant 0 : i32
      %dma_wait3A_364 = tpu.memref_slice %arg15[%add3A_230, %dma_wait3A] : memref<10008x128xf32, #tpu.memory_space<vmem_shared>> -> memref<25x128xf32, #tpu.memory_space<vmem_shared>>
      %dma_wait3A_365 = arith.constant 0 : i32
      %dma_wait3A_366 = tpu.memref_slice %arg15[%add3A_230, %dma_wait3A_365] : memref<10008x128xf32, #tpu.memory_space<vmem_shared>> -> memref<25x128xf32, #tpu.memory_space<vmem_shared>>
      tpu.wait_dma2 semaphore(%run_scoped3A : memref<!tpu.dma_semaphore, #tpu.memory_space<semaphore_mem>>) src(%arg12 : memref<25x128xf32, #tpu.memory_space<vmem>>) dst(%dma_wait3A_366 : memref<25x128xf32, #tpu.memory_space<vmem_shared>>)
      tpu.yield
    }) : () -> ()
    %mul3A_231 = arith.constant 625 : i32
    %mul3A_232 = arith.muli %arg1, %mul3A_231 : i32
    %add3A_233 = arith.constant 150 : i32
    %add3A_234 = arith.addi %mul3A_232, %add3A_233 : i32
    "tpu.region"() ({
      %run_scoped3A = tpu.sem_alloc : memref<!tpu.dma_semaphore, #tpu.memory_space<semaphore_mem>>
      %dma_start3A_360 = arith.constant 0 : i32
      %dma_start3A_361 = tpu.memref_slice %arg15[%add3A_234, %dma_start3A_360] : memref<10008x128xf32, #tpu.memory_space<vmem_shared>> -> memref<25x128xf32, #tpu.memory_space<vmem_shared>>
      %dma_start3A_362 = arith.constant 0 : i32
      %dma_start3A_363 = tpu.memref_slice %arg15[%add3A_234, %dma_start3A_362] : memref<10008x128xf32, #tpu.memory_space<vmem_shared>> -> memref<25x128xf32, #tpu.memory_space<vmem_shared>>
      tpu.enqueue_dma source(%arg12 : memref<25x128xf32, #tpu.memory_space<vmem>>) target(%dma_start3A_363 : memref<25x128xf32, #tpu.memory_space<vmem_shared>>) target_semaphore(%run_scoped3A : memref<!tpu.dma_semaphore, #tpu.memory_space<semaphore_mem>>)
      %dma_wait3A = arith.constant 0 : i32
      %dma_wait3A_364 = tpu.memref_slice %arg15[%add3A_234, %dma_wait3A] : memref<10008x128xf32, #tpu.memory_space<vmem_shared>> -> memref<25x128xf32, #tpu.memory_space<vmem_shared>>
      %dma_wait3A_365 = arith.constant 0 : i32
      %dma_wait3A_366 = tpu.memref_slice %arg15[%add3A_234, %dma_wait3A_365] : memref<10008x128xf32, #tpu.memory_space<vmem_shared>> -> memref<25x128xf32, #tpu.memory_space<vmem_shared>>
      tpu.wait_dma2 semaphore(%run_scoped3A : memref<!tpu.dma_semaphore, #tpu.memory_space<semaphore_mem>>) src(%arg12 : memref<25x128xf32, #tpu.memory_space<vmem>>) dst(%dma_wait3A_366 : memref<25x128xf32, #tpu.memory_space<vmem_shared>>)
      tpu.yield
    }) : () -> ()
    %mul3A_235 = arith.constant 625 : i32
    %mul3A_236 = arith.muli %arg1, %mul3A_235 : i32
    %add3A_237 = arith.constant 175 : i32
    %add3A_238 = arith.addi %mul3A_236, %add3A_237 : i32
    "tpu.region"() ({
      %run_scoped3A = tpu.sem_alloc : memref<!tpu.dma_semaphore, #tpu.memory_space<semaphore_mem>>
      %dma_start3A_360 = arith.constant 0 : i32
      %dma_start3A_361 = tpu.memref_slice %arg15[%add3A_238, %dma_start3A_360] : memref<10008x128xf32, #tpu.memory_space<vmem_shared>> -> memref<25x128xf32, #tpu.memory_space<vmem_shared>>
      %dma_start3A_362 = arith.constant 0 : i32
      %dma_start3A_363 = tpu.memref_slice %arg15[%add3A_238, %dma_start3A_362] : memref<10008x128xf32, #tpu.memory_space<vmem_shared>> -> memref<25x128xf32, #tpu.memory_space<vmem_shared>>
      tpu.enqueue_dma source(%arg12 : memref<25x128xf32, #tpu.memory_space<vmem>>) target(%dma_start3A_363 : memref<25x128xf32, #tpu.memory_space<vmem_shared>>) target_semaphore(%run_scoped3A : memref<!tpu.dma_semaphore, #tpu.memory_space<semaphore_mem>>)
      %dma_wait3A = arith.constant 0 : i32
      %dma_wait3A_364 = tpu.memref_slice %arg15[%add3A_238, %dma_wait3A] : memref<10008x128xf32, #tpu.memory_space<vmem_shared>> -> memref<25x128xf32, #tpu.memory_space<vmem_shared>>
      %dma_wait3A_365 = arith.constant 0 : i32
      %dma_wait3A_366 = tpu.memref_slice %arg15[%add3A_238, %dma_wait3A_365] : memref<10008x128xf32, #tpu.memory_space<vmem_shared>> -> memref<25x128xf32, #tpu.memory_space<vmem_shared>>
      tpu.wait_dma2 semaphore(%run_scoped3A : memref<!tpu.dma_semaphore, #tpu.memory_space<semaphore_mem>>) src(%arg12 : memref<25x128xf32, #tpu.memory_space<vmem>>) dst(%dma_wait3A_366 : memref<25x128xf32, #tpu.memory_space<vmem_shared>>)
      tpu.yield
    }) : () -> ()
    %mul3A_239 = arith.constant 625 : i32
    %mul3A_240 = arith.muli %arg1, %mul3A_239 : i32
    %add3A_241 = arith.constant 200 : i32
    %add3A_242 = arith.addi %mul3A_240, %add3A_241 : i32
    "tpu.region"() ({
      %run_scoped3A = tpu.sem_alloc : memref<!tpu.dma_semaphore, #tpu.memory_space<semaphore_mem>>
      %dma_start3A_360 = arith.constant 0 : i32
      %dma_start3A_361 = tpu.memref_slice %arg15[%add3A_242, %dma_start3A_360] : memref<10008x128xf32, #tpu.memory_space<vmem_shared>> -> memref<25x128xf32, #tpu.memory_space<vmem_shared>>
      %dma_start3A_362 = arith.constant 0 : i32
      %dma_start3A_363 = tpu.memref_slice %arg15[%add3A_242, %dma_start3A_362] : memref<10008x128xf32, #tpu.memory_space<vmem_shared>> -> memref<25x128xf32, #tpu.memory_space<vmem_shared>>
      tpu.enqueue_dma source(%arg12 : memref<25x128xf32, #tpu.memory_space<vmem>>) target(%dma_start3A_363 : memref<25x128xf32, #tpu.memory_space<vmem_shared>>) target_semaphore(%run_scoped3A : memref<!tpu.dma_semaphore, #tpu.memory_space<semaphore_mem>>)
      %dma_wait3A = arith.constant 0 : i32
      %dma_wait3A_364 = tpu.memref_slice %arg15[%add3A_242, %dma_wait3A] : memref<10008x128xf32, #tpu.memory_space<vmem_shared>> -> memref<25x128xf32, #tpu.memory_space<vmem_shared>>
      %dma_wait3A_365 = arith.constant 0 : i32
      %dma_wait3A_366 = tpu.memref_slice %arg15[%add3A_242, %dma_wait3A_365] : memref<10008x128xf32, #tpu.memory_space<vmem_shared>> -> memref<25x128xf32, #tpu.memory_space<vmem_shared>>
      tpu.wait_dma2 semaphore(%run_scoped3A : memref<!tpu.dma_semaphore, #tpu.memory_space<semaphore_mem>>) src(%arg12 : memref<25x128xf32, #tpu.memory_space<vmem>>) dst(%dma_wait3A_366 : memref<25x128xf32, #tpu.memory_space<vmem_shared>>)
      tpu.yield
    }) : () -> ()
    %mul3A_243 = arith.constant 625 : i32
    %mul3A_244 = arith.muli %arg1, %mul3A_243 : i32
    %add3A_245 = arith.constant 225 : i32
    %add3A_246 = arith.addi %mul3A_244, %add3A_245 : i32
    "tpu.region"() ({
      %run_scoped3A = tpu.sem_alloc : memref<!tpu.dma_semaphore, #tpu.memory_space<semaphore_mem>>
      %dma_start3A_360 = arith.constant 0 : i32
      %dma_start3A_361 = tpu.memref_slice %arg15[%add3A_246, %dma_start3A_360] : memref<10008x128xf32, #tpu.memory_space<vmem_shared>> -> memref<25x128xf32, #tpu.memory_space<vmem_shared>>
      %dma_start3A_362 = arith.constant 0 : i32
      %dma_start3A_363 = tpu.memref_slice %arg15[%add3A_246, %dma_start3A_362] : memref<10008x128xf32, #tpu.memory_space<vmem_shared>> -> memref<25x128xf32, #tpu.memory_space<vmem_shared>>
      tpu.enqueue_dma source(%arg12 : memref<25x128xf32, #tpu.memory_space<vmem>>) target(%dma_start3A_363 : memref<25x128xf32, #tpu.memory_space<vmem_shared>>) target_semaphore(%run_scoped3A : memref<!tpu.dma_semaphore, #tpu.memory_space<semaphore_mem>>)
      %dma_wait3A = arith.constant 0 : i32
      %dma_wait3A_364 = tpu.memref_slice %arg15[%add3A_246, %dma_wait3A] : memref<10008x128xf32, #tpu.memory_space<vmem_shared>> -> memref<25x128xf32, #tpu.memory_space<vmem_shared>>
      %dma_wait3A_365 = arith.constant 0 : i32
      %dma_wait3A_366 = tpu.memref_slice %arg15[%add3A_246, %dma_wait3A_365] : memref<10008x128xf32, #tpu.memory_space<vmem_shared>> -> memref<25x128xf32, #tpu.memory_space<vmem_shared>>
      tpu.wait_dma2 semaphore(%run_scoped3A : memref<!tpu.dma_semaphore, #tpu.memory_space<semaphore_mem>>) src(%arg12 : memref<25x128xf32, #tpu.memory_space<vmem>>) dst(%dma_wait3A_366 : memref<25x128xf32, #tpu.memory_space<vmem_shared>>)
      tpu.yield
    }) : () -> ()
    %mul3A_247 = arith.constant 625 : i32
    %mul3A_248 = arith.muli %arg1, %mul3A_247 : i32
    %add3A_249 = arith.constant 250 : i32
    %add3A_250 = arith.addi %mul3A_248, %add3A_249 : i32
    "tpu.region"() ({
      %run_scoped3A = tpu.sem_alloc : memref<!tpu.dma_semaphore, #tpu.memory_space<semaphore_mem>>
      %dma_start3A_360 = arith.constant 0 : i32
      %dma_start3A_361 = tpu.memref_slice %arg15[%add3A_250, %dma_start3A_360] : memref<10008x128xf32, #tpu.memory_space<vmem_shared>> -> memref<25x128xf32, #tpu.memory_space<vmem_shared>>
      %dma_start3A_362 = arith.constant 0 : i32
      %dma_start3A_363 = tpu.memref_slice %arg15[%add3A_250, %dma_start3A_362] : memref<10008x128xf32, #tpu.memory_space<vmem_shared>> -> memref<25x128xf32, #tpu.memory_space<vmem_shared>>
      tpu.enqueue_dma source(%arg12 : memref<25x128xf32, #tpu.memory_space<vmem>>) target(%dma_start3A_363 : memref<25x128xf32, #tpu.memory_space<vmem_shared>>) target_semaphore(%run_scoped3A : memref<!tpu.dma_semaphore, #tpu.memory_space<semaphore_mem>>)
      %dma_wait3A = arith.constant 0 : i32
      %dma_wait3A_364 = tpu.memref_slice %arg15[%add3A_250, %dma_wait3A] : memref<10008x128xf32, #tpu.memory_space<vmem_shared>> -> memref<25x128xf32, #tpu.memory_space<vmem_shared>>
      %dma_wait3A_365 = arith.constant 0 : i32
      %dma_wait3A_366 = tpu.memref_slice %arg15[%add3A_250, %dma_wait3A_365] : memref<10008x128xf32, #tpu.memory_space<vmem_shared>> -> memref<25x128xf32, #tpu.memory_space<vmem_shared>>
      tpu.wait_dma2 semaphore(%run_scoped3A : memref<!tpu.dma_semaphore, #tpu.memory_space<semaphore_mem>>) src(%arg12 : memref<25x128xf32, #tpu.memory_space<vmem>>) dst(%dma_wait3A_366 : memref<25x128xf32, #tpu.memory_space<vmem_shared>>)
      tpu.yield
    }) : () -> ()
    %mul3A_251 = arith.constant 625 : i32
    %mul3A_252 = arith.muli %arg1, %mul3A_251 : i32
    %add3A_253 = arith.constant 275 : i32
    %add3A_254 = arith.addi %mul3A_252, %add3A_253 : i32
    "tpu.region"() ({
      %run_scoped3A = tpu.sem_alloc : memref<!tpu.dma_semaphore, #tpu.memory_space<semaphore_mem>>
      %dma_start3A_360 = arith.constant 0 : i32
      %dma_start3A_361 = tpu.memref_slice %arg15[%add3A_254, %dma_start3A_360] : memref<10008x128xf32, #tpu.memory_space<vmem_shared>> -> memref<25x128xf32, #tpu.memory_space<vmem_shared>>
      %dma_start3A_362 = arith.constant 0 : i32
      %dma_start3A_363 = tpu.memref_slice %arg15[%add3A_254, %dma_start3A_362] : memref<10008x128xf32, #tpu.memory_space<vmem_shared>> -> memref<25x128xf32, #tpu.memory_space<vmem_shared>>
      tpu.enqueue_dma source(%arg12 : memref<25x128xf32, #tpu.memory_space<vmem>>) target(%dma_start3A_363 : memref<25x128xf32, #tpu.memory_space<vmem_shared>>) target_semaphore(%run_scoped3A : memref<!tpu.dma_semaphore, #tpu.memory_space<semaphore_mem>>)
      %dma_wait3A = arith.constant 0 : i32
      %dma_wait3A_364 = tpu.memref_slice %arg15[%add3A_254, %dma_wait3A] : memref<10008x128xf32, #tpu.memory_space<vmem_shared>> -> memref<25x128xf32, #tpu.memory_space<vmem_shared>>
      %dma_wait3A_365 = arith.constant 0 : i32
      %dma_wait3A_366 = tpu.memref_slice %arg15[%add3A_254, %dma_wait3A_365] : memref<10008x128xf32, #tpu.memory_space<vmem_shared>> -> memref<25x128xf32, #tpu.memory_space<vmem_shared>>
      tpu.wait_dma2 semaphore(%run_scoped3A : memref<!tpu.dma_semaphore, #tpu.memory_space<semaphore_mem>>) src(%arg12 : memref<25x128xf32, #tpu.memory_space<vmem>>) dst(%dma_wait3A_366 : memref<25x128xf32, #tpu.memory_space<vmem_shared>>)
      tpu.yield
    }) : () -> ()
    %mul3A_255 = arith.constant 625 : i32
    %mul3A_256 = arith.muli %arg1, %mul3A_255 : i32
    %add3A_257 = arith.constant 300 : i32
    %add3A_258 = arith.addi %mul3A_256, %add3A_257 : i32
    "tpu.region"() ({
      %run_scoped3A = tpu.sem_alloc : memref<!tpu.dma_semaphore, #tpu.memory_space<semaphore_mem>>
      %dma_start3A_360 = arith.constant 0 : i32
      %dma_start3A_361 = tpu.memref_slice %arg15[%add3A_258, %dma_start3A_360] : memref<10008x128xf32, #tpu.memory_space<vmem_shared>> -> memref<25x128xf32, #tpu.memory_space<vmem_shared>>
      %dma_start3A_362 = arith.constant 0 : i32
      %dma_start3A_363 = tpu.memref_slice %arg15[%add3A_258, %dma_start3A_362] : memref<10008x128xf32, #tpu.memory_space<vmem_shared>> -> memref<25x128xf32, #tpu.memory_space<vmem_shared>>
      tpu.enqueue_dma source(%arg12 : memref<25x128xf32, #tpu.memory_space<vmem>>) target(%dma_start3A_363 : memref<25x128xf32, #tpu.memory_space<vmem_shared>>) target_semaphore(%run_scoped3A : memref<!tpu.dma_semaphore, #tpu.memory_space<semaphore_mem>>)
      %dma_wait3A = arith.constant 0 : i32
      %dma_wait3A_364 = tpu.memref_slice %arg15[%add3A_258, %dma_wait3A] : memref<10008x128xf32, #tpu.memory_space<vmem_shared>> -> memref<25x128xf32, #tpu.memory_space<vmem_shared>>
      %dma_wait3A_365 = arith.constant 0 : i32
      %dma_wait3A_366 = tpu.memref_slice %arg15[%add3A_258, %dma_wait3A_365] : memref<10008x128xf32, #tpu.memory_space<vmem_shared>> -> memref<25x128xf32, #tpu.memory_space<vmem_shared>>
      tpu.wait_dma2 semaphore(%run_scoped3A : memref<!tpu.dma_semaphore, #tpu.memory_space<semaphore_mem>>) src(%arg12 : memref<25x128xf32, #tpu.memory_space<vmem>>) dst(%dma_wait3A_366 : memref<25x128xf32, #tpu.memory_space<vmem_shared>>)
      tpu.yield
    }) : () -> ()
    %mul3A_259 = arith.constant 625 : i32
    %mul3A_260 = arith.muli %arg1, %mul3A_259 : i32
    %add3A_261 = arith.constant 325 : i32
    %add3A_262 = arith.addi %mul3A_260, %add3A_261 : i32
    "tpu.region"() ({
      %run_scoped3A = tpu.sem_alloc : memref<!tpu.dma_semaphore, #tpu.memory_space<semaphore_mem>>
      %dma_start3A_360 = arith.constant 0 : i32
      %dma_start3A_361 = tpu.memref_slice %arg15[%add3A_262, %dma_start3A_360] : memref<10008x128xf32, #tpu.memory_space<vmem_shared>> -> memref<25x128xf32, #tpu.memory_space<vmem_shared>>
      %dma_start3A_362 = arith.constant 0 : i32
      %dma_start3A_363 = tpu.memref_slice %arg15[%add3A_262, %dma_start3A_362] : memref<10008x128xf32, #tpu.memory_space<vmem_shared>> -> memref<25x128xf32, #tpu.memory_space<vmem_shared>>
      tpu.enqueue_dma source(%arg12 : memref<25x128xf32, #tpu.memory_space<vmem>>) target(%dma_start3A_363 : memref<25x128xf32, #tpu.memory_space<vmem_shared>>) target_semaphore(%run_scoped3A : memref<!tpu.dma_semaphore, #tpu.memory_space<semaphore_mem>>)
      %dma_wait3A = arith.constant 0 : i32
      %dma_wait3A_364 = tpu.memref_slice %arg15[%add3A_262, %dma_wait3A] : memref<10008x128xf32, #tpu.memory_space<vmem_shared>> -> memref<25x128xf32, #tpu.memory_space<vmem_shared>>
      %dma_wait3A_365 = arith.constant 0 : i32
      %dma_wait3A_366 = tpu.memref_slice %arg15[%add3A_262, %dma_wait3A_365] : memref<10008x128xf32, #tpu.memory_space<vmem_shared>> -> memref<25x128xf32, #tpu.memory_space<vmem_shared>>
      tpu.wait_dma2 semaphore(%run_scoped3A : memref<!tpu.dma_semaphore, #tpu.memory_space<semaphore_mem>>) src(%arg12 : memref<25x128xf32, #tpu.memory_space<vmem>>) dst(%dma_wait3A_366 : memref<25x128xf32, #tpu.memory_space<vmem_shared>>)
      tpu.yield
    }) : () -> ()
    %mul3A_263 = arith.constant 625 : i32
    %mul3A_264 = arith.muli %arg1, %mul3A_263 : i32
    %add3A_265 = arith.constant 350 : i32
    %add3A_266 = arith.addi %mul3A_264, %add3A_265 : i32
    "tpu.region"() ({
      %run_scoped3A = tpu.sem_alloc : memref<!tpu.dma_semaphore, #tpu.memory_space<semaphore_mem>>
      %dma_start3A_360 = arith.constant 0 : i32
      %dma_start3A_361 = tpu.memref_slice %arg15[%add3A_266, %dma_start3A_360] : memref<10008x128xf32, #tpu.memory_space<vmem_shared>> -> memref<25x128xf32, #tpu.memory_space<vmem_shared>>
      %dma_start3A_362 = arith.constant 0 : i32
      %dma_start3A_363 = tpu.memref_slice %arg15[%add3A_266, %dma_start3A_362] : memref<10008x128xf32, #tpu.memory_space<vmem_shared>> -> memref<25x128xf32, #tpu.memory_space<vmem_shared>>
      tpu.enqueue_dma source(%arg12 : memref<25x128xf32, #tpu.memory_space<vmem>>) target(%dma_start3A_363 : memref<25x128xf32, #tpu.memory_space<vmem_shared>>) target_semaphore(%run_scoped3A : memref<!tpu.dma_semaphore, #tpu.memory_space<semaphore_mem>>)
      %dma_wait3A = arith.constant 0 : i32
      %dma_wait3A_364 = tpu.memref_slice %arg15[%add3A_266, %dma_wait3A] : memref<10008x128xf32, #tpu.memory_space<vmem_shared>> -> memref<25x128xf32, #tpu.memory_space<vmem_shared>>
      %dma_wait3A_365 = arith.constant 0 : i32
      %dma_wait3A_366 = tpu.memref_slice %arg15[%add3A_266, %dma_wait3A_365] : memref<10008x128xf32, #tpu.memory_space<vmem_shared>> -> memref<25x128xf32, #tpu.memory_space<vmem_shared>>
      tpu.wait_dma2 semaphore(%run_scoped3A : memref<!tpu.dma_semaphore, #tpu.memory_space<semaphore_mem>>) src(%arg12 : memref<25x128xf32, #tpu.memory_space<vmem>>) dst(%dma_wait3A_366 : memref<25x128xf32, #tpu.memory_space<vmem_shared>>)
      tpu.yield
    }) : () -> ()
    %mul3A_267 = arith.constant 625 : i32
    %mul3A_268 = arith.muli %arg1, %mul3A_267 : i32
    %add3A_269 = arith.constant 375 : i32
    %add3A_270 = arith.addi %mul3A_268, %add3A_269 : i32
    "tpu.region"() ({
      %run_scoped3A = tpu.sem_alloc : memref<!tpu.dma_semaphore, #tpu.memory_space<semaphore_mem>>
      %dma_start3A_360 = arith.constant 0 : i32
      %dma_start3A_361 = tpu.memref_slice %arg15[%add3A_270, %dma_start3A_360] : memref<10008x128xf32, #tpu.memory_space<vmem_shared>> -> memref<25x128xf32, #tpu.memory_space<vmem_shared>>
      %dma_start3A_362 = arith.constant 0 : i32
      %dma_start3A_363 = tpu.memref_slice %arg15[%add3A_270, %dma_start3A_362] : memref<10008x128xf32, #tpu.memory_space<vmem_shared>> -> memref<25x128xf32, #tpu.memory_space<vmem_shared>>
      tpu.enqueue_dma source(%arg12 : memref<25x128xf32, #tpu.memory_space<vmem>>) target(%dma_start3A_363 : memref<25x128xf32, #tpu.memory_space<vmem_shared>>) target_semaphore(%run_scoped3A : memref<!tpu.dma_semaphore, #tpu.memory_space<semaphore_mem>>)
      %dma_wait3A = arith.constant 0 : i32
      %dma_wait3A_364 = tpu.memref_slice %arg15[%add3A_270, %dma_wait3A] : memref<10008x128xf32, #tpu.memory_space<vmem_shared>> -> memref<25x128xf32, #tpu.memory_space<vmem_shared>>
      %dma_wait3A_365 = arith.constant 0 : i32
      %dma_wait3A_366 = tpu.memref_slice %arg15[%add3A_270, %dma_wait3A_365] : memref<10008x128xf32, #tpu.memory_space<vmem_shared>> -> memref<25x128xf32, #tpu.memory_space<vmem_shared>>
      tpu.wait_dma2 semaphore(%run_scoped3A : memref<!tpu.dma_semaphore, #tpu.memory_space<semaphore_mem>>) src(%arg12 : memref<25x128xf32, #tpu.memory_space<vmem>>) dst(%dma_wait3A_366 : memref<25x128xf32, #tpu.memory_space<vmem_shared>>)
      tpu.yield
    }) : () -> ()
    %mul3A_271 = arith.constant 625 : i32
    %mul3A_272 = arith.muli %arg1, %mul3A_271 : i32
    %add3A_273 = arith.constant 400 : i32
    %add3A_274 = arith.addi %mul3A_272, %add3A_273 : i32
    "tpu.region"() ({
      %run_scoped3A = tpu.sem_alloc : memref<!tpu.dma_semaphore, #tpu.memory_space<semaphore_mem>>
      %dma_start3A_360 = arith.constant 0 : i32
      %dma_start3A_361 = tpu.memref_slice %arg15[%add3A_274, %dma_start3A_360] : memref<10008x128xf32, #tpu.memory_space<vmem_shared>> -> memref<25x128xf32, #tpu.memory_space<vmem_shared>>
      %dma_start3A_362 = arith.constant 0 : i32
      %dma_start3A_363 = tpu.memref_slice %arg15[%add3A_274, %dma_start3A_362] : memref<10008x128xf32, #tpu.memory_space<vmem_shared>> -> memref<25x128xf32, #tpu.memory_space<vmem_shared>>
      tpu.enqueue_dma source(%arg12 : memref<25x128xf32, #tpu.memory_space<vmem>>) target(%dma_start3A_363 : memref<25x128xf32, #tpu.memory_space<vmem_shared>>) target_semaphore(%run_scoped3A : memref<!tpu.dma_semaphore, #tpu.memory_space<semaphore_mem>>)
      %dma_wait3A = arith.constant 0 : i32
      %dma_wait3A_364 = tpu.memref_slice %arg15[%add3A_274, %dma_wait3A] : memref<10008x128xf32, #tpu.memory_space<vmem_shared>> -> memref<25x128xf32, #tpu.memory_space<vmem_shared>>
      %dma_wait3A_365 = arith.constant 0 : i32
      %dma_wait3A_366 = tpu.memref_slice %arg15[%add3A_274, %dma_wait3A_365] : memref<10008x128xf32, #tpu.memory_space<vmem_shared>> -> memref<25x128xf32, #tpu.memory_space<vmem_shared>>
      tpu.wait_dma2 semaphore(%run_scoped3A : memref<!tpu.dma_semaphore, #tpu.memory_space<semaphore_mem>>) src(%arg12 : memref<25x128xf32, #tpu.memory_space<vmem>>) dst(%dma_wait3A_366 : memref<25x128xf32, #tpu.memory_space<vmem_shared>>)
      tpu.yield
    }) : () -> ()
    %mul3A_275 = arith.constant 625 : i32
    %mul3A_276 = arith.muli %arg1, %mul3A_275 : i32
    %add3A_277 = arith.constant 425 : i32
    %add3A_278 = arith.addi %mul3A_276, %add3A_277 : i32
    "tpu.region"() ({
      %run_scoped3A = tpu.sem_alloc : memref<!tpu.dma_semaphore, #tpu.memory_space<semaphore_mem>>
      %dma_start3A_360 = arith.constant 0 : i32
      %dma_start3A_361 = tpu.memref_slice %arg15[%add3A_278, %dma_start3A_360] : memref<10008x128xf32, #tpu.memory_space<vmem_shared>> -> memref<25x128xf32, #tpu.memory_space<vmem_shared>>
      %dma_start3A_362 = arith.constant 0 : i32
      %dma_start3A_363 = tpu.memref_slice %arg15[%add3A_278, %dma_start3A_362] : memref<10008x128xf32, #tpu.memory_space<vmem_shared>> -> memref<25x128xf32, #tpu.memory_space<vmem_shared>>
      tpu.enqueue_dma source(%arg12 : memref<25x128xf32, #tpu.memory_space<vmem>>) target(%dma_start3A_363 : memref<25x128xf32, #tpu.memory_space<vmem_shared>>) target_semaphore(%run_scoped3A : memref<!tpu.dma_semaphore, #tpu.memory_space<semaphore_mem>>)
      %dma_wait3A = arith.constant 0 : i32
      %dma_wait3A_364 = tpu.memref_slice %arg15[%add3A_278, %dma_wait3A] : memref<10008x128xf32, #tpu.memory_space<vmem_shared>> -> memref<25x128xf32, #tpu.memory_space<vmem_shared>>
      %dma_wait3A_365 = arith.constant 0 : i32
      %dma_wait3A_366 = tpu.memref_slice %arg15[%add3A_278, %dma_wait3A_365] : memref<10008x128xf32, #tpu.memory_space<vmem_shared>> -> memref<25x128xf32, #tpu.memory_space<vmem_shared>>
      tpu.wait_dma2 semaphore(%run_scoped3A : memref<!tpu.dma_semaphore, #tpu.memory_space<semaphore_mem>>) src(%arg12 : memref<25x128xf32, #tpu.memory_space<vmem>>) dst(%dma_wait3A_366 : memref<25x128xf32, #tpu.memory_space<vmem_shared>>)
      tpu.yield
    }) : () -> ()
    %mul3A_279 = arith.constant 625 : i32
    %mul3A_280 = arith.muli %arg1, %mul3A_279 : i32
    %add3A_281 = arith.constant 450 : i32
    %add3A_282 = arith.addi %mul3A_280, %add3A_281 : i32
    "tpu.region"() ({
      %run_scoped3A = tpu.sem_alloc : memref<!tpu.dma_semaphore, #tpu.memory_space<semaphore_mem>>
      %dma_start3A_360 = arith.constant 0 : i32
      %dma_start3A_361 = tpu.memref_slice %arg15[%add3A_282, %dma_start3A_360] : memref<10008x128xf32, #tpu.memory_space<vmem_shared>> -> memref<25x128xf32, #tpu.memory_space<vmem_shared>>
      %dma_start3A_362 = arith.constant 0 : i32
      %dma_start3A_363 = tpu.memref_slice %arg15[%add3A_282, %dma_start3A_362] : memref<10008x128xf32, #tpu.memory_space<vmem_shared>> -> memref<25x128xf32, #tpu.memory_space<vmem_shared>>
      tpu.enqueue_dma source(%arg12 : memref<25x128xf32, #tpu.memory_space<vmem>>) target(%dma_start3A_363 : memref<25x128xf32, #tpu.memory_space<vmem_shared>>) target_semaphore(%run_scoped3A : memref<!tpu.dma_semaphore, #tpu.memory_space<semaphore_mem>>)
      %dma_wait3A = arith.constant 0 : i32
      %dma_wait3A_364 = tpu.memref_slice %arg15[%add3A_282, %dma_wait3A] : memref<10008x128xf32, #tpu.memory_space<vmem_shared>> -> memref<25x128xf32, #tpu.memory_space<vmem_shared>>
      %dma_wait3A_365 = arith.constant 0 : i32
      %dma_wait3A_366 = tpu.memref_slice %arg15[%add3A_282, %dma_wait3A_365] : memref<10008x128xf32, #tpu.memory_space<vmem_shared>> -> memref<25x128xf32, #tpu.memory_space<vmem_shared>>
      tpu.wait_dma2 semaphore(%run_scoped3A : memref<!tpu.dma_semaphore, #tpu.memory_space<semaphore_mem>>) src(%arg12 : memref<25x128xf32, #tpu.memory_space<vmem>>) dst(%dma_wait3A_366 : memref<25x128xf32, #tpu.memory_space<vmem_shared>>)
      tpu.yield
    }) : () -> ()
    %mul3A_283 = arith.constant 625 : i32
    %mul3A_284 = arith.muli %arg1, %mul3A_283 : i32
    %add3A_285 = arith.constant 475 : i32
    %add3A_286 = arith.addi %mul3A_284, %add3A_285 : i32
    "tpu.region"() ({
      %run_scoped3A = tpu.sem_alloc : memref<!tpu.dma_semaphore, #tpu.memory_space<semaphore_mem>>
      %dma_start3A_360 = arith.constant 0 : i32
      %dma_start3A_361 = tpu.memref_slice %arg15[%add3A_286, %dma_start3A_360] : memref<10008x128xf32, #tpu.memory_space<vmem_shared>> -> memref<25x128xf32, #tpu.memory_space<vmem_shared>>
      %dma_start3A_362 = arith.constant 0 : i32
      %dma_start3A_363 = tpu.memref_slice %arg15[%add3A_286, %dma_start3A_362] : memref<10008x128xf32, #tpu.memory_space<vmem_shared>> -> memref<25x128xf32, #tpu.memory_space<vmem_shared>>
      tpu.enqueue_dma source(%arg12 : memref<25x128xf32, #tpu.memory_space<vmem>>) target(%dma_start3A_363 : memref<25x128xf32, #tpu.memory_space<vmem_shared>>) target_semaphore(%run_scoped3A : memref<!tpu.dma_semaphore, #tpu.memory_space<semaphore_mem>>)
      %dma_wait3A = arith.constant 0 : i32
      %dma_wait3A_364 = tpu.memref_slice %arg15[%add3A_286, %dma_wait3A] : memref<10008x128xf32, #tpu.memory_space<vmem_shared>> -> memref<25x128xf32, #tpu.memory_space<vmem_shared>>
      %dma_wait3A_365 = arith.constant 0 : i32
      %dma_wait3A_366 = tpu.memref_slice %arg15[%add3A_286, %dma_wait3A_365] : memref<10008x128xf32, #tpu.memory_space<vmem_shared>> -> memref<25x128xf32, #tpu.memory_space<vmem_shared>>
      tpu.wait_dma2 semaphore(%run_scoped3A : memref<!tpu.dma_semaphore, #tpu.memory_space<semaphore_mem>>) src(%arg12 : memref<25x128xf32, #tpu.memory_space<vmem>>) dst(%dma_wait3A_366 : memref<25x128xf32, #tpu.memory_space<vmem_shared>>)
      tpu.yield
    }) : () -> ()
    %mul3A_287 = arith.constant 625 : i32
    %mul3A_288 = arith.muli %arg1, %mul3A_287 : i32
    %add3A_289 = arith.constant 500 : i32
    %add3A_290 = arith.addi %mul3A_288, %add3A_289 : i32
    "tpu.region"() ({
      %run_scoped3A = tpu.sem_alloc : memref<!tpu.dma_semaphore, #tpu.memory_space<semaphore_mem>>
      %dma_start3A_360 = arith.constant 0 : i32
      %dma_start3A_361 = tpu.memref_slice %arg15[%add3A_290, %dma_start3A_360] : memref<10008x128xf32, #tpu.memory_space<vmem_shared>> -> memref<25x128xf32, #tpu.memory_space<vmem_shared>>
      %dma_start3A_362 = arith.constant 0 : i32
      %dma_start3A_363 = tpu.memref_slice %arg15[%add3A_290, %dma_start3A_362] : memref<10008x128xf32, #tpu.memory_space<vmem_shared>> -> memref<25x128xf32, #tpu.memory_space<vmem_shared>>
      tpu.enqueue_dma source(%arg12 : memref<25x128xf32, #tpu.memory_space<vmem>>) target(%dma_start3A_363 : memref<25x128xf32, #tpu.memory_space<vmem_shared>>) target_semaphore(%run_scoped3A : memref<!tpu.dma_semaphore, #tpu.memory_space<semaphore_mem>>)
      %dma_wait3A = arith.constant 0 : i32
      %dma_wait3A_364 = tpu.memref_slice %arg15[%add3A_290, %dma_wait3A] : memref<10008x128xf32, #tpu.memory_space<vmem_shared>> -> memref<25x128xf32, #tpu.memory_space<vmem_shared>>
      %dma_wait3A_365 = arith.constant 0 : i32
      %dma_wait3A_366 = tpu.memref_slice %arg15[%add3A_290, %dma_wait3A_365] : memref<10008x128xf32, #tpu.memory_space<vmem_shared>> -> memref<25x128xf32, #tpu.memory_space<vmem_shared>>
      tpu.wait_dma2 semaphore(%run_scoped3A : memref<!tpu.dma_semaphore, #tpu.memory_space<semaphore_mem>>) src(%arg12 : memref<25x128xf32, #tpu.memory_space<vmem>>) dst(%dma_wait3A_366 : memref<25x128xf32, #tpu.memory_space<vmem_shared>>)
      tpu.yield
    }) : () -> ()
    %mul3A_291 = arith.constant 625 : i32
    %mul3A_292 = arith.muli %arg1, %mul3A_291 : i32
    %add3A_293 = arith.constant 525 : i32
    %add3A_294 = arith.addi %mul3A_292, %add3A_293 : i32
    "tpu.region"() ({
      %run_scoped3A = tpu.sem_alloc : memref<!tpu.dma_semaphore, #tpu.memory_space<semaphore_mem>>
      %dma_start3A_360 = arith.constant 0 : i32
      %dma_start3A_361 = tpu.memref_slice %arg15[%add3A_294, %dma_start3A_360] : memref<10008x128xf32, #tpu.memory_space<vmem_shared>> -> memref<25x128xf32, #tpu.memory_space<vmem_shared>>
      %dma_start3A_362 = arith.constant 0 : i32
      %dma_start3A_363 = tpu.memref_slice %arg15[%add3A_294, %dma_start3A_362] : memref<10008x128xf32, #tpu.memory_space<vmem_shared>> -> memref<25x128xf32, #tpu.memory_space<vmem_shared>>
      tpu.enqueue_dma source(%arg12 : memref<25x128xf32, #tpu.memory_space<vmem>>) target(%dma_start3A_363 : memref<25x128xf32, #tpu.memory_space<vmem_shared>>) target_semaphore(%run_scoped3A : memref<!tpu.dma_semaphore, #tpu.memory_space<semaphore_mem>>)
      %dma_wait3A = arith.constant 0 : i32
      %dma_wait3A_364 = tpu.memref_slice %arg15[%add3A_294, %dma_wait3A] : memref<10008x128xf32, #tpu.memory_space<vmem_shared>> -> memref<25x128xf32, #tpu.memory_space<vmem_shared>>
      %dma_wait3A_365 = arith.constant 0 : i32
      %dma_wait3A_366 = tpu.memref_slice %arg15[%add3A_294, %dma_wait3A_365] : memref<10008x128xf32, #tpu.memory_space<vmem_shared>> -> memref<25x128xf32, #tpu.memory_space<vmem_shared>>
      tpu.wait_dma2 semaphore(%run_scoped3A : memref<!tpu.dma_semaphore, #tpu.memory_space<semaphore_mem>>) src(%arg12 : memref<25x128xf32, #tpu.memory_space<vmem>>) dst(%dma_wait3A_366 : memref<25x128xf32, #tpu.memory_space<vmem_shared>>)
      tpu.yield
    }) : () -> ()
    %mul3A_295 = arith.constant 625 : i32
    %mul3A_296 = arith.muli %arg1, %mul3A_295 : i32
    %add3A_297 = arith.constant 550 : i32
    %add3A_298 = arith.addi %mul3A_296, %add3A_297 : i32
    "tpu.region"() ({
      %run_scoped3A = tpu.sem_alloc : memref<!tpu.dma_semaphore, #tpu.memory_space<semaphore_mem>>
      %dma_start3A_360 = arith.constant 0 : i32
      %dma_start3A_361 = tpu.memref_slice %arg15[%add3A_298, %dma_start3A_360] : memref<10008x128xf32, #tpu.memory_space<vmem_shared>> -> memref<25x128xf32, #tpu.memory_space<vmem_shared>>
      %dma_start3A_362 = arith.constant 0 : i32
      %dma_start3A_363 = tpu.memref_slice %arg15[%add3A_298, %dma_start3A_362] : memref<10008x128xf32, #tpu.memory_space<vmem_shared>> -> memref<25x128xf32, #tpu.memory_space<vmem_shared>>
      tpu.enqueue_dma source(%arg12 : memref<25x128xf32, #tpu.memory_space<vmem>>) target(%dma_start3A_363 : memref<25x128xf32, #tpu.memory_space<vmem_shared>>) target_semaphore(%run_scoped3A : memref<!tpu.dma_semaphore, #tpu.memory_space<semaphore_mem>>)
      %dma_wait3A = arith.constant 0 : i32
      %dma_wait3A_364 = tpu.memref_slice %arg15[%add3A_298, %dma_wait3A] : memref<10008x128xf32, #tpu.memory_space<vmem_shared>> -> memref<25x128xf32, #tpu.memory_space<vmem_shared>>
      %dma_wait3A_365 = arith.constant 0 : i32
      %dma_wait3A_366 = tpu.memref_slice %arg15[%add3A_298, %dma_wait3A_365] : memref<10008x128xf32, #tpu.memory_space<vmem_shared>> -> memref<25x128xf32, #tpu.memory_space<vmem_shared>>
      tpu.wait_dma2 semaphore(%run_scoped3A : memref<!tpu.dma_semaphore, #tpu.memory_space<semaphore_mem>>) src(%arg12 : memref<25x128xf32, #tpu.memory_space<vmem>>) dst(%dma_wait3A_366 : memref<25x128xf32, #tpu.memory_space<vmem_shared>>)
      tpu.yield
    }) : () -> ()
    %mul3A_299 = arith.constant 625 : i32
    %mul3A_300 = arith.muli %arg1, %mul3A_299 : i32
    %add3A_301 = arith.constant 575 : i32
    %add3A_302 = arith.addi %mul3A_300, %add3A_301 : i32
    "tpu.region"() ({
      %run_scoped3A = tpu.sem_alloc : memref<!tpu.dma_semaphore, #tpu.memory_space<semaphore_mem>>
      %dma_start3A_360 = arith.constant 0 : i32
      %dma_start3A_361 = tpu.memref_slice %arg15[%add3A_302, %dma_start3A_360] : memref<10008x128xf32, #tpu.memory_space<vmem_shared>> -> memref<25x128xf32, #tpu.memory_space<vmem_shared>>
      %dma_start3A_362 = arith.constant 0 : i32
      %dma_start3A_363 = tpu.memref_slice %arg15[%add3A_302, %dma_start3A_362] : memref<10008x128xf32, #tpu.memory_space<vmem_shared>> -> memref<25x128xf32, #tpu.memory_space<vmem_shared>>
      tpu.enqueue_dma source(%arg12 : memref<25x128xf32, #tpu.memory_space<vmem>>) target(%dma_start3A_363 : memref<25x128xf32, #tpu.memory_space<vmem_shared>>) target_semaphore(%run_scoped3A : memref<!tpu.dma_semaphore, #tpu.memory_space<semaphore_mem>>)
      %dma_wait3A = arith.constant 0 : i32
      %dma_wait3A_364 = tpu.memref_slice %arg15[%add3A_302, %dma_wait3A] : memref<10008x128xf32, #tpu.memory_space<vmem_shared>> -> memref<25x128xf32, #tpu.memory_space<vmem_shared>>
      %dma_wait3A_365 = arith.constant 0 : i32
      %dma_wait3A_366 = tpu.memref_slice %arg15[%add3A_302, %dma_wait3A_365] : memref<10008x128xf32, #tpu.memory_space<vmem_shared>> -> memref<25x128xf32, #tpu.memory_space<vmem_shared>>
      tpu.wait_dma2 semaphore(%run_scoped3A : memref<!tpu.dma_semaphore, #tpu.memory_space<semaphore_mem>>) src(%arg12 : memref<25x128xf32, #tpu.memory_space<vmem>>) dst(%dma_wait3A_366 : memref<25x128xf32, #tpu.memory_space<vmem_shared>>)
      tpu.yield
    }) : () -> ()
    %mul3A_303 = arith.constant 625 : i32
    %mul3A_304 = arith.muli %arg1, %mul3A_303 : i32
    %add3A_305 = arith.constant 600 : i32
    %add3A_306 = arith.addi %mul3A_304, %add3A_305 : i32
    "tpu.region"() ({
      %run_scoped3A = tpu.sem_alloc : memref<!tpu.dma_semaphore, #tpu.memory_space<semaphore_mem>>
      %dma_start3A_360 = arith.constant 0 : i32
      %dma_start3A_361 = tpu.memref_slice %arg15[%add3A_306, %dma_start3A_360] : memref<10008x128xf32, #tpu.memory_space<vmem_shared>> -> memref<25x128xf32, #tpu.memory_space<vmem_shared>>
      %dma_start3A_362 = arith.constant 0 : i32
      %dma_start3A_363 = tpu.memref_slice %arg15[%add3A_306, %dma_start3A_362] : memref<10008x128xf32, #tpu.memory_space<vmem_shared>> -> memref<25x128xf32, #tpu.memory_space<vmem_shared>>
      tpu.enqueue_dma source(%arg12 : memref<25x128xf32, #tpu.memory_space<vmem>>) target(%dma_start3A_363 : memref<25x128xf32, #tpu.memory_space<vmem_shared>>) target_semaphore(%run_scoped3A : memref<!tpu.dma_semaphore, #tpu.memory_space<semaphore_mem>>)
      %dma_wait3A = arith.constant 0 : i32
      %dma_wait3A_364 = tpu.memref_slice %arg15[%add3A_306, %dma_wait3A] : memref<10008x128xf32, #tpu.memory_space<vmem_shared>> -> memref<25x128xf32, #tpu.memory_space<vmem_shared>>
      %dma_wait3A_365 = arith.constant 0 : i32
      %dma_wait3A_366 = tpu.memref_slice %arg15[%add3A_306, %dma_wait3A_365] : memref<10008x128xf32, #tpu.memory_space<vmem_shared>> -> memref<25x128xf32, #tpu.memory_space<vmem_shared>>
      tpu.wait_dma2 semaphore(%run_scoped3A : memref<!tpu.dma_semaphore, #tpu.memory_space<semaphore_mem>>) src(%arg12 : memref<25x128xf32, #tpu.memory_space<vmem>>) dst(%dma_wait3A_366 : memref<25x128xf32, #tpu.memory_space<vmem_shared>>)
      tpu.yield
    }) : () -> ()
    %mul3A_307 = arith.constant 632 : i32
    %mul3A_308 = arith.muli %arg1, %mul3A_307 : i32
    %lt3A_309 = arith.constant 15 : i32
    %lt3A_310 = arith.cmpi slt, %arg1, %lt3A_309 : i32
    %convert_element_type3A_311 = arith.extui %lt3A_310 : i1 to i32
    %cond3A_312 = arith.constant 0 : i32
    %cond3A_313 = arith.cmpi ne, %convert_element_type3A_311, %cond3A_312 : i32
    scf.if %cond3A_313 {
      "tpu.region"() ({
        %run_scoped3A = tpu.sem_alloc : memref<!tpu.dma_semaphore, #tpu.memory_space<semaphore_mem>>
        %dma_start3A_360 = tpu.memref_slice %arg16[%mul3A_308] : memref<10008xf32, #tpu.memory_space<vmem_shared>> -> memref<632xf32, #tpu.memory_space<vmem_shared>>
        %dma_start3A_361 = tpu.memref_slice %arg16[%mul3A_308] : memref<10008xf32, #tpu.memory_space<vmem_shared>> -> memref<632xf32, #tpu.memory_space<vmem_shared>>
        tpu.enqueue_dma source(%arg13 : memref<632xf32, #tpu.memory_space<vmem>>) target(%dma_start3A_361 : memref<632xf32, #tpu.memory_space<vmem_shared>>) target_semaphore(%run_scoped3A : memref<!tpu.dma_semaphore, #tpu.memory_space<semaphore_mem>>)
        %dma_wait3A = tpu.memref_slice %arg16[%mul3A_308] : memref<10008xf32, #tpu.memory_space<vmem_shared>> -> memref<632xf32, #tpu.memory_space<vmem_shared>>
        %dma_wait3A_362 = tpu.memref_slice %arg16[%mul3A_308] : memref<10008xf32, #tpu.memory_space<vmem_shared>> -> memref<632xf32, #tpu.memory_space<vmem_shared>>
        tpu.wait_dma2 semaphore(%run_scoped3A : memref<!tpu.dma_semaphore, #tpu.memory_space<semaphore_mem>>) src(%arg13 : memref<632xf32, #tpu.memory_space<vmem>>) dst(%dma_wait3A_362 : memref<632xf32, #tpu.memory_space<vmem_shared>>)
        tpu.yield
      }) : () -> ()
    } else {
    }
    %eq3A_314 = arith.constant 15 : i32
    %eq3A_315 = arith.cmpi eq, %arg1, %eq3A_314 : i32
    %convert_element_type3A_316 = arith.extui %eq3A_315 : i1 to i32
    %cond3A_317 = arith.constant 0 : i32
    %cond3A_318 = arith.cmpi ne, %convert_element_type3A_316, %cond3A_317 : i32
    scf.if %cond3A_318 {
      "tpu.region"() ({
        %run_scoped3A = tpu.sem_alloc : memref<!tpu.dma_semaphore, #tpu.memory_space<semaphore_mem>>
        %dma_start3A_360 = arith.constant 0 : i32
        %dma_start3A_361 = tpu.memref_slice %arg13[%dma_start3A_360] : memref<632xf32, #tpu.memory_space<vmem>> -> memref<520xf32, #tpu.memory_space<vmem>>
        %dma_start3A_362 = arith.constant 9480 : i32
        %dma_start3A_363 = tpu.memref_slice %arg16[%dma_start3A_362] : memref<10008xf32, #tpu.memory_space<vmem_shared>> -> memref<520xf32, #tpu.memory_space<vmem_shared>>
        %dma_start3A_364 = arith.constant 9480 : i32
        %dma_start3A_365 = tpu.memref_slice %arg16[%dma_start3A_364] : memref<10008xf32, #tpu.memory_space<vmem_shared>> -> memref<520xf32, #tpu.memory_space<vmem_shared>>
        %dma_start3A_366 = arith.constant 0 : i32
        %dma_start3A_367 = tpu.memref_slice %arg13[%dma_start3A_366] : memref<632xf32, #tpu.memory_space<vmem>> -> memref<520xf32, #tpu.memory_space<vmem>>
        tpu.enqueue_dma source(%dma_start3A_367 : memref<520xf32, #tpu.memory_space<vmem>>) target(%dma_start3A_365 : memref<520xf32, #tpu.memory_space<vmem_shared>>) target_semaphore(%run_scoped3A : memref<!tpu.dma_semaphore, #tpu.memory_space<semaphore_mem>>)
        %dma_wait3A = arith.constant 0 : i32
        %dma_wait3A_368 = tpu.memref_slice %arg13[%dma_wait3A] : memref<632xf32, #tpu.memory_space<vmem>> -> memref<520xf32, #tpu.memory_space<vmem>>
        %dma_wait3A_369 = arith.constant 9480 : i32
        %dma_wait3A_370 = tpu.memref_slice %arg16[%dma_wait3A_369] : memref<10008xf32, #tpu.memory_space<vmem_shared>> -> memref<520xf32, #tpu.memory_space<vmem_shared>>
        %dma_wait3A_371 = arith.constant 9480 : i32
        %dma_wait3A_372 = tpu.memref_slice %arg16[%dma_wait3A_371] : memref<10008xf32, #tpu.memory_space<vmem_shared>> -> memref<520xf32, #tpu.memory_space<vmem_shared>>
        %dma_wait3A_373 = arith.constant 0 : i32
        %dma_wait3A_374 = tpu.memref_slice %arg13[%dma_wait3A_373] : memref<632xf32, #tpu.memory_space<vmem>> -> memref<520xf32, #tpu.memory_space<vmem>>
        tpu.wait_dma2 semaphore(%run_scoped3A : memref<!tpu.dma_semaphore, #tpu.memory_space<semaphore_mem>>) src(%dma_wait3A_374 : memref<520xf32, #tpu.memory_space<vmem>>) dst(%dma_wait3A_372 : memref<520xf32, #tpu.memory_space<vmem_shared>>)
        tpu.yield
      }) : () -> ()
    } else {
    }
    %barrier3A_319 = arith.constant 0 : index
    tpu.barrier barrier_id(%barrier3A_319)
    "tpu.region"() ({
      %run_scoped3A = tpu.sem_alloc : memref<!tpu.dma_semaphore, #tpu.memory_space<semaphore_mem>>
      %dma_start3A_360 = arith.constant 0 : i32
      %dma_start3A_361 = arith.constant 0 : i32
      %dma_start3A_362 = tpu.memref_slice %arg3[%add3A_206, %arg1, %dma_start3A_360, %dma_start3A_361] : memref<4x16x40x128xi32, #tpu.memory_space<hbm>> -> memref<1x1x40x128xi32, #tpu.memory_space<hbm>>
      %dma_start3A_363 = tpu.memref_squeeze %dma_start3A_362 : memref<1x1x40x128xi32, #tpu.memory_space<hbm>> -> memref<40x128xi32, #tpu.memory_space<hbm>>
      %dma_start3A_364 = arith.constant 0 : i32
      %dma_start3A_365 = arith.constant 0 : i32
      %dma_start3A_366 = tpu.memref_slice %arg3[%add3A_206, %arg1, %dma_start3A_364, %dma_start3A_365] : memref<4x16x40x128xi32, #tpu.memory_space<hbm>> -> memref<1x1x40x128xi32, #tpu.memory_space<hbm>>
      %dma_start3A_367 = tpu.memref_squeeze %dma_start3A_366 : memref<1x1x40x128xi32, #tpu.memory_space<hbm>> -> memref<40x128xi32, #tpu.memory_space<hbm>>
      tpu.enqueue_dma source(%dma_start3A_367 : memref<40x128xi32, #tpu.memory_space<hbm>>) target(%arg7 : memref<40x128xi32, #tpu.memory_space<vmem>>) target_semaphore(%run_scoped3A : memref<!tpu.dma_semaphore, #tpu.memory_space<semaphore_mem>>)
      %dma_wait3A = arith.constant 0 : i32
      %dma_wait3A_368 = arith.constant 0 : i32
      %dma_wait3A_369 = tpu.memref_slice %arg3[%add3A_206, %arg1, %dma_wait3A, %dma_wait3A_368] : memref<4x16x40x128xi32, #tpu.memory_space<hbm>> -> memref<1x1x40x128xi32, #tpu.memory_space<hbm>>
      %dma_wait3A_370 = tpu.memref_squeeze %dma_wait3A_369 : memref<1x1x40x128xi32, #tpu.memory_space<hbm>> -> memref<40x128xi32, #tpu.memory_space<hbm>>
      %dma_wait3A_371 = arith.constant 0 : i32
      %dma_wait3A_372 = arith.constant 0 : i32
      %dma_wait3A_373 = tpu.memref_slice %arg3[%add3A_206, %arg1, %dma_wait3A_371, %dma_wait3A_372] : memref<4x16x40x128xi32, #tpu.memory_space<hbm>> -> memref<1x1x40x128xi32, #tpu.memory_space<hbm>>
      %dma_wait3A_374 = tpu.memref_squeeze %dma_wait3A_373 : memref<1x1x40x128xi32, #tpu.memory_space<hbm>> -> memref<40x128xi32, #tpu.memory_space<hbm>>
      tpu.wait_dma2 semaphore(%run_scoped3A : memref<!tpu.dma_semaphore, #tpu.memory_space<semaphore_mem>>) src(%dma_wait3A_374 : memref<40x128xi32, #tpu.memory_space<hbm>>) dst(%arg7 : memref<40x128xi32, #tpu.memory_space<vmem>>)
      tpu.yield
    }) : () -> ()
    "tpu.region"() ({
      %run_scoped3A = tpu.sem_alloc : memref<!tpu.dma_semaphore, #tpu.memory_space<semaphore_mem>>
      %dma_start3A_360 = arith.constant 0 : i32
      %dma_start3A_361 = arith.constant 0 : i32
      %dma_start3A_362 = tpu.memref_slice %arg4[%add3A_206, %arg1, %dma_start3A_360, %dma_start3A_361] : memref<4x16x40x128xi32, #tpu.memory_space<hbm>> -> memref<1x1x40x128xi32, #tpu.memory_space<hbm>>
      %dma_start3A_363 = tpu.memref_squeeze %dma_start3A_362 : memref<1x1x40x128xi32, #tpu.memory_space<hbm>> -> memref<40x128xi32, #tpu.memory_space<hbm>>
      %dma_start3A_364 = arith.constant 0 : i32
      %dma_start3A_365 = arith.constant 0 : i32
      %dma_start3A_366 = tpu.memref_slice %arg4[%add3A_206, %arg1, %dma_start3A_364, %dma_start3A_365] : memref<4x16x40x128xi32, #tpu.memory_space<hbm>> -> memref<1x1x40x128xi32, #tpu.memory_space<hbm>>
      %dma_start3A_367 = tpu.memref_squeeze %dma_start3A_366 : memref<1x1x40x128xi32, #tpu.memory_space<hbm>> -> memref<40x128xi32, #tpu.memory_space<hbm>>
      tpu.enqueue_dma source(%dma_start3A_367 : memref<40x128xi32, #tpu.memory_space<hbm>>) target(%arg8 : memref<40x128xi32, #tpu.memory_space<vmem>>) target_semaphore(%run_scoped3A : memref<!tpu.dma_semaphore, #tpu.memory_space<semaphore_mem>>)
      %dma_wait3A = arith.constant 0 : i32
      %dma_wait3A_368 = arith.constant 0 : i32
      %dma_wait3A_369 = tpu.memref_slice %arg4[%add3A_206, %arg1, %dma_wait3A, %dma_wait3A_368] : memref<4x16x40x128xi32, #tpu.memory_space<hbm>> -> memref<1x1x40x128xi32, #tpu.memory_space<hbm>>
      %dma_wait3A_370 = tpu.memref_squeeze %dma_wait3A_369 : memref<1x1x40x128xi32, #tpu.memory_space<hbm>> -> memref<40x128xi32, #tpu.memory_space<hbm>>
      %dma_wait3A_371 = arith.constant 0 : i32
      %dma_wait3A_372 = arith.constant 0 : i32
      %dma_wait3A_373 = tpu.memref_slice %arg4[%add3A_206, %arg1, %dma_wait3A_371, %dma_wait3A_372] : memref<4x16x40x128xi32, #tpu.memory_space<hbm>> -> memref<1x1x40x128xi32, #tpu.memory_space<hbm>>
      %dma_wait3A_374 = tpu.memref_squeeze %dma_wait3A_373 : memref<1x1x40x128xi32, #tpu.memory_space<hbm>> -> memref<40x128xi32, #tpu.memory_space<hbm>>
      tpu.wait_dma2 semaphore(%run_scoped3A : memref<!tpu.dma_semaphore, #tpu.memory_space<semaphore_mem>>) src(%dma_wait3A_374 : memref<40x128xi32, #tpu.memory_space<hbm>>) dst(%arg8 : memref<40x128xi32, #tpu.memory_space<vmem>>)
      tpu.yield
    }) : () -> ()
    %dma_start3A_320 = arith.constant 0 : i32
    %dma_start3A_321 = arith.constant 0 : i32
    %dma_start3A_322 = tpu.memref_slice %arg7[%dma_start3A_320, %dma_start3A_321] : memref<40x128xi32, #tpu.memory_space<vmem>> -> memref<1x128xi32, #tpu.memory_space<vmem>>
    %dma_start3A_323 = tpu.memref_squeeze %dma_start3A_322 : memref<1x128xi32, #tpu.memory_space<vmem>> -> memref<128xi32, #tpu.memory_space<vmem>>
    %dma_start3A_324 = arith.constant 0 : i32
    %dma_start3A_325 = arith.constant 0 : i32
    %dma_start3A_326 = tpu.memref_slice %arg2[%dma_start3A_324, %dma_start3A_325] : memref<10000x128xf32, #tpu.memory_space<hbm>> -> memref<10000x128xf32, #tpu.memory_space<hbm>>
    tpu.enqueue_indirect_dma source(%dma_start3A_326 : memref<10000x128xf32, #tpu.memory_space<hbm>>) target(%arg9 : memref<128x128xf32, #tpu.memory_space<vmem>>) offsets(%dma_start3A_323 : memref<128xi32, #tpu.memory_space<vmem>>) semaphore(%arg17 : memref<!tpu.dma_semaphore, #tpu.memory_space<semaphore_mem>>)
    %scan3A_327 = arith.constant 0 : i32
    %scan3A_328 = arith.constant 0 : i32
    %scan3A_329 = arith.constant 20 : i32
    %scan3A_330 = arith.addi %scan3A_328, %scan3A_329 : i32
    %scan3A_331 = arith.constant 1 : i32
    %scan3A_332 = scf.for %scan3A_360 = %scan3A_328 to %scan3A_330 step %scan3A_331 iter_args(%scan3A_361 = %scan3A_327) -> (i32)  : i32 {
      %mul3A_362 = arith.constant 2 : i32
      %mul3A_363 = arith.muli %scan3A_360, %mul3A_362 : i32
      %add3A_364 = arith.constant 1 : i32
      %add3A_365 = arith.addi %mul3A_363, %add3A_364 : i32
      %dma_start3A_366 = arith.constant 0 : i32
      %dma_start3A_367 = tpu.memref_slice %arg7[%add3A_365, %dma_start3A_366] : memref<40x128xi32, #tpu.memory_space<vmem>> -> memref<1x128xi32, #tpu.memory_space<vmem>>
      %dma_start3A_368 = tpu.memref_squeeze %dma_start3A_367 : memref<1x128xi32, #tpu.memory_space<vmem>> -> memref<128xi32, #tpu.memory_space<vmem>>
      %dma_start3A_369 = arith.constant 0 : i32
      %dma_start3A_370 = arith.constant 0 : i32
      %dma_start3A_371 = tpu.memref_slice %arg2[%dma_start3A_369, %dma_start3A_370] : memref<10000x128xf32, #tpu.memory_space<hbm>> -> memref<10000x128xf32, #tpu.memory_space<hbm>>
      tpu.enqueue_indirect_dma source(%dma_start3A_371 : memref<10000x128xf32, #tpu.memory_space<hbm>>) target(%arg10 : memref<128x128xf32, #tpu.memory_space<vmem>>) offsets(%dma_start3A_368 : memref<128xi32, #tpu.memory_space<vmem>>) semaphore(%arg18 : memref<!tpu.dma_semaphore, #tpu.memory_space<semaphore_mem>>)
      %dma_wait3A = arith.constant 0 : i32
      %dma_wait3A_372 = tpu.memref_slice %arg7[%mul3A_363, %dma_wait3A] : memref<40x128xi32, #tpu.memory_space<vmem>> -> memref<1x128xi32, #tpu.memory_space<vmem>>
      %dma_wait3A_373 = tpu.memref_squeeze %dma_wait3A_372 : memref<1x128xi32, #tpu.memory_space<vmem>> -> memref<128xi32, #tpu.memory_space<vmem>>
      %dma_wait3A_374 = arith.constant 0 : i32
      %dma_wait3A_375 = arith.constant 0 : i32
      %dma_wait3A_376 = tpu.memref_slice %arg2[%dma_wait3A_374, %dma_wait3A_375] : memref<10000x128xf32, #tpu.memory_space<hbm>> -> memref<10000x128xf32, #tpu.memory_space<hbm>>
      tpu.wait_indirect_dma semaphore(%arg17 : memref<!tpu.dma_semaphore, #tpu.memory_space<semaphore_mem>>) src(%dma_wait3A_376 : memref<10000x128xf32, #tpu.memory_space<hbm>>) dst(%arg9 : memref<128x128xf32, #tpu.memory_space<vmem>>)
      "tpu.region"() ({
        %run_scoped3A = tpu.sem_alloc : memref<!tpu.dma_semaphore, #tpu.memory_space<semaphore_mem>>
        %dma_start3A_395 = arith.constant 0 : i32
        %dma_start3A_396 = tpu.memref_slice %arg8[%mul3A_363, %dma_start3A_395] : memref<40x128xi32, #tpu.memory_space<vmem>> -> memref<1x128xi32, #tpu.memory_space<vmem>>
        %dma_start3A_397 = tpu.memref_squeeze %dma_start3A_396 : memref<1x128xi32, #tpu.memory_space<vmem>> -> memref<128xi32, #tpu.memory_space<vmem>>
        %dma_start3A_398 = arith.constant 0 : i32
        %dma_start3A_399 = arith.constant 0 : i32
        %dma_start3A_400 = tpu.memref_slice %arg15[%dma_start3A_398, %dma_start3A_399] : memref<10008x128xf32, #tpu.memory_space<vmem_shared>> -> memref<10008x128xf32, #tpu.memory_space<vmem_shared>>
        tpu.enqueue_indirect_dma source(%arg9 : memref<128x128xf32, #tpu.memory_space<vmem>>) target(%dma_start3A_400 : memref<10008x128xf32, #tpu.memory_space<vmem_shared>>) offsets(%dma_start3A_397 : memref<128xi32, #tpu.memory_space<vmem>>) semaphore(%run_scoped3A : memref<!tpu.dma_semaphore, #tpu.memory_space<semaphore_mem>>) {add = true}
        %dma_wait3A_401 = arith.constant 0 : i32
        %dma_wait3A_402 = tpu.memref_slice %arg8[%mul3A_363, %dma_wait3A_401] : memref<40x128xi32, #tpu.memory_space<vmem>> -> memref<1x128xi32, #tpu.memory_space<vmem>>
        %dma_wait3A_403 = tpu.memref_squeeze %dma_wait3A_402 : memref<1x128xi32, #tpu.memory_space<vmem>> -> memref<128xi32, #tpu.memory_space<vmem>>
        %dma_wait3A_404 = arith.constant 0 : i32
        %dma_wait3A_405 = arith.constant 0 : i32
        %dma_wait3A_406 = tpu.memref_slice %arg15[%dma_wait3A_404, %dma_wait3A_405] : memref<10008x128xf32, #tpu.memory_space<vmem_shared>> -> memref<10008x128xf32, #tpu.memory_space<vmem_shared>>
        tpu.wait_indirect_dma semaphore(%run_scoped3A : memref<!tpu.dma_semaphore, #tpu.memory_space<semaphore_mem>>) src(%arg9 : memref<128x128xf32, #tpu.memory_space<vmem>>) dst(%dma_wait3A_406 : memref<10008x128xf32, #tpu.memory_space<vmem_shared>>)
        tpu.yield
      }) : () -> ()
      "tpu.region"() ({
        %run_scoped3A = tpu.sem_alloc : memref<!tpu.dma_semaphore, #tpu.memory_space<semaphore_mem>>
        %dma_start3A_395 = arith.constant 0 : i32
        %dma_start3A_396 = tpu.memref_slice %arg8[%mul3A_363, %dma_start3A_395] : memref<40x128xi32, #tpu.memory_space<vmem>> -> memref<1x128xi32, #tpu.memory_space<vmem>>
        %dma_start3A_397 = tpu.memref_squeeze %dma_start3A_396 : memref<1x128xi32, #tpu.memory_space<vmem>> -> memref<128xi32, #tpu.memory_space<vmem>>
        %dma_start3A_398 = arith.constant 0 : i32
        %dma_start3A_399 = tpu.memref_slice %arg16[%dma_start3A_398] : memref<10008xf32, #tpu.memory_space<vmem_shared>> -> memref<10008xf32, #tpu.memory_space<vmem_shared>>
        tpu.enqueue_indirect_dma source(%arg11 : memref<128xf32, #tpu.memory_space<vmem>>) target(%dma_start3A_399 : memref<10008xf32, #tpu.memory_space<vmem_shared>>) offsets(%dma_start3A_397 : memref<128xi32, #tpu.memory_space<vmem>>) semaphore(%run_scoped3A : memref<!tpu.dma_semaphore, #tpu.memory_space<semaphore_mem>>) {add = true}
        %dma_wait3A_400 = arith.constant 0 : i32
        %dma_wait3A_401 = tpu.memref_slice %arg8[%mul3A_363, %dma_wait3A_400] : memref<40x128xi32, #tpu.memory_space<vmem>> -> memref<1x128xi32, #tpu.memory_space<vmem>>
        %dma_wait3A_402 = tpu.memref_squeeze %dma_wait3A_401 : memref<1x128xi32, #tpu.memory_space<vmem>> -> memref<128xi32, #tpu.memory_space<vmem>>
        %dma_wait3A_403 = arith.constant 0 : i32
        %dma_wait3A_404 = tpu.memref_slice %arg16[%dma_wait3A_403] : memref<10008xf32, #tpu.memory_space<vmem_shared>> -> memref<10008xf32, #tpu.memory_space<vmem_shared>>
        tpu.wait_indirect_dma semaphore(%run_scoped3A : memref<!tpu.dma_semaphore, #tpu.memory_space<semaphore_mem>>) src(%arg11 : memref<128xf32, #tpu.memory_space<vmem>>) dst(%dma_wait3A_404 : memref<10008xf32, #tpu.memory_space<vmem_shared>>)
        tpu.yield
      }) : () -> ()
      %add3A_377 = arith.constant 2 : i32
      %add3A_378 = arith.addi %mul3A_363, %add3A_377 : i32
      %lt3A_379 = arith.constant 40 : i32
      %lt3A_380 = arith.cmpi slt, %add3A_378, %lt3A_379 : i32
      %convert_element_type3A_381 = arith.extui %lt3A_380 : i1 to i32
      %cond3A_382 = arith.constant 0 : i32
      %cond3A_383 = arith.cmpi ne, %convert_element_type3A_381, %cond3A_382 : i32
      scf.if %cond3A_383 {
        %add3A_395 = arith.constant 2 : i32
        %add3A_396 = arith.addi %mul3A_363, %add3A_395 : i32
        %dma_start3A_397 = arith.constant 0 : i32
        %dma_start3A_398 = tpu.memref_slice %arg7[%add3A_396, %dma_start3A_397] : memref<40x128xi32, #tpu.memory_space<vmem>> -> memref<1x128xi32, #tpu.memory_space<vmem>>
        %dma_start3A_399 = tpu.memref_squeeze %dma_start3A_398 : memref<1x128xi32, #tpu.memory_space<vmem>> -> memref<128xi32, #tpu.memory_space<vmem>>
        %dma_start3A_400 = arith.constant 0 : i32
        %dma_start3A_401 = arith.constant 0 : i32
        %dma_start3A_402 = tpu.memref_slice %arg2[%dma_start3A_400, %dma_start3A_401] : memref<10000x128xf32, #tpu.memory_space<hbm>> -> memref<10000x128xf32, #tpu.memory_space<hbm>>
        tpu.enqueue_indirect_dma source(%dma_start3A_402 : memref<10000x128xf32, #tpu.memory_space<hbm>>) target(%arg9 : memref<128x128xf32, #tpu.memory_space<vmem>>) offsets(%dma_start3A_399 : memref<128xi32, #tpu.memory_space<vmem>>) semaphore(%arg17 : memref<!tpu.dma_semaphore, #tpu.memory_space<semaphore_mem>>)
      } else {
      }
      %add3A_384 = arith.constant 1 : i32
      %add3A_385 = arith.addi %mul3A_363, %add3A_384 : i32
      %dma_wait3A_386 = arith.constant 0 : i32
      %dma_wait3A_387 = tpu.memref_slice %arg7[%add3A_385, %dma_wait3A_386] : memref<40x128xi32, #tpu.memory_space<vmem>> -> memref<1x128xi32, #tpu.memory_space<vmem>>
      %dma_wait3A_388 = tpu.memref_squeeze %dma_wait3A_387 : memref<1x128xi32, #tpu.memory_space<vmem>> -> memref<128xi32, #tpu.memory_space<vmem>>
      %dma_wait3A_389 = arith.constant 0 : i32
      %dma_wait3A_390 = arith.constant 0 : i32
      %dma_wait3A_391 = tpu.memref_slice %arg2[%dma_wait3A_389, %dma_wait3A_390] : memref<10000x128xf32, #tpu.memory_space<hbm>> -> memref<10000x128xf32, #tpu.memory_space<hbm>>
      tpu.wait_indirect_dma semaphore(%arg18 : memref<!tpu.dma_semaphore, #tpu.memory_space<semaphore_mem>>) src(%dma_wait3A_391 : memref<10000x128xf32, #tpu.memory_space<hbm>>) dst(%arg10 : memref<128x128xf32, #tpu.memory_space<vmem>>)
      %add3A_392 = arith.constant 1 : i32
      %add3A_393 = arith.addi %mul3A_363, %add3A_392 : i32
      "tpu.region"() ({
        %run_scoped3A = tpu.sem_alloc : memref<!tpu.dma_semaphore, #tpu.memory_space<semaphore_mem>>
        %dma_start3A_395 = arith.constant 0 : i32
        %dma_start3A_396 = tpu.memref_slice %arg8[%add3A_393, %dma_start3A_395] : memref<40x128xi32, #tpu.memory_space<vmem>> -> memref<1x128xi32, #tpu.memory_space<vmem>>
        %dma_start3A_397 = tpu.memref_squeeze %dma_start3A_396 : memref<1x128xi32, #tpu.memory_space<vmem>> -> memref<128xi32, #tpu.memory_space<vmem>>
        %dma_start3A_398 = arith.constant 0 : i32
        %dma_start3A_399 = arith.constant 0 : i32
        %dma_start3A_400 = tpu.memref_slice %arg15[%dma_start3A_398, %dma_start3A_399] : memref<10008x128xf32, #tpu.memory_space<vmem_shared>> -> memref<10008x128xf32, #tpu.memory_space<vmem_shared>>
        tpu.enqueue_indirect_dma source(%arg10 : memref<128x128xf32, #tpu.memory_space<vmem>>) target(%dma_start3A_400 : memref<10008x128xf32, #tpu.memory_space<vmem_shared>>) offsets(%dma_start3A_397 : memref<128xi32, #tpu.memory_space<vmem>>) semaphore(%run_scoped3A : memref<!tpu.dma_semaphore, #tpu.memory_space<semaphore_mem>>) {add = true}
        %dma_wait3A_401 = arith.constant 0 : i32
        %dma_wait3A_402 = tpu.memref_slice %arg8[%add3A_393, %dma_wait3A_401] : memref<40x128xi32, #tpu.memory_space<vmem>> -> memref<1x128xi32, #tpu.memory_space<vmem>>
        %dma_wait3A_403 = tpu.memref_squeeze %dma_wait3A_402 : memref<1x128xi32, #tpu.memory_space<vmem>> -> memref<128xi32, #tpu.memory_space<vmem>>
        %dma_wait3A_404 = arith.constant 0 : i32
        %dma_wait3A_405 = arith.constant 0 : i32
        %dma_wait3A_406 = tpu.memref_slice %arg15[%dma_wait3A_404, %dma_wait3A_405] : memref<10008x128xf32, #tpu.memory_space<vmem_shared>> -> memref<10008x128xf32, #tpu.memory_space<vmem_shared>>
        tpu.wait_indirect_dma semaphore(%run_scoped3A : memref<!tpu.dma_semaphore, #tpu.memory_space<semaphore_mem>>) src(%arg10 : memref<128x128xf32, #tpu.memory_space<vmem>>) dst(%dma_wait3A_406 : memref<10008x128xf32, #tpu.memory_space<vmem_shared>>)
        tpu.yield
      }) : () -> ()
      "tpu.region"() ({
        %run_scoped3A = tpu.sem_alloc : memref<!tpu.dma_semaphore, #tpu.memory_space<semaphore_mem>>
        %dma_start3A_395 = arith.constant 0 : i32
        %dma_start3A_396 = tpu.memref_slice %arg8[%add3A_393, %dma_start3A_395] : memref<40x128xi32, #tpu.memory_space<vmem>> -> memref<1x128xi32, #tpu.memory_space<vmem>>
        %dma_start3A_397 = tpu.memref_squeeze %dma_start3A_396 : memref<1x128xi32, #tpu.memory_space<vmem>> -> memref<128xi32, #tpu.memory_space<vmem>>
        %dma_start3A_398 = arith.constant 0 : i32
        %dma_start3A_399 = tpu.memref_slice %arg16[%dma_start3A_398] : memref<10008xf32, #tpu.memory_space<vmem_shared>> -> memref<10008xf32, #tpu.memory_space<vmem_shared>>
        tpu.enqueue_indirect_dma source(%arg11 : memref<128xf32, #tpu.memory_space<vmem>>) target(%dma_start3A_399 : memref<10008xf32, #tpu.memory_space<vmem_shared>>) offsets(%dma_start3A_397 : memref<128xi32, #tpu.memory_space<vmem>>) semaphore(%run_scoped3A : memref<!tpu.dma_semaphore, #tpu.memory_space<semaphore_mem>>) {add = true}
        %dma_wait3A_400 = arith.constant 0 : i32
        %dma_wait3A_401 = tpu.memref_slice %arg8[%add3A_393, %dma_wait3A_400] : memref<40x128xi32, #tpu.memory_space<vmem>> -> memref<1x128xi32, #tpu.memory_space<vmem>>
        %dma_wait3A_402 = tpu.memref_squeeze %dma_wait3A_401 : memref<1x128xi32, #tpu.memory_space<vmem>> -> memref<128xi32, #tpu.memory_space<vmem>>
        %dma_wait3A_403 = arith.constant 0 : i32
        %dma_wait3A_404 = tpu.memref_slice %arg16[%dma_wait3A_403] : memref<10008xf32, #tpu.memory_space<vmem_shared>> -> memref<10008xf32, #tpu.memory_space<vmem_shared>>
        tpu.wait_indirect_dma semaphore(%run_scoped3A : memref<!tpu.dma_semaphore, #tpu.memory_space<semaphore_mem>>) src(%arg11 : memref<128xf32, #tpu.memory_space<vmem>>) dst(%dma_wait3A_404 : memref<10008xf32, #tpu.memory_space<vmem_shared>>)
        tpu.yield
      }) : () -> ()
      %scan3A_394 = arith.constant 0 : i32
      scf.yield %scan3A_394 : i32
    }
    %scan3A_333 = arith.constant 20 : i32
    %barrier3A_334 = arith.constant 0 : index
    tpu.barrier barrier_id(%barrier3A_334)
    %lt3A_335 = arith.constant 15 : i32
    %lt3A_336 = arith.cmpi slt, %arg1, %lt3A_335 : i32
    %convert_element_type3A_337 = arith.extui %lt3A_336 : i1 to i32
    %cond3A_338 = arith.constant 0 : i32
    %cond3A_339 = arith.cmpi ne, %convert_element_type3A_337, %cond3A_338 : i32
    scf.if %cond3A_339 {
      "tpu.region"() ({
        %run_scoped3A = tpu.sem_alloc : memref<!tpu.dma_semaphore, #tpu.memory_space<semaphore_mem>>
        %dma_start3A_360 = arith.constant 0 : i32
        %dma_start3A_361 = tpu.memref_slice %arg5[%add3A_206, %mul3A_308, %dma_start3A_360] : memref<4x10000x128xf32, #tpu.memory_space<hbm>> -> memref<1x632x128xf32, #tpu.memory_space<hbm>>
        %dma_start3A_362 = tpu.memref_squeeze %dma_start3A_361 : memref<1x632x128xf32, #tpu.memory_space<hbm>> -> memref<632x128xf32, #tpu.memory_space<hbm>>
        %dma_start3A_363 = arith.constant 0 : i32
        %dma_start3A_364 = tpu.memref_slice %arg15[%mul3A_308, %dma_start3A_363] : memref<10008x128xf32, #tpu.memory_space<vmem_shared>> -> memref<632x128xf32, #tpu.memory_space<vmem_shared>>
        tpu.enqueue_dma source(%dma_start3A_364 : memref<632x128xf32, #tpu.memory_space<vmem_shared>>) target(%dma_start3A_362 : memref<632x128xf32, #tpu.memory_space<hbm>>) target_semaphore(%run_scoped3A : memref<!tpu.dma_semaphore, #tpu.memory_space<semaphore_mem>>)
        %dma_wait3A = arith.constant 0 : i32
        %dma_wait3A_365 = tpu.memref_slice %arg5[%add3A_206, %mul3A_308, %dma_wait3A] : memref<4x10000x128xf32, #tpu.memory_space<hbm>> -> memref<1x632x128xf32, #tpu.memory_space<hbm>>
        %dma_wait3A_366 = tpu.memref_squeeze %dma_wait3A_365 : memref<1x632x128xf32, #tpu.memory_space<hbm>> -> memref<632x128xf32, #tpu.memory_space<hbm>>
        %dma_wait3A_367 = arith.constant 0 : i32
        %dma_wait3A_368 = tpu.memref_slice %arg15[%mul3A_308, %dma_wait3A_367] : memref<10008x128xf32, #tpu.memory_space<vmem_shared>> -> memref<632x128xf32, #tpu.memory_space<vmem_shared>>
        tpu.wait_dma2 semaphore(%run_scoped3A : memref<!tpu.dma_semaphore, #tpu.memory_space<semaphore_mem>>) src(%dma_wait3A_368 : memref<632x128xf32, #tpu.memory_space<vmem_shared>>) dst(%dma_wait3A_366 : memref<632x128xf32, #tpu.memory_space<hbm>>)
        tpu.yield
      }) : () -> ()
    } else {
    }
    %eq3A_340 = arith.constant 15 : i32
    %eq3A_341 = arith.cmpi eq, %arg1, %eq3A_340 : i32
    %convert_element_type3A_342 = arith.extui %eq3A_341 : i1 to i32
    %cond3A_343 = arith.constant 0 : i32
    %cond3A_344 = arith.cmpi ne, %convert_element_type3A_342, %cond3A_343 : i32
    scf.if %cond3A_344 {
      "tpu.region"() ({
        %run_scoped3A = tpu.sem_alloc : memref<!tpu.dma_semaphore, #tpu.memory_space<semaphore_mem>>
        %dma_start3A_360 = arith.constant 9480 : i32
        %dma_start3A_361 = arith.constant 0 : i32
        %dma_start3A_362 = tpu.memref_slice %arg5[%add3A_206, %dma_start3A_360, %dma_start3A_361] : memref<4x10000x128xf32, #tpu.memory_space<hbm>> -> memref<1x520x128xf32, #tpu.memory_space<hbm>>
        %dma_start3A_363 = tpu.memref_squeeze %dma_start3A_362 : memref<1x520x128xf32, #tpu.memory_space<hbm>> -> memref<520x128xf32, #tpu.memory_space<hbm>>
        %dma_start3A_364 = arith.constant 9480 : i32
        %dma_start3A_365 = arith.constant 0 : i32
        %dma_start3A_366 = tpu.memref_slice %arg15[%dma_start3A_364, %dma_start3A_365] : memref<10008x128xf32, #tpu.memory_space<vmem_shared>> -> memref<520x128xf32, #tpu.memory_space<vmem_shared>>
        tpu.enqueue_dma source(%dma_start3A_366 : memref<520x128xf32, #tpu.memory_space<vmem_shared>>) target(%dma_start3A_363 : memref<520x128xf32, #tpu.memory_space<hbm>>) target_semaphore(%run_scoped3A : memref<!tpu.dma_semaphore, #tpu.memory_space<semaphore_mem>>)
        %dma_wait3A = arith.constant 9480 : i32
        %dma_wait3A_367 = arith.constant 0 : i32
        %dma_wait3A_368 = tpu.memref_slice %arg5[%add3A_206, %dma_wait3A, %dma_wait3A_367] : memref<4x10000x128xf32, #tpu.memory_space<hbm>> -> memref<1x520x128xf32, #tpu.memory_space<hbm>>
        %dma_wait3A_369 = tpu.memref_squeeze %dma_wait3A_368 : memref<1x520x128xf32, #tpu.memory_space<hbm>> -> memref<520x128xf32, #tpu.memory_space<hbm>>
        %dma_wait3A_370 = arith.constant 9480 : i32
        %dma_wait3A_371 = arith.constant 0 : i32
        %dma_wait3A_372 = tpu.memref_slice %arg15[%dma_wait3A_370, %dma_wait3A_371] : memref<10008x128xf32, #tpu.memory_space<vmem_shared>> -> memref<520x128xf32, #tpu.memory_space<vmem_shared>>
        tpu.wait_dma2 semaphore(%run_scoped3A : memref<!tpu.dma_semaphore, #tpu.memory_space<semaphore_mem>>) src(%dma_wait3A_372 : memref<520x128xf32, #tpu.memory_space<vmem_shared>>) dst(%dma_wait3A_369 : memref<520x128xf32, #tpu.memory_space<hbm>>)
        tpu.yield
      }) : () -> ()
    } else {
    }
    %mul3A_345 = arith.constant 10000 : i32
    %mul3A_346 = arith.muli %add3A_206, %mul3A_345 : i32
    %add3A_347 = arith.addi %mul3A_346, %mul3A_308 : i32
    %multiple_of3A_348 = tpu.assume_multiple %add3A_347, 8 : i32
    %lt3A_349 = arith.constant 15 : i32
    %lt3A_350 = arith.cmpi slt, %arg1, %lt3A_349 : i32
    %convert_element_type3A_351 = arith.extui %lt3A_350 : i1 to i32
    %cond3A_352 = arith.constant 0 : i32
    %cond3A_353 = arith.cmpi ne, %convert_element_type3A_351, %cond3A_352 : i32
    scf.if %cond3A_353 {
      "tpu.region"() ({
        %run_scoped3A = tpu.sem_alloc : memref<!tpu.dma_semaphore, #tpu.memory_space<semaphore_mem>>
        %dma_start3A_360 = tpu.memref_slice %arg16[%mul3A_308] : memref<10008xf32, #tpu.memory_space<vmem_shared>> -> memref<632xf32, #tpu.memory_space<vmem_shared>>
        %dma_start3A_361 = tpu.memref_slice %arg16[%mul3A_308] : memref<10008xf32, #tpu.memory_space<vmem_shared>> -> memref<632xf32, #tpu.memory_space<vmem_shared>>
        tpu.enqueue_dma source(%dma_start3A_361 : memref<632xf32, #tpu.memory_space<vmem_shared>>) target(%arg14 : memref<632xf32, #tpu.memory_space<vmem>>) target_semaphore(%run_scoped3A : memref<!tpu.dma_semaphore, #tpu.memory_space<semaphore_mem>>)
        %dma_wait3A = tpu.memref_slice %arg16[%mul3A_308] : memref<10008xf32, #tpu.memory_space<vmem_shared>> -> memref<632xf32, #tpu.memory_space<vmem_shared>>
        %dma_wait3A_362 = tpu.memref_slice %arg16[%mul3A_308] : memref<10008xf32, #tpu.memory_space<vmem_shared>> -> memref<632xf32, #tpu.memory_space<vmem_shared>>
        tpu.wait_dma2 semaphore(%run_scoped3A : memref<!tpu.dma_semaphore, #tpu.memory_space<semaphore_mem>>) src(%dma_wait3A_362 : memref<632xf32, #tpu.memory_space<vmem_shared>>) dst(%arg14 : memref<632xf32, #tpu.memory_space<vmem>>)
        tpu.yield
      }) : () -> ()
      "tpu.region"() ({
        %run_scoped3A = tpu.sem_alloc : memref<!tpu.dma_semaphore, #tpu.memory_space<semaphore_mem>>
        %dma_start3A_360 = tpu.memref_slice %arg6[%multiple_of3A_348] : memref<40000xf32, #tpu.memory_space<hbm>> -> memref<632xf32, #tpu.memory_space<hbm>>
        %dma_start3A_361 = tpu.memref_slice %arg6[%multiple_of3A_348] : memref<40000xf32, #tpu.memory_space<hbm>> -> memref<632xf32, #tpu.memory_space<hbm>>
        tpu.enqueue_dma source(%arg14 : memref<632xf32, #tpu.memory_space<vmem>>) target(%dma_start3A_361 : memref<632xf32, #tpu.memory_space<hbm>>) target_semaphore(%run_scoped3A : memref<!tpu.dma_semaphore, #tpu.memory_space<semaphore_mem>>)
        %dma_wait3A = tpu.memref_slice %arg6[%multiple_of3A_348] : memref<40000xf32, #tpu.memory_space<hbm>> -> memref<632xf32, #tpu.memory_space<hbm>>
        %dma_wait3A_362 = tpu.memref_slice %arg6[%multiple_of3A_348] : memref<40000xf32, #tpu.memory_space<hbm>> -> memref<632xf32, #tpu.memory_space<hbm>>
        tpu.wait_dma2 semaphore(%run_scoped3A : memref<!tpu.dma_semaphore, #tpu.memory_space<semaphore_mem>>) src(%arg14 : memref<632xf32, #tpu.memory_space<vmem>>) dst(%dma_wait3A_362 : memref<632xf32, #tpu.memory_space<hbm>>)
        tpu.yield
      }) : () -> ()
    } else {
    }
    %eq3A_354 = arith.constant 15 : i32
    %eq3A_355 = arith.cmpi eq, %arg1, %eq3A_354 : i32
    %convert_element_type3A_356 = arith.extui %eq3A_355 : i1 to i32
    %cond3A_357 = arith.constant 0 : i32
    %cond3A_358 = arith.cmpi ne, %convert_element_type3A_356, %cond3A_357 : i32
    scf.if %cond3A_358 {
      "tpu.region"() ({
        %run_scoped3A = tpu.sem_alloc : memref<!tpu.dma_semaphore, #tpu.memory_space<semaphore_mem>>
        %dma_start3A_360 = arith.constant 0 : i32
        %dma_start3A_361 = tpu.memref_slice %arg14[%dma_start3A_360] : memref<632xf32, #tpu.memory_space<vmem>> -> memref<520xf32, #tpu.memory_space<vmem>>
        %dma_start3A_362 = arith.constant 9480 : i32
        %dma_start3A_363 = tpu.memref_slice %arg16[%dma_start3A_362] : memref<10008xf32, #tpu.memory_space<vmem_shared>> -> memref<520xf32, #tpu.memory_space<vmem_shared>>
        %dma_start3A_364 = arith.constant 0 : i32
        %dma_start3A_365 = tpu.memref_slice %arg14[%dma_start3A_364] : memref<632xf32, #tpu.memory_space<vmem>> -> memref<520xf32, #tpu.memory_space<vmem>>
        %dma_start3A_366 = arith.constant 9480 : i32
        %dma_start3A_367 = tpu.memref_slice %arg16[%dma_start3A_366] : memref<10008xf32, #tpu.memory_space<vmem_shared>> -> memref<520xf32, #tpu.memory_space<vmem_shared>>
        tpu.enqueue_dma source(%dma_start3A_367 : memref<520xf32, #tpu.memory_space<vmem_shared>>) target(%dma_start3A_365 : memref<520xf32, #tpu.memory_space<vmem>>) target_semaphore(%run_scoped3A : memref<!tpu.dma_semaphore, #tpu.memory_space<semaphore_mem>>)
        %dma_wait3A = arith.constant 0 : i32
        %dma_wait3A_368 = tpu.memref_slice %arg14[%dma_wait3A] : memref<632xf32, #tpu.memory_space<vmem>> -> memref<520xf32, #tpu.memory_space<vmem>>
        %dma_wait3A_369 = arith.constant 9480 : i32
        %dma_wait3A_370 = tpu.memref_slice %arg16[%dma_wait3A_369] : memref<10008xf32, #tpu.memory_space<vmem_shared>> -> memref<520xf32, #tpu.memory_space<vmem_shared>>
        %dma_wait3A_371 = arith.constant 0 : i32
        %dma_wait3A_372 = tpu.memref_slice %arg14[%dma_wait3A_371] : memref<632xf32, #tpu.memory_space<vmem>> -> memref<520xf32, #tpu.memory_space<vmem>>
        %dma_wait3A_373 = arith.constant 9480 : i32
        %dma_wait3A_374 = tpu.memref_slice %arg16[%dma_wait3A_373] : memref<10008xf32, #tpu.memory_space<vmem_shared>> -> memref<520xf32, #tpu.memory_space<vmem_shared>>
        tpu.wait_dma2 semaphore(%run_scoped3A : memref<!tpu.dma_semaphore, #tpu.memory_space<semaphore_mem>>) src(%dma_wait3A_374 : memref<520xf32, #tpu.memory_space<vmem_shared>>) dst(%dma_wait3A_372 : memref<520xf32, #tpu.memory_space<vmem>>)
        tpu.yield
      }) : () -> ()
      "tpu.region"() ({
        %run_scoped3A = tpu.sem_alloc : memref<!tpu.dma_semaphore, #tpu.memory_space<semaphore_mem>>
        %dma_start3A_360 = arith.constant 0 : i32
        %dma_start3A_361 = tpu.memref_slice %arg14[%dma_start3A_360] : memref<632xf32, #tpu.memory_space<vmem>> -> memref<520xf32, #tpu.memory_space<vmem>>
        %dma_start3A_362 = tpu.memref_slice %arg6[%multiple_of3A_348] : memref<40000xf32, #tpu.memory_space<hbm>> -> memref<520xf32, #tpu.memory_space<hbm>>
        %dma_start3A_363 = tpu.memref_slice %arg6[%multiple_of3A_348] : memref<40000xf32, #tpu.memory_space<hbm>> -> memref<520xf32, #tpu.memory_space<hbm>>
        %dma_start3A_364 = arith.constant 0 : i32
        %dma_start3A_365 = tpu.memref_slice %arg14[%dma_start3A_364] : memref<632xf32, #tpu.memory_space<vmem>> -> memref<520xf32, #tpu.memory_space<vmem>>
        tpu.enqueue_dma source(%dma_start3A_365 : memref<520xf32, #tpu.memory_space<vmem>>) target(%dma_start3A_363 : memref<520xf32, #tpu.memory_space<hbm>>) target_semaphore(%run_scoped3A : memref<!tpu.dma_semaphore, #tpu.memory_space<semaphore_mem>>)
        %dma_wait3A = arith.constant 0 : i32
        %dma_wait3A_366 = tpu.memref_slice %arg14[%dma_wait3A] : memref<632xf32, #tpu.memory_space<vmem>> -> memref<520xf32, #tpu.memory_space<vmem>>
        %dma_wait3A_367 = tpu.memref_slice %arg6[%multiple_of3A_348] : memref<40000xf32, #tpu.memory_space<hbm>> -> memref<520xf32, #tpu.memory_space<hbm>>
        %dma_wait3A_368 = tpu.memref_slice %arg6[%multiple_of3A_348] : memref<40000xf32, #tpu.memory_space<hbm>> -> memref<520xf32, #tpu.memory_space<hbm>>
        %dma_wait3A_369 = arith.constant 0 : i32
        %dma_wait3A_370 = tpu.memref_slice %arg14[%dma_wait3A_369] : memref<632xf32, #tpu.memory_space<vmem>> -> memref<520xf32, #tpu.memory_space<vmem>>
        tpu.wait_dma2 semaphore(%run_scoped3A : memref<!tpu.dma_semaphore, #tpu.memory_space<semaphore_mem>>) src(%dma_wait3A_370 : memref<520xf32, #tpu.memory_space<vmem>>) dst(%dma_wait3A_368 : memref<520xf32, #tpu.memory_space<hbm>>)
        tpu.yield
      }) : () -> ()
    } else {
    }
    %barrier3A_359 = arith.constant 0 : index
    tpu.barrier barrier_id(%barrier3A_359)
    return
  }
}

module attributes {stable_mosaic.version = 14 : i64} {
  func.func @_wx_body(%arg0: memref<1250x8x128xf32, #tpu.memory_space<vmem>>, %arg1: memref<1250x8xf32, #tpu.memory_space<vmem>>, %arg2: memref<1250x8x128xf32, #tpu.memory_space<vmem>>) attributes {dimension_semantics = [], scalar_prefetch = 0 : i64, scratch_operands = 0 : i64, tpu.core_type = #tpu.core_type<tc>} {
    %get3A = arith.constant 0 : index
    %get3A_0 = arith.constant 0 : index
    %get3A_1 = arith.constant 0 : index
    %get3A_2 = vector.load %arg0[%get3A, %get3A_0, %get3A_1] : memref<1250x8x128xf32, #tpu.memory_space<vmem>>, vector<1250x8x128xf32>
    %get3A_3 = arith.constant 0 : index
    %get3A_4 = arith.constant 0 : index
    %get3A_5 = vector.load %arg1[%get3A_3, %get3A_4] : memref<1250x8xf32, #tpu.memory_space<vmem>>, vector<1250x8xf32>
    %broadcast_in_dim3A = vector.shape_cast %get3A_5 : vector<1250x8xf32> to vector<1250x8x1xf32>
    %mul3A = vector.broadcast %broadcast_in_dim3A : vector<1250x8x1xf32> to vector<1250x8x128xf32>
    %mul3A_6 = arith.mulf %get3A_2, %mul3A : vector<1250x8x128xf32>
    %swap3A = arith.constant 0 : index
    %swap3A_7 = arith.constant 0 : index
    %swap3A_8 = arith.constant 0 : index
    %swap3A_9 = vector.load %arg2[%swap3A, %swap3A_7, %swap3A_8] : memref<1250x8x128xf32, #tpu.memory_space<vmem>>, vector<1250x8x128xf32>
    tpu.vector_store %arg2[%swap3A, %swap3A_7, %swap3A_8], %mul3A_6 {strides = array<i32>} : memref<1250x8x128xf32, #tpu.memory_space<vmem>>, vector<1250x8x128xf32>,
    return
  }
}

module attributes {stable_mosaic.version = 14 : i64} {
  func.func @_fin_body(%arg0: i32, %arg1: memref<2000x128xf32, #tpu.memory_space<vmem>>, %arg2: memref<4x2000x128xf32, #tpu.memory_space<vmem>>, %arg3: memref<2000x4xf32, #tpu.memory_space<vmem>>, %arg4: memref<4x128x128xf32, #tpu.memory_space<vmem>>, %arg5: memref<128x128xf32, #tpu.memory_space<vmem>>, %arg6: memref<1x128xf32, #tpu.memory_space<vmem>>, %arg7: memref<1x128xf32, #tpu.memory_space<vmem>>, %arg8: memref<1x128xf32, #tpu.memory_space<vmem>>, %arg9: memref<2000x128xf32, #tpu.memory_space<vmem>>) attributes {dimension_semantics = [#tpu.dimension_semantics<arbitrary>], iteration_bounds = array<i64: 5>, scalar_prefetch = 0 : i64, scratch_operands = 0 : i64, tpu.core_type = #tpu.core_type<tc>, window_params = [{transform_indices = @transform_0, window_bounds = array<i64: 2000, 128>}, {transform_indices = @transform_1, window_bounds = array<i64: 4, 2000, 128>}, {transform_indices = @transform_2, window_bounds = array<i64: 2000, 4>}, {pipeline_mode = #tpu.pipeline_mode<synchronous>, transform_indices = @transform_3, window_bounds = array<i64: 4, 128, 128>}, {pipeline_mode = #tpu.pipeline_mode<synchronous>, transform_indices = @transform_4, window_bounds = array<i64: 128, 128>}, {pipeline_mode = #tpu.pipeline_mode<synchronous>, transform_indices = @transform_5, window_bounds = array<i64: 1, 128>}, {pipeline_mode = #tpu.pipeline_mode<synchronous>, transform_indices = @transform_6, window_bounds = array<i64: 1, 128>}, {pipeline_mode = #tpu.pipeline_mode<synchronous>, transform_indices = @transform_7, window_bounds = array<i64: 1, 128>}, {transform_indices = @transform_8, window_bounds = array<i64: 2000, 128>}]} {
    %get3A = arith.constant 0 : index
    %get3A_0 = arith.constant 0 : index
    %get3A_1 = vector.load %arg1[%get3A, %get3A_0] : memref<2000x128xf32, #tpu.memory_space<vmem>>, vector<2000x128xf32>
    %get3A_2 = arith.constant 0 : index
    %get3A_3 = arith.constant 0 : index
    %get3A_4 = vector.load %arg5[%get3A_2, %get3A_3] : memref<128x128xf32, #tpu.memory_space<vmem>>, vector<128x128xf32>
    %dot_general3A = arith.constant dense<0.000000e+00> : vector<2000x128xf32>
    %dot_general3A_5 = tpu.matmul %get3A_1, %get3A_4, %dot_general3A {dimension_numbers = #tpu.dot_dimension_numbers<[1], [1], [0], [0], [0, 0, 1, 0], [], []>, transpose_lhs_hint = false} : vector<2000x128xf32>, vector<128x128xf32>, vector<2000x128xf32> -> vector<2000x128xf32>
    %get3A_6 = arith.constant 0 : index
    %get3A_7 = arith.constant 0 : index
    %get3A_8 = vector.load %arg6[%get3A_6, %get3A_7] : memref<1x128xf32, #tpu.memory_space<vmem>>, vector<1x128xf32>
    %add3A = vector.broadcast %get3A_8 : vector<1x128xf32> to vector<2000x128xf32>
    %add3A_9 = arith.addf %dot_general3A_5, %add3A : vector<2000x128xf32>
    %get3A_10 = arith.constant 0 : index
    %get3A_11 = arith.constant 0 : index
    %get3A_12 = vector.load %arg3[%get3A_10, %get3A_11] : memref<2000x4xf32, #tpu.memory_space<vmem>>, vector<2000x4xf32>
    %jit3A = arith.constant 1.000000e+00 : f32
    %max3A = vector.broadcast %jit3A : f32 to vector<2000x4xf32>
    %max3A_13 = arith.maximumf %max3A, %get3A_12 : vector<2000x4xf32>
    %div3A = arith.constant 1.000000e+00 : f32
    %div3A_14 = vector.broadcast %div3A : f32 to vector<2000x4xf32>
    %div3A_15 = arith.divf %div3A_14, %max3A_13 : vector<2000x4xf32>
    %get3A_16 = arith.constant 0 : index
    %get3A_17 = arith.constant 0 : index
    %get3A_18 = arith.constant 0 : index
    %get3A_19 = vector.load %arg2[%get3A_16, %get3A_17, %get3A_18] : memref<4x2000x128xf32, #tpu.memory_space<vmem>>, vector<1x2000x128xf32>
    %get3A_20 = vector.shape_cast %get3A_19 : vector<1x2000x128xf32> to vector<2000x128xf32>
    %slice3A = vector.extract_strided_slice %div3A_15 {offsets = [0, 0], sizes = [2000, 1], strides = [1, 1]} : vector<2000x4xf32> to vector<2000x1xf32>
    %mul3A = vector.broadcast %slice3A : vector<2000x1xf32> to vector<2000x128xf32>
    %mul3A_21 = arith.mulf %get3A_20, %mul3A : vector<2000x128xf32>
    %get3A_22 = arith.constant 0 : index
    %get3A_23 = arith.constant 0 : index
    %get3A_24 = arith.constant 0 : index
    %get3A_25 = vector.load %arg4[%get3A_22, %get3A_23, %get3A_24] : memref<4x128x128xf32, #tpu.memory_space<vmem>>, vector<1x128x128xf32>
    %get3A_26 = vector.shape_cast %get3A_25 : vector<1x128x128xf32> to vector<128x128xf32>
    %dot_general3A_27 = arith.constant dense<0.000000e+00> : vector<2000x128xf32>
    %dot_general3A_28 = tpu.matmul %mul3A_21, %get3A_26, %dot_general3A_27 {dimension_numbers = #tpu.dot_dimension_numbers<[1], [1], [0], [0], [0, 0, 1, 0], [], []>, transpose_lhs_hint = false} : vector<2000x128xf32>, vector<128x128xf32>, vector<2000x128xf32> -> vector<2000x128xf32>
    %add3A_29 = arith.addf %add3A_9, %dot_general3A_28 : vector<2000x128xf32>
    %get3A_30 = arith.constant 1 : index
    %get3A_31 = arith.constant 0 : index
    %get3A_32 = arith.constant 0 : index
    %get3A_33 = vector.load %arg2[%get3A_30, %get3A_31, %get3A_32] : memref<4x2000x128xf32, #tpu.memory_space<vmem>>, vector<1x2000x128xf32>
    %get3A_34 = vector.shape_cast %get3A_33 : vector<1x2000x128xf32> to vector<2000x128xf32>
    %slice3A_35 = vector.extract_strided_slice %div3A_15 {offsets = [0, 1], sizes = [2000, 1], strides = [1, 1]} : vector<2000x4xf32> to vector<2000x1xf32>
    %mul3A_36 = vector.broadcast %slice3A_35 : vector<2000x1xf32> to vector<2000x128xf32>
    %mul3A_37 = arith.mulf %get3A_34, %mul3A_36 : vector<2000x128xf32>
    %get3A_38 = arith.constant 1 : index
    %get3A_39 = arith.constant 0 : index
    %get3A_40 = arith.constant 0 : index
    %get3A_41 = vector.load %arg4[%get3A_38, %get3A_39, %get3A_40] : memref<4x128x128xf32, #tpu.memory_space<vmem>>, vector<1x128x128xf32>
    %get3A_42 = vector.shape_cast %get3A_41 : vector<1x128x128xf32> to vector<128x128xf32>
    %dot_general3A_43 = arith.constant dense<0.000000e+00> : vector<2000x128xf32>
    %dot_general3A_44 = tpu.matmul %mul3A_37, %get3A_42, %dot_general3A_43 {dimension_numbers = #tpu.dot_dimension_numbers<[1], [1], [0], [0], [0, 0, 1, 0], [], []>, transpose_lhs_hint = false} : vector<2000x128xf32>, vector<128x128xf32>, vector<2000x128xf32> -> vector<2000x128xf32>
    %add3A_45 = arith.addf %add3A_29, %dot_general3A_44 : vector<2000x128xf32>
    %get3A_46 = arith.constant 2 : index
    %get3A_47 = arith.constant 0 : index
    %get3A_48 = arith.constant 0 : index
    %get3A_49 = vector.load %arg2[%get3A_46, %get3A_47, %get3A_48] : memref<4x2000x128xf32, #tpu.memory_space<vmem>>, vector<1x2000x128xf32>
    %get3A_50 = vector.shape_cast %get3A_49 : vector<1x2000x128xf32> to vector<2000x128xf32>
    %slice3A_51 = vector.extract_strided_slice %div3A_15 {offsets = [0, 2], sizes = [2000, 1], strides = [1, 1]} : vector<2000x4xf32> to vector<2000x1xf32>
    %mul3A_52 = vector.broadcast %slice3A_51 : vector<2000x1xf32> to vector<2000x128xf32>
    %mul3A_53 = arith.mulf %get3A_50, %mul3A_52 : vector<2000x128xf32>
    %get3A_54 = arith.constant 2 : index
    %get3A_55 = arith.constant 0 : index
    %get3A_56 = arith.constant 0 : index
    %get3A_57 = vector.load %arg4[%get3A_54, %get3A_55, %get3A_56] : memref<4x128x128xf32, #tpu.memory_space<vmem>>, vector<1x128x128xf32>
    %get3A_58 = vector.shape_cast %get3A_57 : vector<1x128x128xf32> to vector<128x128xf32>
    %dot_general3A_59 = arith.constant dense<0.000000e+00> : vector<2000x128xf32>
    %dot_general3A_60 = tpu.matmul %mul3A_53, %get3A_58, %dot_general3A_59 {dimension_numbers = #tpu.dot_dimension_numbers<[1], [1], [0], [0], [0, 0, 1, 0], [], []>, transpose_lhs_hint = false} : vector<2000x128xf32>, vector<128x128xf32>, vector<2000x128xf32> -> vector<2000x128xf32>
    %add3A_61 = arith.addf %add3A_45, %dot_general3A_60 : vector<2000x128xf32>
    %get3A_62 = arith.constant 3 : index
    %get3A_63 = arith.constant 0 : index
    %get3A_64 = arith.constant 0 : index
    %get3A_65 = vector.load %arg2[%get3A_62, %get3A_63, %get3A_64] : memref<4x2000x128xf32, #tpu.memory_space<vmem>>, vector<1x2000x128xf32>
    %get3A_66 = vector.shape_cast %get3A_65 : vector<1x2000x128xf32> to vector<2000x128xf32>
    %slice3A_67 = vector.extract_strided_slice %div3A_15 {offsets = [0, 3], sizes = [2000, 1], strides = [1, 1]} : vector<2000x4xf32> to vector<2000x1xf32>
    %mul3A_68 = vector.broadcast %slice3A_67 : vector<2000x1xf32> to vector<2000x128xf32>
    %mul3A_69 = arith.mulf %get3A_66, %mul3A_68 : vector<2000x128xf32>
    %get3A_70 = arith.constant 3 : index
    %get3A_71 = arith.constant 0 : index
    %get3A_72 = arith.constant 0 : index
    %get3A_73 = vector.load %arg4[%get3A_70, %get3A_71, %get3A_72] : memref<4x128x128xf32, #tpu.memory_space<vmem>>, vector<1x128x128xf32>
    %get3A_74 = vector.shape_cast %get3A_73 : vector<1x128x128xf32> to vector<128x128xf32>
    %dot_general3A_75 = arith.constant dense<0.000000e+00> : vector<2000x128xf32>
    %dot_general3A_76 = tpu.matmul %mul3A_69, %get3A_74, %dot_general3A_75 {dimension_numbers = #tpu.dot_dimension_numbers<[1], [1], [0], [0], [0, 0, 1, 0], [], []>, transpose_lhs_hint = false} : vector<2000x128xf32>, vector<128x128xf32>, vector<2000x128xf32> -> vector<2000x128xf32>
    %add3A_77 = arith.addf %add3A_61, %dot_general3A_76 : vector<2000x128xf32>
    %max3A_78 = arith.constant 0.000000e+00 : f32
    %max3A_79 = vector.broadcast %max3A_78 : f32 to vector<2000x128xf32>
    %max3A_80 = arith.maximumf %add3A_77, %max3A_79 : vector<2000x128xf32>
    %reduce_sum3A = arith.constant dense<0.000000e+00> : vector<2000xf32>
    %reduce_sum3A_81 = vector.multi_reduction <add>, %max3A_80, %reduce_sum3A [1] : vector<2000x128xf32> to vector<2000xf32>
    %broadcast_in_dim3A = vector.shape_cast %reduce_sum3A_81 : vector<2000xf32> to vector<2000x1xf32>
    %div3A_82 = arith.constant 1.280000e+02 : f32
    %div3A_83 = vector.broadcast %div3A_82 : f32 to vector<2000x1xf32>
    %div3A_84 = arith.divf %broadcast_in_dim3A, %div3A_83 : vector<2000x1xf32>
    %sub3A = vector.broadcast %div3A_84 : vector<2000x1xf32> to vector<2000x128xf32>
    %sub3A_85 = arith.subf %max3A_80, %sub3A : vector<2000x128xf32>
    %mul3A_86 = arith.mulf %sub3A_85, %sub3A_85 : vector<2000x128xf32>
    %reduce_sum3A_87 = arith.constant dense<0.000000e+00> : vector<2000xf32>
    %reduce_sum3A_88 = vector.multi_reduction <add>, %mul3A_86, %reduce_sum3A_87 [1] : vector<2000x128xf32> to vector<2000xf32>
    %broadcast_in_dim3A_89 = vector.shape_cast %reduce_sum3A_88 : vector<2000xf32> to vector<2000x1xf32>
    %div3A_90 = arith.constant 1.280000e+02 : f32
    %div3A_91 = vector.broadcast %div3A_90 : f32 to vector<2000x1xf32>
    %div3A_92 = arith.divf %broadcast_in_dim3A_89, %div3A_91 : vector<2000x1xf32>
    %add3A_93 = arith.constant 9.99999974E-6 : f32
    %add3A_94 = vector.broadcast %add3A_93 : f32 to vector<2000x1xf32>
    %add3A_95 = arith.addf %div3A_92, %add3A_94 : vector<2000x1xf32>
    %rsqrt3A = math.rsqrt %add3A_95 : vector<2000x1xf32>
    %mul3A_96 = vector.broadcast %rsqrt3A : vector<2000x1xf32> to vector<2000x128xf32>
    %mul3A_97 = arith.mulf %sub3A_85, %mul3A_96 : vector<2000x128xf32>
    %get3A_98 = arith.constant 0 : index
    %get3A_99 = arith.constant 0 : index
    %get3A_100 = vector.load %arg7[%get3A_98, %get3A_99] : memref<1x128xf32, #tpu.memory_space<vmem>>, vector<1x128xf32>
    %mul3A_101 = vector.broadcast %get3A_100 : vector<1x128xf32> to vector<2000x128xf32>
    %mul3A_102 = arith.mulf %mul3A_97, %mul3A_101 : vector<2000x128xf32>
    %get3A_103 = arith.constant 0 : index
    %get3A_104 = arith.constant 0 : index
    %get3A_105 = vector.load %arg8[%get3A_103, %get3A_104] : memref<1x128xf32, #tpu.memory_space<vmem>>, vector<1x128xf32>
    %add3A_106 = vector.broadcast %get3A_105 : vector<1x128xf32> to vector<2000x128xf32>
    %add3A_107 = arith.addf %mul3A_102, %add3A_106 : vector<2000x128xf32>
    %swap3A = arith.constant 0 : index
    %swap3A_108 = arith.constant 0 : index
    %swap3A_109 = vector.load %arg9[%swap3A, %swap3A_108] : memref<2000x128xf32, #tpu.memory_space<vmem>>, vector<2000x128xf32>
    tpu.vector_store %arg9[%swap3A, %swap3A_108], %add3A_107 {strides = array<i32>} : memref<2000x128xf32, #tpu.memory_space<vmem>>, vector<2000x128xf32>,
    return
  }
  func.func @transform_0(%arg0: i32) -> (i32, i32) {
    %c0_i32 = arith.constant 0 : i32
    %c0_i32_0 = arith.constant 0 : i32
    return %arg0, %c0_i32 : i32, i32
  }
  func.func @transform_1(%arg0: i32) -> (i32, i32, i32) {
    %c0_i32 = arith.constant 0 : i32
    %c0_i32_0 = arith.constant 0 : i32
    %c0_i32_1 = arith.constant 0 : i32
    return %c0_i32, %arg0, %c0_i32_0 : i32, i32, i32
  }
  func.func @transform_2(%arg0: i32) -> (i32, i32) {
    %c0_i32 = arith.constant 0 : i32
    %c0_i32_0 = arith.constant 0 : i32
    return %arg0, %c0_i32 : i32, i32
  }
  func.func @transform_3(%arg0: i32) -> (i32, i32, i32) {
    %c0_i32 = arith.constant 0 : i32
    %c0_i32_0 = arith.constant 0 : i32
    %c0_i32_1 = arith.constant 0 : i32
    %c0_i32_2 = arith.constant 0 : i32
    return %c0_i32, %c0_i32_0, %c0_i32_1 : i32, i32, i32
  }
  func.func @transform_4(%arg0: i32) -> (i32, i32) {
    %c0_i32 = arith.constant 0 : i32
    %c0_i32_0 = arith.constant 0 : i32
    %c0_i32_1 = arith.constant 0 : i32
    return %c0_i32, %c0_i32_0 : i32, i32
  }
  func.func @transform_5(%arg0: i32) -> (i32, i32) {
    %c0_i32 = arith.constant 0 : i32
    %c0_i32_0 = arith.constant 0 : i32
    %c0_i32_1 = arith.constant 0 : i32
    return %c0_i32, %c0_i32_0 : i32, i32
  }
  func.func @transform_6(%arg0: i32) -> (i32, i32) {
    %c0_i32 = arith.constant 0 : i32
    %c0_i32_0 = arith.constant 0 : i32
    %c0_i32_1 = arith.constant 0 : i32
    return %c0_i32, %c0_i32_0 : i32, i32
  }
  func.func @transform_7(%arg0: i32) -> (i32, i32) {
    %c0_i32 = arith.constant 0 : i32
    %c0_i32_0 = arith.constant 0 : i32
    %c0_i32_1 = arith.constant 0 : i32
    return %c0_i32, %c0_i32_0 : i32, i32
  }
  func.func @transform_8(%arg0: i32) -> (i32, i32) {
    %c0_i32 = arith.constant 0 : i32
    %c0_i32_0 = arith.constant 0 : i32
    return %arg0, %c0_i32 : i32, i32
  }
}

</mosaic_0001>

<sc_bundles>
// kernel: kernel.5.cloned.1.call-start
scs
__scs_entry_jumppad:
0x0: {  	(pc) =	sbr.rel $0x88, $3  }
0x1: {  	(tag) =	ssettag $0x0;
	lr =	simm.s32 $0x1  }
0x2: {  	[smem:$0x3F96] =	sst lr;
	_ =	strace $0xD0000000  }
0x3: {  	_ = 	snop  }
0x4: {  	_ = 	snop  }
0x5: {  	_ = 	snop  }
0x6: {  	_ = 	snop  }
0x7: {  	_ = 	snop  }
__scs_overlays_trampoline_lowered:
0x8: {  	[smem:$0x3FA5] =	sst s0  }
0x9: {  	[smem:$0x3FA6] =	sst s1  }
0xa: {  	[smem:$0x3FA7] =	sst s2  }
0xb: {  	[smem:$0x3FA8] =	sst s3  }
0xc: {  	[smem:$0x3FA9] =	sst s4  }
0xd: {  	[smem:$0x3FAA] =	sst s5  }
0xe: {  	[smem:$0x3FAB] =	sst s6  }
0xf: {  	[smem:$0x3FAC] =	sst s7  }
0x10: {  	[smem:$0x3FAD] =	sst s8  }
0x11: {  	[smem:$0x3FAE] =	sst s9;
	s0 =	simm.s32 @!p0 $0x0  }
0x12: {  	s1 =	sld [smem:$0x3F94];
	s0 =	simm.s32 @p0 $0x1  }
0x13: {  	[smem:$0x3FAF] =	sst s0;
	s0 =	simm.s32 @!p1 $0x0  }
0x14: {  	s2 =	sld [smem:$0x3F93];
	s0 =	simm.s32 @p1 $0x1  }
0x15: {  	[smem:$0x3FB0] =	sst s0;
	s0 =	simm.s32 @!p2 $0x0  }
0x16: {  	s3 =	sld [smem:$0x3FDB];
	s0 =	simm.s32 @p2 $0x1  }
0x17: {  	s4 =	simm.s32 $0x1BF5;
	[smem:$0x3FB2] =	sst s0  }
0x18: {  	s0 =	sld [smem:$0x3F95];
	_ =	swait.ge [sflag:s4], $0x0  }
0x19: {  	s7 =	sld [smem:$0x3F96]  }
0x1a: {  	s8 =	sadd.s32 $0xFFFFE003, lr  }
0x1b: {  	s9 =	sadd.s32 $0xFFFFFEF7, lr;
	s5 =	simm.s32 $0xFFFFFFFF;
	p2 =	slt.u32 s8, $0xFFFFF086  }
0x1c: {  	p1 =	slt.u32 s9, $0xF7A;
	s5 =	simm.s32 @!p2 $0x0  }
0x1d: {  	s5 =	simm.s32 @p1 $0x1;
	p0 =	seq.s32 s7, s2  }
0x1e: {  	s7 =	smul.u32 @!p0 $0xF7A, s2;
	p2 =	seq.s32 @!p0 s5, $0x0  }
0x1f: {  	s9 =	smul.u32 $0xF7A, s1;
	s8 =	simm.s32 @!p0 $0x1BF5;
	p2 =	por !p2, p0  }
0x20: {  	[sflag:s8] =	ssyncset.s32 @!p0 $0xFFFFF086;
	s6 =	sadd.s32 @!p0 s3, s7;
	s7 =	simm.s32 @!p0 $0x108  }
0x21: {  	s3 =	sadd.s32 s3, s9;
	s6 =	sadd.s32 @!p0 $0x88, s6;
	s7 =	simm.s32 @p2 $0x1082  }
0x22: {  	[simem:s7], [sflag:s8] =	dma.local @!p0 [hbm:s6], $0xF7A  }
0x23: {  	s9 =	sor.u32 $0xD0000000, s2;
	s6 =	simm.s32 $0x108;
	_ =	swait.ge @!p0 [sflag:s8], $0x0  }
0x24: {  	s3 =	sadd.s32 $0x88, s3;
	s6 =	simm.s32 @!p1 $0x1082;
	[sflag:s4] =	ssyncset.s32 $0xFFFFF086  }
0x25: {  	[simem:s6], [sflag:s4] =	dma.local [hbm:s3], $0xF7A  }
0x26: {  	[smem:$0x3F96] =	sst s1;
	(tag) =	ssettag s2;
	_ =	strace s9  }
0x27: {  	s1 =	sld [smem:$0x3FA6]  }
0x28: {  	s2 =	sld [smem:$0x3FA7]  }
0x29: {  	s4 =	sld [smem:$0x3FA9]  }
0x2a: {  	p0 =	seq.s32 s5, $0x0;
	s5 =	sld [smem:$0x3FAA]  }
0x2b: {  	s6 =	sld [smem:$0x3FAB]  }
0x2c: {  	s7 =	sld [smem:$0x3FAC]  }
0x2d: {  	s3 =	simm.s32 $0x108;
	s8 =	sld [smem:$0x3FAD]  }
0x2e: {  	s3 =	simm.s32 @!p0 $0x1082;
	s9 =	sld [smem:$0x3FAE]  }
0x2f: {  	lr =	sadd.s32 s0, s3;
	s0 =	sld [smem:$0x3FA5]  }
0x30: {  	s3 =	sld [smem:$0x3FA8]  }
0x31: {  	[smem:$0x3FB1] =	sst s10  }
0x32: {  	s10 =	sld [smem:$0x3FAF];
	_ =	sdelay $0x3  }
0x33: {  	p0 =	seq.s32 s10, $0x1;
	s10 =	sld [smem:$0x3FB1];
	_ =	sdelay $0x3  }
0x34: {  	[smem:$0x3FB1] =	sst s10  }
0x35: {  	s10 =	sld [smem:$0x3FB0];
	_ =	sdelay $0x3  }
0x36: {  	p1 =	seq.s32 s10, $0x1;
	s10 =	sld [smem:$0x3FB1];
	_ =	sdelay $0x3  }
0x37: {  	[smem:$0x3FB1] =	sst s10  }
0x38: {  	s10 =	sld [smem:$0x3FB2]  }
0x39: {  	_ = 	snop;
	(pc) =	sbr.ind lr, $3  }
0x3a: {  	_ = 	snop  }
0x3b: {  	_ = 	snop  }
0x3c: {  	p2 =	seq.s32 s10, $0x1;
	s10 =	sld [smem:$0x3FB1]  }
0x3d: {  	_ =	shalt  }
0x3e: {  	_ =	shalt  }
0x3f: {  	_ =	shalt  }
0x40: {  	_ =	shalt  }
0x41: {  	_ =	shalt  }
0x42: {  	_ =	shalt  }
0x43: {  	_ =	shalt  }
0x44: {  	_ =	shalt  }
0x45: {  	_ =	shalt  }
0x46: {  	_ =	shalt  }
0x47: {  	_ =	shalt  }
0x48: {  	_ =	shalt  }
0x49: {  	_ =	shalt  }
0x4a: {  	_ =	shalt  }
0x4b: {  	_ =	shalt  }
0x4c: {  	_ =	shalt  }
0x4d: {  	_ =	shalt  }
0x4e: {  	_ =	shalt  }
0x4f: {  	_ =	shalt  }
0x50: {  	_ =	shalt  }
0x51: {  	_ =	shalt  }
0x52: {  	_ =	shalt  }
0x53: {  	_ =	shalt  }
0x54: {  	_ =	shalt  }
0x55: {  	_ =	shalt  }
0x56: {  	_ =	shalt  }
0x57: {  	_ =	shalt  }
0x58: {  	_ =	shalt  }
0x59: {  	_ =	shalt  }
0x5a: {  	_ =	shalt  }
0x5b: {  	_ =	shalt  }
0x5c: {  	_ =	shalt  }
0x5d: {  	_ =	shalt  }
0x5e: {  	_ =	shalt  }
0x5f: {  	_ =	shalt  }
0x60: {  	_ =	shalt  }
0x61: {  	_ =	shalt  }
0x62: {  	_ =	shalt  }
0x63: {  	_ =	shalt  }
0x64: {  	_ =	shalt  }
0x65: {  	_ =	shalt  }
0x66: {  	_ =	shalt  }
0x67: {  	_ =	shalt  }
0x68: {  	_ =	shalt  }
0x69: {  	_ =	shalt  }
0x6a: {  	_ =	shalt  }
0x6b: {  	_ =	shalt  }
0x6c: {  	_ =	shalt  }
0x6d: {  	_ =	shalt  }
0x6e: {  	_ =	shalt  }
0x6f: {  	_ =	shalt  }
0x70: {  	_ =	shalt  }
0x71: {  	_ =	shalt  }
0x72: {  	_ =	shalt  }
0x73: {  	_ =	shalt  }
0x74: {  	_ =	shalt  }
0x75: {  	_ =	shalt  }
0x76: {  	_ =	shalt  }
0x77: {  	_ =	shalt  }
0x78: {  	_ =	shalt  }
0x79: {  	_ =	shalt  }
0x7a: {  	_ =	shalt  }
0x7b: {  	_ =	shalt  }
0x7c: {  	_ =	shalt  }
0x7d: {  	_ =	shalt  }
0x7e: {  	_ =	shalt  }
0x7f: {  	_ =	shalt  }
0x80: {  	_ =	shalt  }
0x81: {  	_ =	shalt  }
0x82: {  	_ =	shalt  }
0x83: {  	_ =	shalt  }
0x84: {  	_ =	shalt  }
0x85: {  	_ =	shalt  }
0x86: {  	_ =	shalt  }
0x87: {  	_ =	shalt  }
.Lfunc_end0:
.L_simem_size_0:
called_computation_lowered:
.L_overlay_start_0:
0x88: {  	s2 =	sld [smem:$0x3FD9]  }
0x89: {  	s3 =	sld [smem:$0x3FFE];
	_ =	sdelay $0x1  }
0x8a: {  	s1 =	srdreg.scid  }
0x8b: {  	s0 =	sand.u32 $0x1, s1  }
0x8c: {  	s17 =	sshll.u32 s0, $0xA;
	s2 =	sadd.s32 s3, s2  }
0x8d: {  	s2 =	sadd.s32 s2, s17  }
0x8e: {  	[smem:$0x3FBD] =	sst s2  }
0x8f: {  	_ = 	snop  }
0x90: {  	s2 =	sld [smem:$0x3FD0];
	(tm) =	ssettm $0x1  }
0x91: {  	s18 =	sld [smem:$0x3FFB];
	_ =	sdelay $0x3  }
0x92: {  	_ =	strace s18  }
0x93: {  	s3 =	sld [smem:$0x3FFC];
	_ =	sdelay $0x3  }
0x94: {  	_ =	strace s3  }
0x95: {  	s3 =	sld [smem:$0x3FFD];
	_ =	sdelay $0x3  }
0x96: {  	_ =	strace s3  }
0x97: {  	_ =	strace $0x8FFFFFFF  }
0x98: {  	s19 =	sld [smem:$0x3FDB];
	_ =	sdelay $0x1  }
0x99: {  	s4 =	simm.s32 $_scs_section_size  }
0x9a: {  	s5 =	simm.s32 $_size__tile_overlayer_lowered;
	s6 =	simm.s32 $_tile_overlayer_lowered  }
0x9b: {  	s22 =	simm.s32 $0x1BFF;
	s21 =	sshll.u32 s6, $0x1;
	s3 =	sadd.s32 s4, s19  }
0x9c: {  	s7 =	simm.s32 $0x0;
	s20 =	sshll.u32 s5, $0x1;
	s5 =	sadd.s32 s21, s3  }
0x9d: {  	[timem:s7], [sflag:s22] =	dma.local [hbm:s5], s20  }
0x9e: {  	_ =	swait.ge [sflag:s22], s20  }
0x9f: {  	s4 =	ssub.s32 $0x0, s20;
	[sflag:s22] =	ssyncset.done $0x0  }
0xa0: {  	[sflag:s22] =	ssyncadd.s32 s4;
	_ =	sdelay $0x1  }
0xa1: {  	s23 =	simm.s32 $0x1B8B  }
0xa2: {  	_ =	swait.ge [sflag:s23], $0x1  }
0xa3: {  	[sflag:s23] =	ssyncset.done $0x0  }
0xa4: {  	s25 =	simm.s32 $0x1B8E;
	s24 =	sld [smem:$0x3FFE];
	[sflag:s23] =	ssyncadd.s32 $0xFFFFFFFF  }
0xa5: {  	s26 =	simm.s32 $execute0_lowered;
	[smem:$0x3FD2] =	sst s25  }
0xa6: {  	s5 =	sshll.u32 s26, $0x1;
	_ =	strace $0x80000046;
	[dreg:$0x1] =	wrdreg $0xFFFFFFFF  }
0xa7: {  	s28 =	simm.s32 $_size_execute0_lowered;
	s3 =	sadd.s32 s3, s5;
	[dreg:$0x0] =	wrdreg $0x0  }
0xa8: {  	s5 =	sshll.u32 s28, $0x1;
	[dreg:$0x2] =	wrdreg s3  }
0xa9: {  	[dreg:$0x3] =	wrdreg s5  }
0xaa: {  	[dreg:$0x4] =	wrdreg $0xC0  }
0xab: {  	_ =	task [dreg:s7], $0x5FFFF  }
0xac: {  	[dreg:$0x1] =	wrdreg $0xFFFFFFFF  }
0xad: {  	[dreg:$0x0] =	wrdreg $0x60  }
0xae: {  	[dreg:$0x2] =	wrdreg s2  }
0xaf: {  	[dreg:$0x3] =	wrdreg s24  }
0xb0: {  	[dreg:$0x4] =	wrdreg $0xBD800  }
0xb1: {  	[dreg:$0x5] =	wrdreg $0x1F6400  }
0xb2: {  	[dreg:$0x6] =	wrdreg $0x9  }
0xb3: {  	_ =	task.clear_ibuf [dreg:s7], $0x7FFFF;
	_ =	strace $0x90000046  }
0xb4: {  	s29 =	simm.s32 $0x9;
	_ =	strace $0x80000048  }
0xb5: {  	_ =	swait.ge [sflag:s29], $0x1  }
0xb6: {  	[sflag:s29] =	ssyncadd.s32 $0xFFFFFFFF  }
0xb7: {  	_ =	strace $0x90000048  }
0xb8: {  	_ =	sfence  }
0xb9: {  	s30 =	sld [smem:$0x0];
	_ =	sdelay $0x2  }
0xba: {  	s31 =	sshll.u32 s1, $0xD;
	s1 =	sshrl.u32 s1, $0x2  }
0xbb: {  	s3 =	sand.u32 $0x4000, s31;
	s1 =	sadd.s32 s1, s30  }
0xbc: {  	s0 =	sor.u32 s3, s0;
	s1 =	sshll.u32 s1, $0x11  }
0xbd: {  	s0 =	sor.u32 s1, s0  }
0xbe: {  	s0 =	sadd.s32 $0x8F2B, s0  }
0xbf: {  	[sflag:s0] =	ssyncadd.remote.s32 $0x1  }
0xc0: {  	_ =	sfence.sel $0xFFFF  }
0xc1: {  	[dreg:$0x0] =	wrdreg $0xFFFFFFFF;
	(pc) =	sbr.abs _section_cstart, $3  }
0xc2: {  	[dreg:$0x1] =	wrdreg $0xFFFFFFFF  }
0xc3: {  	_ =	task.clear_ibuf [dreg:s7], $0x2FFFF;
	_ =	strace $0x9FFFFFFF  }
0xc4: {  	(tm) =	ssettm $0x7FFFFFFF  }
0xc5: {  	_ =	shalt  }
tec
execute0_lowered:
.L_overlay_start_1:
0x0: {  	(tag) =	ssettag $0x1  }
0x1: {  	s1 =	rddreg [dreg:$0x0]  }
0x2: {  	s0 =	rddreg [dreg:$0x1]  }
0x3: {  	s2 =	rddreg [dreg:$0x2]  }
0x4: {  	s3 =	rddreg [dreg:$0x3];
	s4 =	simm.s32 $0x0;
	s6 =	srdreg.scid  }
0x5: {  	s19 =	stileid.u32;
	s28 =	simm.s32 $0x1;
	s29 =	simm.s32 $0xA800  }
0x6: {  	s31 =	simm.s32 $0x2700;
	[smem:$0x7FF] =	sst s4;
	s16 =	smul.u32 $0x4E200, s19  }
0x7: {  	s5 =	sadd.s32 $0xC400, s0;
	s7 =	sadd.s32 $0x2400, s0;
	s12 =	smul.u32 $0x1400, s19  }
0x8: {  	s8 =	sand.u32 $0x1, s6;
	s9 =	sadd.s32 $0x17800, s0;
	s14 =	smul.u32 $0x13C00, s19  }
0x9: {  	s0 =	sadd.s32 $0x16400, s0;
	p0 =	seq.s32 s19, $0xF;
	s17 =	smul.u32 $0x14000, s8  }
0xa: {  	s30 =	simm.s32 $0x2;
	_ =	strace $0x80000047;
	s20 =	smul.u32 $0x138800, s8  }
0xb: {  	s10 =	ssub.s32 $0x2, s8;
	s15 =	sor.u32 $0x2, s8;
	s8 =	smul.u32 $0x2710, s8  }
0xc: {  	s11 =	sshrl.u32 s10, $0x1;
	s6 =	sshrl.u32 s16, $0x2;
	s21 =	smul.u32 $0x14000, s15  }
0xd: {  	s26 =	smul.u32 $0x138800, s15;
	s10 =	ssub.s32 s10, s11;
	s6 =	sadd.s32 s6, s2  }
0xe: {  	s11 =	sadd.s32 s12, s17;
	s17 =	smul.u32 $0x278, s19;
	s22 =	sadd.s32 s14, s20  }
0xf: {  	s20 =	sshrl.u32 s20, $0x3;
	s13 =	sadd.s32 $0xC80, s6;
	s18 =	sadd.s32 $0x1900, s6  }
0x10: {  	s16 =	sadd.s32 $0x2580, s6;
	s11 =	sshrl.u32 s11, $0x3;
	[dreg:$0x5] =	wrdreg s13  }
0x11: {  	s12 =	sadd.s32 s12, s21;
	s21 =	sadd.s32 s14, s26;
	[dreg:$0x6] =	wrdreg s18  }
0x12: {  	s10 =	smax.u32 s10, $0x1;
	s14 =	sadd.s32 $0x6400, s6;
	[dreg:$0x7] =	wrdreg s16  }
0x13: {  	s18 =	sadd.s32 s5, s11;
	s11 =	sadd.s32 s7, s11;
	[dreg:$0x16] =	wrdreg s10  }
0x14: {  	s24 =	sshrl.u32 s12, $0x3;
	s25 =	sadd.s32 s17, s8;
	[dreg:$0x1a] =	wrdreg s14  }
0x15: {  	s16 =	smul.u32 $0x4F000, s19;
	s12 =	sshrl.u32 s21, $0x3;
	[dreg:$0x8] =	wrdreg s18  }
0x16: {  	s8 =	sadd.s32 $0x2508, s8;
	s13 =	sadd.s32 $0x5780, s6;
	[dreg:$0x9] =	wrdreg s11  }
0x17: {  	s21 =	sadd.s32 s17, s3;
	s19 =	sadd.s32 $0xA280, s6;
	[dreg:$0x19] =	wrdreg s13  }
0x18: {  	s18 =	sshrl.u32 s22, $0x3;
	s5 =	sadd.s32 s5, s24;
	[dreg:$0x1f] =	wrdreg s19  }
0x19: {  	s7 =	sadd.s32 s7, s24;
	s22 =	smul.u32 $0x2710, s15;
	[dreg:$0xb] =	wrdreg s5  }
0x1a: {  	s12 =	sadd.s32 s9, s12;
	s8 =	sshrl.u32 s8, $0x3;
	[dreg:$0xc] =	wrdreg s7  }
0x1b: {  	s15 =	sadd.s32 $0x7080, s6;
	s19 =	sadd.s32 $0x10680, s6;
	[dreg:$0xe] =	wrdreg s12  }
0x1c: {  	s23 =	sadd.s32 s9, s18;
	s18 =	sshrl.u32 s25, $0x3;
	[dreg:$0x1b] =	wrdreg s15  }
0x1d: {  	s5 =	sshrl.u32 s26, $0x3;
	s8 =	sadd.s32 s0, s8;
	[dreg:$0xa] =	wrdreg s23  }
0x1e: {  	s26 =	sadd.s32 $0x3200, s6;
	s7 =	sshrl.u32 s16, $0x2;
	[dreg:$0xf] =	wrdreg s8  }
0x1f: {  	s16 =	sadd.s32 $0x7D00, s6;
	s15 =	simm.s32 $0x1380;
	[dreg:$0x12] =	wrdreg s26  }
0x20: {  	s11 =	sadd.s32 s0, s18;
	s5 =	sadd.s32 s9, s5;
	[dreg:$0x1c] =	wrdreg s16  }
0x21: {  	s23 =	sadd.s32 s17, s22;
	s17 =	sadd.s32 $0x8980, s6;
	[dreg:$0xd] =	wrdreg s11  }
0x22: {  	s24 =	sadd.s32 $0x2508, s22;
	s18 =	sadd.s32 $0x9600, s6;
	[dreg:$0x1d] =	wrdreg s17  }
0x23: {  	s22 =	sadd.s32 $0xBB80, s6;
	s26 =	sadd.s32 $0x128400, s2;
	[dreg:$0x1e] =	wrdreg s18  }
0x24: {  	s11 =	sadd.s32 s9, s20;
	s9 =	sshrl.u32 s23, $0x3;
	[smem:$0x7F9] =	sst s22  }
0x25: {  	s12 =	sshrl.u32 s24, $0x3;
	s20 =	sadd.s32 $0xAF00, s6;
	[smem:$0x7FD] =	sst s26  }
0x26: {  	s23 =	sadd.s32 $0xC800, s6;
	s24 =	sadd.s32 $0xD480, s6;
	[smem:$0x7F8] =	sst s20  }
0x27: {  	s17 =	sadd.s32 $0xED80, s6;
	s18 =	sadd.s32 $0xFA00, s6;
	[smem:$0x7FA] =	sst s23  }
0x28: {  	s22 =	sadd.s32 $0x11300, s6;
	s25 =	sadd.s32 s0, s9;
	[smem:$0x7FB] =	sst s24  }
0x29: {  	s26 =	simm.s32 $0x6800;
	s0 =	sadd.s32 s0, s12;
	[dreg:$0x10] =	wrdreg s25  }
0x2a: {  	s8 =	sadd.s32 $0x25080, s11;
	s9 =	sadd.s32 $0x25080, s5;
	[dreg:$0x11] =	wrdreg s0  }
0x2b: {  	s11 =	sadd.s32 $0x3E80, s6;
	s12 =	sadd.s32 $0x4B00, s6;
	[dreg:$0x14] =	wrdreg s8  }
0x2c: {  	s23 =	sadd.s32 $0x11F80, s6;
	s24 =	sadd.s32 $0x12C00, s6;
	[dreg:$0x15] =	wrdreg s9  }
0x2d: {  	s20 =	simm.s32 $0x2800;
	s0 =	sadd.s32 s7, s2;
	[dreg:$0x17] =	wrdreg s11  }
0x2e: {  	[dreg:$0x18] =	wrdreg s12;
	s25 =	sadd.s32 $0xE100, s6;
	s7 =	simm.s32 $0xA880  }
0x2f: {  	s8 =	simm.s32 $0x3;
	s9 =	simm.s32 $0x80;
	[dreg:$0x13] =	wrdreg s0  }
0x30: {  	v0 =	vimm.f32 $0.0e+00;
	v1 =	vimm.f32 $1.000000000e+00;
	[smem:$0x7FC] =	sst s25;
	s25 =	sadd.s32 $0x2508, s3;
	s0 =	simm.s32 $0x2780  }
.LBB2_1:
0x31: {  	s5 =	simm.s32 $0x0;
	s10 =	simm.s32 $0x200  }
.LBB2_2:
0x32: {  	p1 =	sne.s32 s10, $0x3000;
	[tilespmem:s5+$0xA8F0] =	vst v0  }
0x33: {  	[tilespmem:s5+$0xA880] =	vst v0  }
0x34: {  	[tilespmem:s5+$0xA890] =	vst v0  }
.Ltmp0:
0x35: {  	[tilespmem:s5+$0xA8A0] =	vst v0;
	(pc) =	sbr.rel @p1 .LBB2_2-.Ltmp0, $4  }
0x36: {  	[tilespmem:s5+$0xA8B0] =	vst v0  }
0x37: {  	[tilespmem:s5+$0xA8C0] =	vst v0  }
0x38: {  	[tilespmem:s5+$0xA8D0] =	vst v0  }
0x39: {  	[tilespmem:s5+$0xA8E0] =	vst v0;
	s5 =	sshra.s32 s10, $0x2;
	s10 =	sadd.s32 $0x200, s10  }
0x3a: {  	[tilespmem:s5+$0xA8F0] =	vst v0  }
0x3b: {  	[tilespmem:s5+$0xA880] =	vst v0  }
0x3c: {  	[tilespmem:s5+$0xA890] =	vst v0  }
0x3d: {  	[tilespmem:s5+$0xA8A0] =	vst v0  }
0x3e: {  	[tilespmem:s5+$0xA8B0] =	vst v0  }
0x3f: {  	[tilespmem:s5+$0xA8C0] =	vst v0  }
0x40: {  	[tilespmem:s5+$0xA8D0] =	vst v0  }
0x41: {  	[tilespmem:s5+$0xA8E0] =	vst v0  }
0x42: {  	[tilespmem:$0xA800] =	vst v1  }
0x43: {  	[tilespmem:$0xA810] =	vst v1  }
0x44: {  	[tilespmem:$0xA820] =	vst v1  }
0x45: {  	[tilespmem:$0xA830] =	vst v1  }
0x46: {  	[tilespmem:$0xA840] =	vst v1  }
0x47: {  	[tilespmem:$0xA850] =	vst v1  }
0x48: {  	[tilespmem:$0xA860] =	vst v1  }
0x49: {  	[tilespmem:$0xA870] =	vst v1  }
0x4a: {  	[tilespmem:$0xB880] =	vst v0  }
0x4b: {  	[tilespmem:$0xB890] =	vst v0  }
0x4c: {  	[tilespmem:$0xB8A0] =	vst v0  }
0x4d: {  	[tilespmem:$0xB8B0] =	vst v0  }
0x4e: {  	[tilespmem:$0xB8C0] =	vst v0  }
0x4f: {  	[tilespmem:$0xB8D0] =	vst v0  }
0x50: {  	[tilespmem:$0xB8E0] =	vst v0  }
0x51: {  	[tilespmem:$0xB8F0] =	vst v0  }
0x52: {  	[tilespmem:$0xB900] =	vst v0  }
0x53: {  	[tilespmem:$0xB910] =	vst v0  }
0x54: {  	[tilespmem:$0xB920] =	vst v0  }
0x55: {  	[tilespmem:$0xB930] =	vst v0  }
0x56: {  	[tilespmem:$0xB940] =	vst v0  }
0x57: {  	[tilespmem:$0xB950] =	vst v0  }
0x58: {  	[tilespmem:$0xB960] =	vst v0  }
0x59: {  	[tilespmem:$0xB970] =	vst v0  }
0x5a: {  	[tilespmem:$0xB980] =	vst v0  }
0x5b: {  	[tilespmem:$0xB990] =	vst v0  }
0x5c: {  	[tilespmem:$0xB9A0] =	vst v0  }
0x5d: {  	[tilespmem:$0xB9B0] =	vst v0  }
0x5e: {  	[tilespmem:$0xB9C0] =	vst v0  }
0x5f: {  	[tilespmem:$0xB9D0] =	vst v0  }
0x60: {  	[tilespmem:$0xB9E0] =	vst v0  }
0x61: {  	[tilespmem:$0xB9F0] =	vst v0  }
0x62: {  	[tilespmem:$0xBA00] =	vst v0  }
0x63: {  	[tilespmem:$0xBA10] =	vst v0  }
0x64: {  	[tilespmem:$0xBA20] =	vst v0  }
0x65: {  	[tilespmem:$0xBA30] =	vst v0  }
0x66: {  	[tilespmem:$0xBA40] =	vst v0  }
0x67: {  	[tilespmem:$0xBA50] =	vst v0  }
0x68: {  	[tilespmem:$0xBA60] =	vst v0  }
0x69: {  	[tilespmem:$0xBA70] =	vst v0  }
0x6a: {  	[tilespmem:$0xBA80] =	vst v0  }
0x6b: {  	[tilespmem:$0xBA90] =	vst v0  }
0x6c: {  	[tilespmem:$0xBAA0] =	vst v0  }
0x6d: {  	[tilespmem:$0xBAB0] =	vst v0  }
0x6e: {  	[tilespmem:$0xBAC0] =	vst v0  }
0x6f: {  	[tilespmem:$0xBAD0] =	vst v0  }
0x70: {  	[tilespmem:$0xBAE0] =	vst v0  }
0x71: {  	[spmem:s6] =	stream.linear.scatter [tilespmem:s7], [sflag:$0x3], $0xC80, $0x38;
	[tilespmem:$0x1F8B8] =	vst v63  }
0x72: {  	_ =	swait.ge [sflag:s8], $0xC80  }
0x73: {  	[sflag:s8] =	ssyncset.done $0x0  }
0x74: {  	s14 =	rddreg [dreg:$0x5];
	[sflag:s8] =	ssyncadd.s32 $0xFFFFF380  }
0x75: {  	[spmem:s14] =	stream.linear.scatter [tilespmem:s7], [sflag:$0x3], $0xC80, $0x38;
	[tilespmem:$0x1F8B8] =	vst v63  }
0x76: {  	_ =	swait.ge [sflag:s8], $0xC80  }
0x77: {  	[sflag:s8] =	ssyncset.done $0x0  }
0x78: {  	s16 =	rddreg [dreg:$0x6];
	[sflag:s8] =	ssyncadd.s32 $0xFFFFF380  }
0x79: {  	[spmem:s16] =	stream.linear.scatter [tilespmem:s7], [sflag:$0x3], $0xC80, $0x38;
	[tilespmem:$0x1F8B8] =	vst v63  }
0x7a: {  	_ =	swait.ge [sflag:s8], $0xC80  }
0x7b: {  	[sflag:s8] =	ssyncset.done $0x0  }
0x7c: {  	s10 =	rddreg [dreg:$0x7];
	[sflag:s8] =	ssyncadd.s32 $0xFFFFF380  }
0x7d: {  	[spmem:s10] =	stream.linear.scatter [tilespmem:s7], [sflag:$0x3], $0xC80, $0x38;
	[tilespmem:$0x1F8B8] =	vst v63  }
0x7e: {  	_ =	swait.ge [sflag:s8], $0xC80  }
0x7f: {  	[sflag:s8] =	ssyncset.done $0x0  }
0x80: {  	s11 =	rddreg [dreg:$0x12];
	[sflag:s8] =	ssyncadd.s32 $0xFFFFF380  }
0x81: {  	[spmem:s11] =	stream.linear.scatter [tilespmem:s7], [sflag:$0x3], $0xC80, $0x38;
	[tilespmem:$0x1F8B8] =	vst v63  }
0x82: {  	_ =	swait.ge [sflag:s8], $0xC80  }
0x83: {  	[sflag:s8] =	ssyncset.done $0x0  }
0x84: {  	s12 =	rddreg [dreg:$0x17];
	[sflag:s8] =	ssyncadd.s32 $0xFFFFF380  }
0x85: {  	[spmem:s12] =	stream.linear.scatter [tilespmem:s7], [sflag:$0x3], $0xC80, $0x38;
	[tilespmem:$0x1F8B8] =	vst v63  }
0x86: {  	_ =	swait.ge [sflag:s8], $0xC80  }
0x87: {  	[sflag:s8] =	ssyncset.done $0x0  }
0x88: {  	s13 =	rddreg [dreg:$0x18];
	[sflag:s8] =	ssyncadd.s32 $0xFFFFF380  }
0x89: {  	[spmem:s13] =	stream.linear.scatter [tilespmem:s7], [sflag:$0x3], $0xC80, $0x38;
	[tilespmem:$0x1F8B8] =	vst v63  }
0x8a: {  	_ =	swait.ge [sflag:s8], $0xC80  }
0x8b: {  	[sflag:s8] =	ssyncset.done $0x0  }
0x8c: {  	s14 =	rddreg [dreg:$0x19];
	[sflag:s8] =	ssyncadd.s32 $0xFFFFF380  }
0x8d: {  	[spmem:s14] =	stream.linear.scatter [tilespmem:s7], [sflag:$0x3], $0xC80, $0x38;
	[tilespmem:$0x1F8B8] =	vst v63  }
0x8e: {  	_ =	swait.ge [sflag:s8], $0xC80  }
0x8f: {  	[sflag:s8] =	ssyncset.done $0x0  }
0x90: {  	s16 =	rddreg [dreg:$0x1a];
	[sflag:s8] =	ssyncadd.s32 $0xFFFFF380  }
0x91: {  	[spmem:s16] =	stream.linear.scatter [tilespmem:s7], [sflag:$0x3], $0xC80, $0x38;
	[tilespmem:$0x1F8B8] =	vst v63  }
0x92: {  	_ =	swait.ge [sflag:s8], $0xC80  }
0x93: {  	[sflag:s8] =	ssyncset.done $0x0  }
0x94: {  	s10 =	rddreg [dreg:$0x1b];
	[sflag:s8] =	ssyncadd.s32 $0xFFFFF380  }
0x95: {  	[spmem:s10] =	stream.linear.scatter [tilespmem:s7], [sflag:$0x3], $0xC80, $0x38;
	[tilespmem:$0x1F8B8] =	vst v63  }
0x96: {  	_ =	swait.ge [sflag:s8], $0xC80  }
0x97: {  	[sflag:s8] =	ssyncset.done $0x0  }
0x98: {  	s11 =	rddreg [dreg:$0x1c];
	[sflag:s8] =	ssyncadd.s32 $0xFFFFF380  }
0x99: {  	[spmem:s11] =	stream.linear.scatter [tilespmem:s7], [sflag:$0x3], $0xC80, $0x38;
	[tilespmem:$0x1F8B8] =	vst v63  }
0x9a: {  	_ =	swait.ge [sflag:s8], $0xC80  }
0x9b: {  	[sflag:s8] =	ssyncset.done $0x0  }
0x9c: {  	s12 =	rddreg [dreg:$0x1d];
	[sflag:s8] =	ssyncadd.s32 $0xFFFFF380  }
0x9d: {  	[spmem:s12] =	stream.linear.scatter [tilespmem:s7], [sflag:$0x3], $0xC80, $0x38;
	[tilespmem:$0x1F8B8] =	vst v63  }
0x9e: {  	_ =	swait.ge [sflag:s8], $0xC80  }
0x9f: {  	[sflag:s8] =	ssyncset.done $0x0  }
0xa0: {  	s13 =	rddreg [dreg:$0x1e];
	[sflag:s8] =	ssyncadd.s32 $0xFFFFF380  }
0xa1: {  	[spmem:s13] =	stream.linear.scatter [tilespmem:s7], [sflag:$0x3], $0xC80, $0x38;
	[tilespmem:$0x1F8B8] =	vst v63  }
0xa2: {  	_ =	swait.ge [sflag:s8], $0xC80  }
0xa3: {  	[sflag:s8] =	ssyncset.done $0x0  }
0xa4: {  	s14 =	rddreg [dreg:$0x1f];
	[sflag:s8] =	ssyncadd.s32 $0xFFFFF380  }
0xa5: {  	[spmem:s14] =	stream.linear.scatter [tilespmem:s7], [sflag:$0x3], $0xC80, $0x38;
	[tilespmem:$0x1F8B8] =	vst v63  }
0xa6: {  	_ =	swait.ge [sflag:s8], $0xC80  }
0xa7: {  	s16 =	sld [smem:$0x7F8]  }
0xa8: {  	[sflag:s8] =	ssyncset.done $0x0  }
0xa9: {  	[sflag:s8] =	ssyncadd.s32 $0xFFFFF380  }
0xaa: {  	[spmem:s16] =	stream.linear.scatter [tilespmem:s7], [sflag:$0x3], $0xC80, $0x38;
	[tilespmem:$0x1F8B8] =	vst v63  }
0xab: {  	_ =	swait.ge [sflag:s8], $0xC80  }
0xac: {  	s10 =	sld [smem:$0x7F9]  }
0xad: {  	[sflag:s8] =	ssyncset.done $0x0  }
0xae: {  	[sflag:s8] =	ssyncadd.s32 $0xFFFFF380  }
0xaf: {  	[spmem:s10] =	stream.linear.scatter [tilespmem:s7], [sflag:$0x3], $0xC80, $0x38;
	[tilespmem:$0x1F8B8] =	vst v63  }
0xb0: {  	_ =	swait.ge [sflag:s8], $0xC80  }
0xb1: {  	s11 =	sld [smem:$0x7FA]  }
0xb2: {  	[sflag:s8] =	ssyncset.done $0x0  }
0xb3: {  	[sflag:s8] =	ssyncadd.s32 $0xFFFFF380  }
0xb4: {  	[spmem:s11] =	stream.linear.scatter [tilespmem:s7], [sflag:$0x3], $0xC80, $0x38;
	[tilespmem:$0x1F8B8] =	vst v63  }
0xb5: {  	_ =	swait.ge [sflag:s8], $0xC80  }
0xb6: {  	s12 =	sld [smem:$0x7FB]  }
0xb7: {  	[sflag:s8] =	ssyncset.done $0x0  }
0xb8: {  	[sflag:s8] =	ssyncadd.s32 $0xFFFFF380  }
0xb9: {  	[spmem:s12] =	stream.linear.scatter [tilespmem:s7], [sflag:$0x3], $0xC80, $0x38;
	[tilespmem:$0x1F8B8] =	vst v63  }
0xba: {  	_ =	swait.ge [sflag:s8], $0xC80  }
0xbb: {  	s13 =	sld [smem:$0x7FC]  }
0xbc: {  	[sflag:s8] =	ssyncset.done $0x0  }
0xbd: {  	[sflag:s8] =	ssyncadd.s32 $0xFFFFF380  }
0xbe: {  	[spmem:s13] =	stream.linear.scatter [tilespmem:s7], [sflag:$0x3], $0xC80, $0x38;
	[tilespmem:$0x1F8B8] =	vst v63  }
0xbf: {  	_ =	swait.ge [sflag:s8], $0xC80  }
0xc0: {  	[sflag:s8] =	ssyncset.done $0x0  }
0xc1: {  	[sflag:s8] =	ssyncadd.s32 $0xFFFFF380  }
0xc2: {  	[spmem:s17] =	stream.linear.scatter [tilespmem:s7], [sflag:$0x3], $0xC80, $0x38;
	[tilespmem:$0x1F8B8] =	vst v63  }
0xc3: {  	_ =	swait.ge [sflag:s8], $0xC80  }
0xc4: {  	[sflag:s8] =	ssyncset.done $0x0  }
0xc5: {  	[sflag:s8] =	ssyncadd.s32 $0xFFFFF380  }
0xc6: {  	[spmem:s18] =	stream.linear.scatter [tilespmem:s7], [sflag:$0x3], $0xC80, $0x38;
	[tilespmem:$0x1F8B8] =	vst v63  }
0xc7: {  	_ =	swait.ge [sflag:s8], $0xC80  }
0xc8: {  	[sflag:s8] =	ssyncset.done $0x0  }
0xc9: {  	[sflag:s8] =	ssyncadd.s32 $0xFFFFF380  }
0xca: {  	[spmem:s19] =	stream.linear.scatter [tilespmem:s7], [sflag:$0x3], $0xC80, $0x38;
	[tilespmem:$0x1F8B8] =	vst v63  }
0xcb: {  	_ =	swait.ge [sflag:s8], $0xC80  }
0xcc: {  	[sflag:s8] =	ssyncset.done $0x0  }
0xcd: {  	[sflag:s8] =	ssyncadd.s32 $0xFFFFF380  }
0xce: {  	[spmem:s22] =	stream.linear.scatter [tilespmem:s7], [sflag:$0x3], $0xC80, $0x38;
	[tilespmem:$0x1F8B8] =	vst v63  }
0xcf: {  	_ =	swait.ge [sflag:s8], $0xC80  }
0xd0: {  	[sflag:s8] =	ssyncset.done $0x0  }
0xd1: {  	[sflag:s8] =	ssyncadd.s32 $0xFFFFF380  }
0xd2: {  	[spmem:s23] =	stream.linear.scatter [tilespmem:s7], [sflag:$0x3], $0xC80, $0x38;
	[tilespmem:$0x1F8B8] =	vst v63  }
0xd3: {  	_ =	swait.ge [sflag:s8], $0xC80  }
0xd4: {  	[sflag:s8] =	ssyncset.done $0x0  }
0xd5: {  	[sflag:s8] =	ssyncadd.s32 $0xFFFFF380  }
0xd6: {  	[spmem:s24] =	stream.linear.scatter [tilespmem:s7], [sflag:$0x3], $0xC80, $0x38;
	[tilespmem:$0x1F8B8] =	vst v63  }
0xd7: {  	_ =	swait.ge [sflag:s8], $0xC80  }
0xd8: {  	[sflag:s8] =	ssyncset.done $0x0  }
0xd9: {  	s5 =	simm.s32 @p0 $0xB880;
	[sflag:s8] =	ssyncadd.s32 $0xFFFFF380  }
0xda: {  	[spmem:s25] =	stream.linear.scatter @p0 [tilespmem:s5], [sflag:$0x3], $0x208, $0x38;
	[tilespmem:$0x1F8B8] =	vst v63  }
0xdb: {  	s5 =	simm.s32 @p0 $0x3  }
0xdc: {  	_ =	swait.ge @p0 [sflag:s5], $0x208  }
0xdd: {  	[sflag:s5] =	ssyncset.done @p0 $0x0  }
0xde: {  	[sflag:s5] =	ssyncadd.s32 @p0 $0xFFFFFDF8;
	s5 =	simm.s32 @!p0 $0xB880  }
0xdf: {  	[spmem:s21] =	stream.linear.scatter @!p0 [tilespmem:s5], [sflag:$0x3], $0x278, $0x38;
	[tilespmem:$0x1F8B8] =	vst v63  }
0xe0: {  	s5 =	simm.s32 @!p0 $0x3  }
0xe1: {  	_ =	swait.ge @!p0 [sflag:s5], $0x278  }
0xe2: {  	[sflag:s5] =	ssyncset.done @!p0 $0x0  }
0xe3: {  	[sflag:s5] =	ssyncadd.s32 @!p0 $0xFFFFFD88  }
0xe4: {  	[bflag:$0x0] =	sbarrier.arrive $0xFFFF  }
0xe5: {  	s14 =	simm.s32 $0x0;
	s10 =	rddreg [dreg:$0x8]  }
0xe6: {  	[tilespmem:s14], [sflag:$0x3] =	stream.linear.gather [hbm4b:s10+s14], $0x1400, $0x38;
	[tilespmem:$0x1F8B8] =	vst v63  }
0xe7: {  	_ =	swait.ge [sflag:s8], $0x1400  }
0xe8: {  	[sflag:s8] =	ssyncset.done $0x0  }
0xe9: {  	s11 =	simm.s32 $0x1400;
	s16 =	rddreg [dreg:$0x9];
	[sflag:s8] =	ssyncadd.s32 $0xFFFFEC00  }
0xea: {  	[tilespmem:s11], [sflag:$0x3] =	stream.linear.gather [hbm4b:s16+s14], $0x1400, $0x38;
	[tilespmem:$0x1F8B8] =	vst v63  }
0xeb: {  	_ =	swait.ge [sflag:s8], $0x1400  }
0xec: {  	[sflag:s8] =	ssyncset.done $0x0  }
0xed: {  	[sflag:s8] =	ssyncadd.s32 $0xFFFFEC00  }
0xee: {  	[tilespmem:s20], [sflag:$0x1] =	stream.indirect.gather [hbm4b:s1+s9], $0x80, s14, s9, $0xb8;
	[tilespmem:$0x1F8B8] =	vst v63  }
0xef: {  	s12 =	simm.s32 $0x80  }
0xf0: {  	[tilespmem:s26], [sflag:$0x2] =	stream.indirect.gather [hbm4b:s1+s9], $0x80, s12, s9, $0xb8;
	[tilespmem:$0x1F8B8] =	vst v63  }
0xf1: {  	_ =	swait.ge [sflag:s28], $0x4000  }
0xf2: {  	[sflag:s28] =	ssyncset.done $0x0  }
0xf3: {  	s13 =	simm.s32 $0x1400;
	[sflag:s28] =	ssyncadd.s32 $0xFFFFC000  }
0xf4: {  	[spmem:s2] =	stream.indirect.scatter.add.f32 [tilespmem:s20], [sflag:$0x3], $0x80, s13, s9, $0xb8;
	[tilespmem:$0x1F8B8] =	vst v63  }
0xf5: {  	_ =	swait.ge [sflag:s8], $0x4000  }
0xf6: {  	[sflag:s8] =	ssyncset.done $0x0  }
0xf7: {  	[sflag:s8] =	ssyncadd.s32 $0xFFFFC000  }
0xf8: {  	[spmem:s3] =	stream.indirect.scatter.add.f32 [tilespmem:s29], [sflag:$0x3], $0x1, s13, s9, $0xb8;
	[tilespmem:$0x1F8B8] =	vst v63  }
0xf9: {  	_ =	swait.ge [sflag:s8], $0x80  }
0xfa: {  	[sflag:s8] =	ssyncset.done $0x0  }
0xfb: {  	s14 =	simm.s32 $0x100;
	[sflag:s8] =	ssyncadd.s32 $0xFFFFFF80  }
0xfc: {  	[tilespmem:s20], [sflag:$0x1] =	stream.indirect.gather [hbm4b:s1+s9], $0x80, s14, s9, $0xb8;
	[tilespmem:$0x1F8B8] =	vst v63  }
0xfd: {  	_ =	swait.ge [sflag:s30], $0x4000  }
0xfe: {  	[sflag:s30] =	ssyncset.done $0x0  }
0xff: {  	s16 =	simm.s32 $0x1480;
	[sflag:s30] =	ssyncadd.s32 $0xFFFFC000  }
0x100: {  	[spmem:s2] =	stream.indirect.scatter.add.f32 [tilespmem:s26], [sflag:$0x3], $0x80, s16, s9, $0xb8;
	[tilespmem:$0x1F8B8] =	vst v63  }
0x101: {  	_ =	swait.ge [sflag:s8], $0x4000  }
0x102: {  	[sflag:s8] =	ssyncset.done $0x0  }
0x103: {  	[sflag:s8] =	ssyncadd.s32 $0xFFFFC000  }
0x104: {  	[spmem:s3] =	stream.indirect.scatter.add.f32 [tilespmem:s29], [sflag:$0x3], $0x1, s16, s9, $0xb8;
	[tilespmem:$0x1F8B8] =	vst v63  }
0x105: {  	_ =	swait.ge [sflag:s8], $0x80  }
0x106: {  	s5 =	simm.s32 $0x100;
	s10 =	simm.s32 $0x800;
	[sflag:s8] =	ssyncset.done $0x0  }
.LBB2_4:
0x107: {  	s11 =	sadd.s32 $0x80, s5  }
0x108: {  	[sflag:s8] =	ssyncadd.s32 $0xFFFFFF80;
	s12 =	smov.u32 s10;
	s13 =	sadd.s32 $0x400, s10  }
0x109: {  	[tilespmem:s26], [sflag:$0x2] =	stream.indirect.gather [hbm4b:s1+s9], $0x80, s11, s9, $0xb8;
	[tilespmem:$0x1F8B8] =	vst v63  }
0x10a: {  	p1 =	sne.s32 s10, $0x4800;
	_ =	swait.ge [sflag:s28], $0x4000  }
0x10b: {  	[sflag:s28] =	ssyncset.done $0x0  }
0x10c: {  	s10 =	sadd.s32 $0x1400, s5;
	[sflag:s28] =	ssyncadd.s32 $0xFFFFC000  }
0x10d: {  	[spmem:s2] =	stream.indirect.scatter.add.f32 [tilespmem:s20], [sflag:$0x3], $0x80, s10, s9, $0xb8;
	[tilespmem:$0x1F8B8] =	vst v63  }
0x10e: {  	_ =	swait.ge [sflag:s8], $0x4000  }
0x10f: {  	[sflag:s8] =	ssyncset.done $0x0  }
0x110: {  	[sflag:s8] =	ssyncadd.s32 $0xFFFFC000  }
0x111: {  	[spmem:s3] =	stream.indirect.scatter.add.f32 [tilespmem:s29], [sflag:$0x3], $0x1, s10, s9, $0xb8;
	[tilespmem:$0x1F8B8] =	vst v63  }
0x112: {  	_ =	swait.ge [sflag:s8], $0x80  }
0x113: {  	[sflag:s8] =	ssyncset.done $0x0  }
0x114: {  	s10 =	sadd.s32 $0x100, s5;
	[sflag:s8] =	ssyncadd.s32 $0xFFFFFF80  }
0x115: {  	[tilespmem:s20], [sflag:$0x1] =	stream.indirect.gather [hbm4b:s1+s9], $0x80, s10, s9, $0xb8;
	[tilespmem:$0x1F8B8] =	vst v63  }
0x116: {  	_ =	swait.ge [sflag:s30], $0x4000  }
0x117: {  	[sflag:s30] =	ssyncset.done $0x0  }
0x118: {  	s5 =	sadd.s32 $0x1480, s5;
	[sflag:s30] =	ssyncadd.s32 $0xFFFFC000  }
0x119: {  	[spmem:s2] =	stream.indirect.scatter.add.f32 [tilespmem:s26], [sflag:$0x3], $0x80, s5, s9, $0xb8;
	[tilespmem:$0x1F8B8] =	vst v63  }
0x11a: {  	_ =	swait.ge [sflag:s8], $0x4000  }
.Ltmp1:
0x11b: {  	[sflag:s8] =	ssyncset.done $0x0;
	(pc) =	sbr.rel @p1 .LBB2_4-.Ltmp1, $4  }
0x11c: {  	[sflag:s8] =	ssyncadd.s32 $0xFFFFC000  }
0x11d: {  	[spmem:s3] =	stream.indirect.scatter.add.f32 [tilespmem:s29], [sflag:$0x3], $0x1, s5, s9, $0xb8;
	[tilespmem:$0x1F8B8] =	vst v63  }
0x11e: {  	_ =	swait.ge [sflag:s8], $0x80  }
0x11f: {  	s10 =	smov.u32 s13;
	s5 =	sshra.s32 s12, $0x2;
	[sflag:s8] =	ssyncset.done $0x0  }
0x120: {  	s10 =	sadd.s32 $0x80, s5;
	[sflag:s8] =	ssyncadd.s32 $0xFFFFFF80  }
0x121: {  	[tilespmem:s26], [sflag:$0x2] =	stream.indirect.gather [hbm4b:s1+s9], $0x80, s10, s9, $0xb8;
	[tilespmem:$0x1F8B8] =	vst v63  }
0x122: {  	_ =	swait.ge [sflag:s28], $0x4000  }
0x123: {  	[sflag:s28] =	ssyncset.done $0x0  }
0x124: {  	s12 =	sadd.s32 $0x1400, s5;
	[sflag:s28] =	ssyncadd.s32 $0xFFFFC000  }
0x125: {  	[spmem:s2] =	stream.indirect.scatter.add.f32 [tilespmem:s20], [sflag:$0x3], $0x80, s12, s9, $0xb8;
	[tilespmem:$0x1F8B8] =	vst v63  }
0x126: {  	_ =	swait.ge [sflag:s8], $0x4000  }
0x127: {  	[sflag:s8] =	ssyncset.done $0x0  }
0x128: {  	[sflag:s8] =	ssyncadd.s32 $0xFFFFC000  }
0x129: {  	[spmem:s3] =	stream.indirect.scatter.add.f32 [tilespmem:s29], [sflag:$0x3], $0x1, s12, s9, $0xb8;
	[tilespmem:$0x1F8B8] =	vst v63  }
0x12a: {  	_ =	swait.ge [sflag:s8], $0x80  }
0x12b: {  	[sflag:s8] =	ssyncset.done $0x0  }
0x12c: {  	s13 =	sadd.s32 $0x100, s5;
	[sflag:s8] =	ssyncadd.s32 $0xFFFFFF80  }
0x12d: {  	[tilespmem:s20], [sflag:$0x1] =	stream.indirect.gather [hbm4b:s1+s9], $0x80, s13, s9, $0xb8;
	[tilespmem:$0x1F8B8] =	vst v63  }
0x12e: {  	_ =	swait.ge [sflag:s30], $0x4000  }
0x12f: {  	[sflag:s30] =	ssyncset.done $0x0  }
0x130: {  	s14 =	sadd.s32 $0x1480, s5;
	[sflag:s30] =	ssyncadd.s32 $0xFFFFC000  }
0x131: {  	[spmem:s2] =	stream.indirect.scatter.add.f32 [tilespmem:s26], [sflag:$0x3], $0x80, s14, s9, $0xb8;
	[tilespmem:$0x1F8B8] =	vst v63  }
0x132: {  	_ =	swait.ge [sflag:s8], $0x4000  }
0x133: {  	[sflag:s8] =	ssyncset.done $0x0  }
0x134: {  	[sflag:s8] =	ssyncadd.s32 $0xFFFFC000  }
0x135: {  	[spmem:s3] =	stream.indirect.scatter.add.f32 [tilespmem:s29], [sflag:$0x3], $0x1, s14, s9, $0xb8;
	[tilespmem:$0x1F8B8] =	vst v63  }
0x136: {  	_ =	swait.ge [sflag:s8], $0x80  }
0x137: {  	[sflag:s8] =	ssyncset.done $0x0  }
0x138: {  	[sflag:s8] =	ssyncadd.s32 $0xFFFFFF80  }
0x139: {  	[tilespmem:s26], [sflag:$0x2] =	stream.indirect.gather [hbm4b:s1+s9], $0x80, s15, s9, $0xb8;
	[tilespmem:$0x1F8B8] =	vst v63  }
0x13a: {  	_ =	swait.ge [sflag:s28], $0x4000  }
0x13b: {  	[sflag:s28] =	ssyncset.done $0x0  }
0x13c: {  	[sflag:s28] =	ssyncadd.s32 $0xFFFFC000  }
0x13d: {  	[spmem:s2] =	stream.indirect.scatter.add.f32 [tilespmem:s20], [sflag:$0x3], $0x80, s31, s9, $0xb8;
	[tilespmem:$0x1F8B8] =	vst v63  }
0x13e: {  	_ =	swait.ge [sflag:s8], $0x4000  }
0x13f: {  	[sflag:s8] =	ssyncset.done $0x0  }
0x140: {  	[sflag:s8] =	ssyncadd.s32 $0xFFFFC000  }
0x141: {  	[spmem:s3] =	stream.indirect.scatter.add.f32 [tilespmem:s29], [sflag:$0x3], $0x1, s31, s9, $0xb8;
	[tilespmem:$0x1F8B8] =	vst v63  }
0x142: {  	_ =	swait.ge [sflag:s8], $0x80  }
0x143: {  	[sflag:s8] =	ssyncset.done $0x0  }
0x144: {  	[sflag:s8] =	ssyncadd.s32 $0xFFFFFF80  }
0x145: {  	_ =	swait.ge [sflag:s30], $0x4000  }
0x146: {  	[sflag:s30] =	ssyncset.done $0x0  }
0x147: {  	[sflag:s30] =	ssyncadd.s32 $0xFFFFC000  }
0x148: {  	[spmem:s2] =	stream.indirect.scatter.add.f32 [tilespmem:s26], [sflag:$0x3], $0x80, s0, s9, $0xb8;
	[tilespmem:$0x1F8B8] =	vst v63  }
0x149: {  	_ =	swait.ge [sflag:s8], $0x4000  }
0x14a: {  	[sflag:s8] =	ssyncset.done $0x0  }
0x14b: {  	[sflag:s8] =	ssyncadd.s32 $0xFFFFC000  }
0x14c: {  	[spmem:s3] =	stream.indirect.scatter.add.f32 [tilespmem:s29], [sflag:$0x3], $0x1, s0, s9, $0xb8;
	[tilespmem:$0x1F8B8] =	vst v63  }
0x14d: {  	_ =	swait.ge [sflag:s8], $0x80  }
0x14e: {  	[sflag:s8] =	ssyncset.done $0x0  }
0x14f: {  	[sflag:s8] =	ssyncadd.s32 $0xFFFFFF80  }
0x150: {  	[bflag:$0x0] =	sbarrier.arrive $0xFFFF  }
0x151: {  	s5 =	sld [smem:$0x7FD];
	_ =	sdelay $0x1  }
0x152: {  	s10 =	simm.s32 @p0 $0x1FC3  }
0x153: {  	s12 =	simm.s32 @p0 $0x3;
	s11 =	rddreg [dreg:$0x14];
	s5 =	sshrl.u32 @p0 s5, $0x3  }
0x154: {  	[hbm:s11], [sflag:s10] =	dma.local @p0 [spmem:s5], $0x2080  }
0x155: {  	_ =	swait.ge @p0 [sflag:s12], $0x2080  }
0x156: {  	[sflag:s12] =	ssyncset.done @p0 $0x0  }
0x157: {  	s10 =	simm.s32 @p0 $0xBB00;
	[sflag:s12] =	ssyncadd.s32 @p0 $0xFFFFDF80  }
0x158: {  	[tilespmem:s10], [sflag:$0x3] =	stream.linear.gather @p0 [spmem:s25], $0x208, $0x38;
	[tilespmem:$0x1F8B8] =	vst v63  }
0x159: {  	_ =	swait.ge @p0 [sflag:s12], $0x208  }
0x15a: {  	[sflag:s12] =	ssyncset.done @p0 $0x0  }
0x15b: {  	s11 =	simm.s32 @p0 $0x0;
	s13 =	rddreg [dreg:$0xf];
	[sflag:s12] =	ssyncadd.s32 @p0 $0xFFFFFDF8  }
0x15c: {  	[hbm4b:s13+s11] =	stream.linear.scatter @p0 [tilespmem:s10], [sflag:$0x3], $0x208, $0x38;
	[tilespmem:$0x1F8B8] =	vst v63  }
0x15d: {  	s10 =	stileid.u32  }
0x15e: {  	_ =	swait.ge @p0 [sflag:s12], $0x208;
	s10 =	sshll.u32 @!p0 s10, $0x6  }
0x15f: {  	[sflag:s12] =	ssyncset.done @p0 $0x0;
	s10 =	sor.u32 @!p0 $0x1C03, s10;
	s11 =	rddreg [dreg:$0x13]  }
0x160: {  	s13 =	rddreg [dreg:$0xa];
	[sflag:s12] =	ssyncadd.s32 @p0 $0xFFFFFDF8;
	s11 =	sshrl.u32 @!p0 s11, $0x3  }
0x161: {  	[hbm:s13], [sflag:s10] =	dma.local @!p0 [spmem:s11], $0x2780  }
0x162: {  	s13 =	simm.s32 @!p0 $0x3  }
0x163: {  	_ =	swait.ge @!p0 [sflag:s13], $0x2780  }
0x164: {  	[sflag:s13] =	ssyncset.done @!p0 $0x0  }
0x165: {  	s14 =	simm.s32 @!p0 $0xBB00;
	[sflag:s13] =	ssyncadd.s32 @!p0 $0xFFFFD880  }
0x166: {  	[tilespmem:s14], [sflag:$0x3] =	stream.linear.gather @!p0 [spmem:s21], $0x278, $0x38;
	[tilespmem:$0x1F8B8] =	vst v63  }
0x167: {  	_ =	swait.ge @!p0 [sflag:s13], $0x278  }
0x168: {  	[sflag:s13] =	ssyncset.done @!p0 $0x0  }
0x169: {  	s15 =	simm.s32 @!p0 $0x0;
	s16 =	rddreg [dreg:$0xd];
	[sflag:s13] =	ssyncadd.s32 @!p0 $0xFFFFFD88  }
0x16a: {  	[hbm4b:s16+s15] =	stream.linear.scatter @!p0 [tilespmem:s14], [sflag:$0x3], $0x278, $0x38;
	[tilespmem:$0x1F8B8] =	vst v63  }
0x16b: {  	_ =	swait.ge @!p0 [sflag:s13], $0x278  }
0x16c: {  	[sflag:s13] =	ssyncset.done @!p0 $0x0  }
0x16d: {  	[sflag:s13] =	ssyncadd.s32 @!p0 $0xFFFFFD88  }
0x16e: {  	[bflag:$0x0] =	sbarrier.arrive $0xFFFF  }
0x16f: {  	[spmem:s6] =	stream.linear.scatter [tilespmem:s7], [sflag:$0x3], $0xC80, $0x38;
	[tilespmem:$0x1F8B8] =	vst v63  }
0x170: {  	_ =	swait.ge [sflag:s8], $0xC80  }
0x171: {  	[sflag:s8] =	ssyncset.done $0x0  }
0x172: {  	s15 =	rddreg [dreg:$0x5];
	[sflag:s8] =	ssyncadd.s32 $0xFFFFF380  }
0x173: {  	[spmem:s15] =	stream.linear.scatter [tilespmem:s7], [sflag:$0x3], $0xC80, $0x38;
	[tilespmem:$0x1F8B8] =	vst v63  }
0x174: {  	_ =	swait.ge [sflag:s8], $0xC80  }
0x175: {  	[sflag:s8] =	ssyncset.done $0x0  }
0x176: {  	s16 =	rddreg [dreg:$0x6];
	[sflag:s8] =	ssyncadd.s32 $0xFFFFF380  }
0x177: {  	[spmem:s16] =	stream.linear.scatter [tilespmem:s7], [sflag:$0x3], $0xC80, $0x38;
	[tilespmem:$0x1F8B8] =	vst v63  }
0x178: {  	_ =	swait.ge [sflag:s8], $0xC80  }
0x179: {  	[sflag:s8] =	ssyncset.done $0x0  }
0x17a: {  	s15 =	rddreg [dreg:$0x7];
	[sflag:s8] =	ssyncadd.s32 $0xFFFFF380  }
0x17b: {  	[spmem:s15] =	stream.linear.scatter [tilespmem:s7], [sflag:$0x3], $0xC80, $0x38;
	[tilespmem:$0x1F8B8] =	vst v63  }
0x17c: {  	_ =	swait.ge [sflag:s8], $0xC80  }
0x17d: {  	[sflag:s8] =	ssyncset.done $0x0  }
0x17e: {  	s16 =	rddreg [dreg:$0x12];
	[sflag:s8] =	ssyncadd.s32 $0xFFFFF380  }
0x17f: {  	[spmem:s16] =	stream.linear.scatter [tilespmem:s7], [sflag:$0x3], $0xC80, $0x38;
	[tilespmem:$0x1F8B8] =	vst v63  }
0x180: {  	_ =	swait.ge [sflag:s8], $0xC80  }
0x181: {  	[sflag:s8] =	ssyncset.done $0x0  }
0x182: {  	s15 =	rddreg [dreg:$0x17];
	[sflag:s8] =	ssyncadd.s32 $0xFFFFF380  }
0x183: {  	[spmem:s15] =	stream.linear.scatter [tilespmem:s7], [sflag:$0x3], $0xC80, $0x38;
	[tilespmem:$0x1F8B8] =	vst v63  }
0x184: {  	_ =	swait.ge [sflag:s8], $0xC80  }
0x185: {  	[sflag:s8] =	ssyncset.done $0x0  }
0x186: {  	s16 =	rddreg [dreg:$0x18];
	[sflag:s8] =	ssyncadd.s32 $0xFFFFF380  }
0x187: {  	[spmem:s16] =	stream.linear.scatter [tilespmem:s7], [sflag:$0x3], $0xC80, $0x38;
	[tilespmem:$0x1F8B8] =	vst v63  }
0x188: {  	_ =	swait.ge [sflag:s8], $0xC80  }
0x189: {  	[sflag:s8] =	ssyncset.done $0x0  }
0x18a: {  	s15 =	rddreg [dreg:$0x19];
	[sflag:s8] =	ssyncadd.s32 $0xFFFFF380  }
0x18b: {  	[spmem:s15] =	stream.linear.scatter [tilespmem:s7], [sflag:$0x3], $0xC80, $0x38;
	[tilespmem:$0x1F8B8] =	vst v63  }
0x18c: {  	_ =	swait.ge [sflag:s8], $0xC80  }
0x18d: {  	[sflag:s8] =	ssyncset.done $0x0  }
0x18e: {  	s16 =	rddreg [dreg:$0x1a];
	[sflag:s8] =	ssyncadd.s32 $0xFFFFF380  }
0x18f: {  	[spmem:s16] =	stream.linear.scatter [tilespmem:s7], [sflag:$0x3], $0xC80, $0x38;
	[tilespmem:$0x1F8B8] =	vst v63  }
0x190: {  	_ =	swait.ge [sflag:s8], $0xC80  }
0x191: {  	[sflag:s8] =	ssyncset.done $0x0  }
0x192: {  	s15 =	rddreg [dreg:$0x1b];
	[sflag:s8] =	ssyncadd.s32 $0xFFFFF380  }
0x193: {  	[spmem:s15] =	stream.linear.scatter [tilespmem:s7], [sflag:$0x3], $0xC80, $0x38;
	[tilespmem:$0x1F8B8] =	vst v63  }
0x194: {  	_ =	swait.ge [sflag:s8], $0xC80  }
0x195: {  	[sflag:s8] =	ssyncset.done $0x0  }
0x196: {  	s16 =	rddreg [dreg:$0x1c];
	[sflag:s8] =	ssyncadd.s32 $0xFFFFF380  }
0x197: {  	[spmem:s16] =	stream.linear.scatter [tilespmem:s7], [sflag:$0x3], $0xC80, $0x38;
	[tilespmem:$0x1F8B8] =	vst v63  }
0x198: {  	_ =	swait.ge [sflag:s8], $0xC80  }
0x199: {  	[sflag:s8] =	ssyncset.done $0x0  }
0x19a: {  	s15 =	rddreg [dreg:$0x1d];
	[sflag:s8] =	ssyncadd.s32 $0xFFFFF380  }
0x19b: {  	[spmem:s15] =	stream.linear.scatter [tilespmem:s7], [sflag:$0x3], $0xC80, $0x38;
	[tilespmem:$0x1F8B8] =	vst v63  }
0x19c: {  	_ =	swait.ge [sflag:s8], $0xC80  }
0x19d: {  	[sflag:s8] =	ssyncset.done $0x0  }
0x19e: {  	s16 =	rddreg [dreg:$0x1e];
	[sflag:s8] =	ssyncadd.s32 $0xFFFFF380  }
0x19f: {  	[spmem:s16] =	stream.linear.scatter [tilespmem:s7], [sflag:$0x3], $0xC80, $0x38;
	[tilespmem:$0x1F8B8] =	vst v63  }
0x1a0: {  	_ =	swait.ge [sflag:s8], $0xC80  }
0x1a1: {  	[sflag:s8] =	ssyncset.done $0x0  }
0x1a2: {  	s15 =	rddreg [dreg:$0x1f];
	[sflag:s8] =	ssyncadd.s32 $0xFFFFF380  }
0x1a3: {  	[spmem:s15] =	stream.linear.scatter [tilespmem:s7], [sflag:$0x3], $0xC80, $0x38;
	[tilespmem:$0x1F8B8] =	vst v63  }
0x1a4: {  	_ =	swait.ge [sflag:s8], $0xC80  }
0x1a5: {  	s16 =	sld [smem:$0x7F8]  }
0x1a6: {  	[sflag:s8] =	ssyncset.done $0x0  }
0x1a7: {  	[sflag:s8] =	ssyncadd.s32 $0xFFFFF380  }
0x1a8: {  	[spmem:s16] =	stream.linear.scatter [tilespmem:s7], [sflag:$0x3], $0xC80, $0x38;
	[tilespmem:$0x1F8B8] =	vst v63  }
0x1a9: {  	_ =	swait.ge [sflag:s8], $0xC80  }
0x1aa: {  	s15 =	sld [smem:$0x7F9]  }
0x1ab: {  	[sflag:s8] =	ssyncset.done $0x0  }
0x1ac: {  	[sflag:s8] =	ssyncadd.s32 $0xFFFFF380  }
0x1ad: {  	[spmem:s15] =	stream.linear.scatter [tilespmem:s7], [sflag:$0x3], $0xC80, $0x38;
	[tilespmem:$0x1F8B8] =	vst v63  }
0x1ae: {  	_ =	swait.ge [sflag:s8], $0xC80  }
0x1af: {  	s16 =	sld [smem:$0x7FA]  }
0x1b0: {  	[sflag:s8] =	ssyncset.done $0x0  }
0x1b1: {  	[sflag:s8] =	ssyncadd.s32 $0xFFFFF380  }
0x1b2: {  	[spmem:s16] =	stream.linear.scatter [tilespmem:s7], [sflag:$0x3], $0xC80, $0x38;
	[tilespmem:$0x1F8B8] =	vst v63  }
0x1b3: {  	_ =	swait.ge [sflag:s8], $0xC80  }
0x1b4: {  	s15 =	sld [smem:$0x7FB]  }
0x1b5: {  	[sflag:s8] =	ssyncset.done $0x0  }
0x1b6: {  	[sflag:s8] =	ssyncadd.s32 $0xFFFFF380  }
0x1b7: {  	[spmem:s15] =	stream.linear.scatter [tilespmem:s7], [sflag:$0x3], $0xC80, $0x38;
	[tilespmem:$0x1F8B8] =	vst v63  }
0x1b8: {  	_ =	swait.ge [sflag:s8], $0xC80  }
0x1b9: {  	s16 =	sld [smem:$0x7FC]  }
0x1ba: {  	[sflag:s8] =	ssyncset.done $0x0  }
0x1bb: {  	[sflag:s8] =	ssyncadd.s32 $0xFFFFF380  }
0x1bc: {  	[spmem:s16] =	stream.linear.scatter [tilespmem:s7], [sflag:$0x3], $0xC80, $0x38;
	[tilespmem:$0x1F8B8] =	vst v63  }
0x1bd: {  	_ =	swait.ge [sflag:s8], $0xC80  }
0x1be: {  	[sflag:s8] =	ssyncset.done $0x0  }
0x1bf: {  	[sflag:s8] =	ssyncadd.s32 $0xFFFFF380  }
0x1c0: {  	[spmem:s17] =	stream.linear.scatter [tilespmem:s7], [sflag:$0x3], $0xC80, $0x38;
	[tilespmem:$0x1F8B8] =	vst v63  }
0x1c1: {  	_ =	swait.ge [sflag:s8], $0xC80  }
0x1c2: {  	[sflag:s8] =	ssyncset.done $0x0  }
0x1c3: {  	[sflag:s8] =	ssyncadd.s32 $0xFFFFF380  }
0x1c4: {  	[spmem:s18] =	stream.linear.scatter [tilespmem:s7], [sflag:$0x3], $0xC80, $0x38;
	[tilespmem:$0x1F8B8] =	vst v63  }
0x1c5: {  	_ =	swait.ge [sflag:s8], $0xC80  }
0x1c6: {  	[sflag:s8] =	ssyncset.done $0x0  }
0x1c7: {  	[sflag:s8] =	ssyncadd.s32 $0xFFFFF380  }
0x1c8: {  	[spmem:s19] =	stream.linear.scatter [tilespmem:s7], [sflag:$0x3], $0xC80, $0x38;
	[tilespmem:$0x1F8B8] =	vst v63  }
0x1c9: {  	_ =	swait.ge [sflag:s8], $0xC80  }
0x1ca: {  	[sflag:s8] =	ssyncset.done $0x0  }
0x1cb: {  	[sflag:s8] =	ssyncadd.s32 $0xFFFFF380  }
0x1cc: {  	[spmem:s22] =	stream.linear.scatter [tilespmem:s7], [sflag:$0x3], $0xC80, $0x38;
	[tilespmem:$0x1F8B8] =	vst v63  }
0x1cd: {  	_ =	swait.ge [sflag:s8], $0xC80  }
0x1ce: {  	[sflag:s8] =	ssyncset.done $0x0  }
0x1cf: {  	[sflag:s8] =	ssyncadd.s32 $0xFFFFF380  }
0x1d0: {  	[spmem:s23] =	stream.linear.scatter [tilespmem:s7], [sflag:$0x3], $0xC80, $0x38;
	[tilespmem:$0x1F8B8] =	vst v63  }
0x1d1: {  	_ =	swait.ge [sflag:s8], $0xC80  }
0x1d2: {  	[sflag:s8] =	ssyncset.done $0x0  }
0x1d3: {  	[sflag:s8] =	ssyncadd.s32 $0xFFFFF380  }
0x1d4: {  	[spmem:s24] =	stream.linear.scatter [tilespmem:s7], [sflag:$0x3], $0xC80, $0x38;
	[tilespmem:$0x1F8B8] =	vst v63  }
0x1d5: {  	_ =	swait.ge [sflag:s8], $0xC80  }
0x1d6: {  	[sflag:s8] =	ssyncset.done $0x0  }
0x1d7: {  	s14 =	simm.s32 @p0 $0xB880;
	[sflag:s8] =	ssyncadd.s32 $0xFFFFF380  }
0x1d8: {  	[spmem:s25] =	stream.linear.scatter @p0 [tilespmem:s14], [sflag:$0x3], $0x208, $0x38;
	[tilespmem:$0x1F8B8] =	vst v63  }
0x1d9: {  	_ =	swait.ge @p0 [sflag:s12], $0x208  }
0x1da: {  	[sflag:s12] =	ssyncset.done @p0 $0x0  }
0x1db: {  	[sflag:s12] =	ssyncadd.s32 @p0 $0xFFFFFDF8;
	s12 =	simm.s32 @!p0 $0xB880  }
0x1dc: {  	[spmem:s21] =	stream.linear.scatter @!p0 [tilespmem:s12], [sflag:$0x3], $0x278, $0x38;
	[tilespmem:$0x1F8B8] =	vst v63  }
0x1dd: {  	_ =	swait.ge @!p0 [sflag:s13], $0x278  }
0x1de: {  	[sflag:s13] =	ssyncset.done @!p0 $0x0  }
0x1df: {  	[sflag:s13] =	ssyncadd.s32 @!p0 $0xFFFFFD88  }
0x1e0: {  	[bflag:$0x0] =	sbarrier.arrive $0xFFFF  }
0x1e1: {  	s12 =	simm.s32 $0x0;
	s14 =	rddreg [dreg:$0xb]  }
0x1e2: {  	[tilespmem:s12], [sflag:$0x3] =	stream.linear.gather [hbm4b:s14+s12], $0x1400, $0x38;
	[tilespmem:$0x1F8B8] =	vst v63  }
0x1e3: {  	_ =	swait.ge [sflag:s8], $0x1400  }
0x1e4: {  	[sflag:s8] =	ssyncset.done $0x0  }
0x1e5: {  	s16 =	simm.s32 $0x1400;
	s15 =	rddreg [dreg:$0xc];
	[sflag:s8] =	ssyncadd.s32 $0xFFFFEC00  }
0x1e6: {  	[tilespmem:s16], [sflag:$0x3] =	stream.linear.gather [hbm4b:s15+s12], $0x1400, $0x38;
	[tilespmem:$0x1F8B8] =	vst v63  }
0x1e7: {  	_ =	swait.ge [sflag:s8], $0x1400  }
0x1e8: {  	[sflag:s8] =	ssyncset.done $0x0  }
0x1e9: {  	[sflag:s8] =	ssyncadd.s32 $0xFFFFEC00  }
0x1ea: {  	[tilespmem:s20], [sflag:$0x1] =	stream.indirect.gather [hbm4b:s1+s9], $0x80, s12, s9, $0xb8;
	[tilespmem:$0x1F8B8] =	vst v63  }
0x1eb: {  	s13 =	simm.s32 $0x80  }
0x1ec: {  	[tilespmem:s26], [sflag:$0x2] =	stream.indirect.gather [hbm4b:s1+s9], $0x80, s13, s9, $0xb8;
	[tilespmem:$0x1F8B8] =	vst v63  }
0x1ed: {  	_ =	swait.ge [sflag:s28], $0x4000  }
0x1ee: {  	[sflag:s28] =	ssyncset.done $0x0  }
0x1ef: {  	s14 =	simm.s32 $0x1400;
	[sflag:s28] =	ssyncadd.s32 $0xFFFFC000  }
0x1f0: {  	[spmem:s2] =	stream.indirect.scatter.add.f32 [tilespmem:s20], [sflag:$0x3], $0x80, s14, s9, $0xb8;
	[tilespmem:$0x1F8B8] =	vst v63  }
0x1f1: {  	_ =	swait.ge [sflag:s8], $0x4000  }
0x1f2: {  	[sflag:s8] =	ssyncset.done $0x0  }
0x1f3: {  	[sflag:s8] =	ssyncadd.s32 $0xFFFFC000  }
0x1f4: {  	[spmem:s3] =	stream.indirect.scatter.add.f32 [tilespmem:s29], [sflag:$0x3], $0x1, s14, s9, $0xb8;
	[tilespmem:$0x1F8B8] =	vst v63  }
0x1f5: {  	_ =	swait.ge [sflag:s8], $0x80  }
0x1f6: {  	[sflag:s8] =	ssyncset.done $0x0  }
0x1f7: {  	s15 =	simm.s32 $0x100;
	[sflag:s8] =	ssyncadd.s32 $0xFFFFFF80  }
0x1f8: {  	[tilespmem:s20], [sflag:$0x1] =	stream.indirect.gather [hbm4b:s1+s9], $0x80, s15, s9, $0xb8;
	[tilespmem:$0x1F8B8] =	vst v63  }
0x1f9: {  	_ =	swait.ge [sflag:s30], $0x4000  }
0x1fa: {  	[sflag:s30] =	ssyncset.done $0x0  }
0x1fb: {  	s16 =	simm.s32 $0x1480;
	[sflag:s30] =	ssyncadd.s32 $0xFFFFC000  }
0x1fc: {  	[spmem:s2] =	stream.indirect.scatter.add.f32 [tilespmem:s26], [sflag:$0x3], $0x80, s16, s9, $0xb8;
	[tilespmem:$0x1F8B8] =	vst v63  }
0x1fd: {  	_ =	swait.ge [sflag:s8], $0x4000  }
0x1fe: {  	[sflag:s8] =	ssyncset.done $0x0  }
0x1ff: {  	[sflag:s8] =	ssyncadd.s32 $0xFFFFC000  }
0x200: {  	[spmem:s3] =	stream.indirect.scatter.add.f32 [tilespmem:s29], [sflag:$0x3], $0x1, s16, s9, $0xb8;
	[tilespmem:$0x1F8B8] =	vst v63  }
0x201: {  	_ =	swait.ge [sflag:s8], $0x80  }
0x202: {  	s12 =	simm.s32 $0x100;
	s13 =	simm.s32 $0x800;
	[sflag:s8] =	ssyncset.done $0x0  }
.LBB2_6:
0x203: {  	s14 =	sadd.s32 $0x80, s12  }
0x204: {  	[sflag:s8] =	ssyncadd.s32 $0xFFFFFF80;
	s15 =	smov.u32 s13;
	s16 =	sadd.s32 $0x400, s13  }
0x205: {  	[tilespmem:s26], [sflag:$0x2] =	stream.indirect.gather [hbm4b:s1+s9], $0x80, s14, s9, $0xb8;
	[tilespmem:$0x1F8B8] =	vst v63  }
0x206: {  	p1 =	sne.s32 s13, $0x4800;
	_ =	swait.ge [sflag:s28], $0x4000  }
0x207: {  	[sflag:s28] =	ssyncset.done $0x0  }
0x208: {  	s13 =	sadd.s32 $0x1400, s12;
	[sflag:s28] =	ssyncadd.s32 $0xFFFFC000  }
0x209: {  	[spmem:s2] =	stream.indirect.scatter.add.f32 [tilespmem:s20], [sflag:$0x3], $0x80, s13, s9, $0xb8;
	[tilespmem:$0x1F8B8] =	vst v63  }
0x20a: {  	_ =	swait.ge [sflag:s8], $0x4000  }
0x20b: {  	[sflag:s8] =	ssyncset.done $0x0  }
0x20c: {  	[sflag:s8] =	ssyncadd.s32 $0xFFFFC000  }
0x20d: {  	[spmem:s3] =	stream.indirect.scatter.add.f32 [tilespmem:s29], [sflag:$0x3], $0x1, s13, s9, $0xb8;
	[tilespmem:$0x1F8B8] =	vst v63  }
0x20e: {  	_ =	swait.ge [sflag:s8], $0x80  }
0x20f: {  	[sflag:s8] =	ssyncset.done $0x0  }
0x210: {  	s13 =	sadd.s32 $0x100, s12;
	[sflag:s8] =	ssyncadd.s32 $0xFFFFFF80  }
0x211: {  	[tilespmem:s20], [sflag:$0x1] =	stream.indirect.gather [hbm4b:s1+s9], $0x80, s13, s9, $0xb8;
	[tilespmem:$0x1F8B8] =	vst v63  }
0x212: {  	_ =	swait.ge [sflag:s30], $0x4000  }
0x213: {  	[sflag:s30] =	ssyncset.done $0x0  }
0x214: {  	s12 =	sadd.s32 $0x1480, s12;
	[sflag:s30] =	ssyncadd.s32 $0xFFFFC000  }
0x215: {  	[spmem:s2] =	stream.indirect.scatter.add.f32 [tilespmem:s26], [sflag:$0x3], $0x80, s12, s9, $0xb8;
	[tilespmem:$0x1F8B8] =	vst v63  }
0x216: {  	_ =	swait.ge [sflag:s8], $0x4000  }
.Ltmp2:
0x217: {  	[sflag:s8] =	ssyncset.done $0x0;
	(pc) =	sbr.rel @p1 .LBB2_6-.Ltmp2, $4  }
0x218: {  	[sflag:s8] =	ssyncadd.s32 $0xFFFFC000  }
0x219: {  	[spmem:s3] =	stream.indirect.scatter.add.f32 [tilespmem:s29], [sflag:$0x3], $0x1, s12, s9, $0xb8;
	[tilespmem:$0x1F8B8] =	vst v63  }
0x21a: {  	_ =	swait.ge [sflag:s8], $0x80  }
0x21b: {  	s13 =	smov.u32 s16;
	s12 =	sshra.s32 s15, $0x2;
	[sflag:s8] =	ssyncset.done $0x0  }
0x21c: {  	s13 =	sadd.s32 $0x80, s12;
	[sflag:s8] =	ssyncadd.s32 $0xFFFFFF80  }
0x21d: {  	[tilespmem:s26], [sflag:$0x2] =	stream.indirect.gather [hbm4b:s1+s9], $0x80, s13, s9, $0xb8;
	[tilespmem:$0x1F8B8] =	vst v63  }
0x21e: {  	_ =	swait.ge [sflag:s28], $0x4000  }
0x21f: {  	[sflag:s28] =	ssyncset.done $0x0  }
0x220: {  	s16 =	sadd.s32 $0x1400, s12;
	[sflag:s28] =	ssyncadd.s32 $0xFFFFC000  }
0x221: {  	[spmem:s2] =	stream.indirect.scatter.add.f32 [tilespmem:s20], [sflag:$0x3], $0x80, s16, s9, $0xb8;
	[tilespmem:$0x1F8B8] =	vst v63  }
0x222: {  	_ =	swait.ge [sflag:s8], $0x4000  }
0x223: {  	[sflag:s8] =	ssyncset.done $0x0  }
0x224: {  	[sflag:s8] =	ssyncadd.s32 $0xFFFFC000  }
0x225: {  	[spmem:s3] =	stream.indirect.scatter.add.f32 [tilespmem:s29], [sflag:$0x3], $0x1, s16, s9, $0xb8;
	[tilespmem:$0x1F8B8] =	vst v63  }
0x226: {  	_ =	swait.ge [sflag:s8], $0x80  }
0x227: {  	[sflag:s8] =	ssyncset.done $0x0  }
0x228: {  	s14 =	sadd.s32 $0x100, s12;
	[sflag:s8] =	ssyncadd.s32 $0xFFFFFF80  }
0x229: {  	[tilespmem:s20], [sflag:$0x1] =	stream.indirect.gather [hbm4b:s1+s9], $0x80, s14, s9, $0xb8;
	[tilespmem:$0x1F8B8] =	vst v63  }
0x22a: {  	_ =	swait.ge [sflag:s30], $0x4000  }
0x22b: {  	[sflag:s30] =	ssyncset.done $0x0  }
0x22c: {  	s15 =	sadd.s32 $0x1480, s12;
	[sflag:s30] =	ssyncadd.s32 $0xFFFFC000  }
0x22d: {  	[spmem:s2] =	stream.indirect.scatter.add.f32 [tilespmem:s26], [sflag:$0x3], $0x80, s15, s9, $0xb8;
	[tilespmem:$0x1F8B8] =	vst v63  }
0x22e: {  	_ =	swait.ge [sflag:s8], $0x4000  }
0x22f: {  	[sflag:s8] =	ssyncset.done $0x0  }
0x230: {  	[sflag:s8] =	ssyncadd.s32 $0xFFFFC000  }
0x231: {  	[spmem:s3] =	stream.indirect.scatter.add.f32 [tilespmem:s29], [sflag:$0x3], $0x1, s15, s9, $0xb8;
	[tilespmem:$0x1F8B8] =	vst v63  }
0x232: {  	_ =	swait.ge [sflag:s8], $0x80  }
0x233: {  	[sflag:s8] =	ssyncset.done $0x0  }
0x234: {  	s15 =	simm.s32 $0x1380;
	[sflag:s8] =	ssyncadd.s32 $0xFFFFFF80  }
0x235: {  	[tilespmem:s26], [sflag:$0x2] =	stream.indirect.gather [hbm4b:s1+s9], $0x80, s15, s9, $0xb8;
	[tilespmem:$0x1F8B8] =	vst v63  }
0x236: {  	_ =	swait.ge [sflag:s28], $0x4000  }
0x237: {  	[sflag:s28] =	ssyncset.done $0x0  }
0x238: {  	[sflag:s28] =	ssyncadd.s32 $0xFFFFC000  }
0x239: {  	[spmem:s2] =	stream.indirect.scatter.add.f32 [tilespmem:s20], [sflag:$0x3], $0x80, s31, s9, $0xb8;
	[tilespmem:$0x1F8B8] =	vst v63  }
0x23a: {  	_ =	swait.ge [sflag:s8], $0x4000  }
0x23b: {  	[sflag:s8] =	ssyncset.done $0x0  }
0x23c: {  	[sflag:s8] =	ssyncadd.s32 $0xFFFFC000  }
0x23d: {  	[spmem:s3] =	stream.indirect.scatter.add.f32 [tilespmem:s29], [sflag:$0x3], $0x1, s31, s9, $0xb8;
	[tilespmem:$0x1F8B8] =	vst v63  }
0x23e: {  	_ =	swait.ge [sflag:s8], $0x80  }
0x23f: {  	[sflag:s8] =	ssyncset.done $0x0  }
0x240: {  	[sflag:s8] =	ssyncadd.s32 $0xFFFFFF80  }
0x241: {  	_ =	swait.ge [sflag:s30], $0x4000  }
0x242: {  	[sflag:s30] =	ssyncset.done $0x0  }
0x243: {  	[sflag:s30] =	ssyncadd.s32 $0xFFFFC000  }
0x244: {  	[spmem:s2] =	stream.indirect.scatter.add.f32 [tilespmem:s26], [sflag:$0x3], $0x80, s0, s9, $0xb8;
	[tilespmem:$0x1F8B8] =	vst v63  }
0x245: {  	_ =	swait.ge [sflag:s8], $0x4000  }
0x246: {  	[sflag:s8] =	ssyncset.done $0x0  }
0x247: {  	[sflag:s8] =	ssyncadd.s32 $0xFFFFC000  }
0x248: {  	[spmem:s3] =	stream.indirect.scatter.add.f32 [tilespmem:s29], [sflag:$0x3], $0x1, s0, s9, $0xb8;
	[tilespmem:$0x1F8B8] =	vst v63  }
0x249: {  	_ =	swait.ge [sflag:s8], $0x80  }
0x24a: {  	[sflag:s8] =	ssyncset.done $0x0  }
0x24b: {  	[sflag:s8] =	ssyncadd.s32 $0xFFFFFF80  }
0x24c: {  	[bflag:$0x0] =	sbarrier.arrive $0xFFFF  }
0x24d: {  	s12 =	simm.s32 @p0 $0x1FC3;
	s13 =	rddreg [dreg:$0x15]  }
0x24e: {  	[hbm:s13], [sflag:s12] =	dma.local @p0 [spmem:s5], $0x2080  }
0x24f: {  	s5 =	simm.s32 @p0 $0x3  }
0x250: {  	_ =	swait.ge @p0 [sflag:s5], $0x2080  }
0x251: {  	[sflag:s5] =	ssyncset.done @p0 $0x0  }
0x252: {  	s12 =	simm.s32 @p0 $0xBB00;
	[sflag:s5] =	ssyncadd.s32 @p0 $0xFFFFDF80  }
0x253: {  	[tilespmem:s12], [sflag:$0x3] =	stream.linear.gather @p0 [spmem:s25], $0x208, $0x38;
	[tilespmem:$0x1F8B8] =	vst v63  }
0x254: {  	_ =	swait.ge @p0 [sflag:s5], $0x208  }
0x255: {  	[sflag:s5] =	ssyncset.done @p0 $0x0  }
0x256: {  	s13 =	simm.s32 @p0 $0x0;
	s14 =	rddreg [dreg:$0x11];
	[sflag:s5] =	ssyncadd.s32 @p0 $0xFFFFFDF8  }
0x257: {  	[hbm4b:s14+s13] =	stream.linear.scatter @p0 [tilespmem:s12], [sflag:$0x3], $0x208, $0x38;
	[tilespmem:$0x1F8B8] =	vst v63  }
0x258: {  	_ =	swait.ge @p0 [sflag:s5], $0x208  }
0x259: {  	[sflag:s5] =	ssyncset.done @p0 $0x0  }
0x25a: {  	[sflag:s5] =	ssyncadd.s32 @p0 $0xFFFFFDF8;
	s5 =	rddreg [dreg:$0xe]  }
0x25b: {  	[hbm:s5], [sflag:s10] =	dma.local @!p0 [spmem:s11], $0x2780  }
0x25c: {  	s5 =	simm.s32 @!p0 $0x3  }
0x25d: {  	_ =	swait.ge @!p0 [sflag:s5], $0x2780  }
0x25e: {  	[sflag:s5] =	ssyncset.done @!p0 $0x0  }
0x25f: {  	s10 =	simm.s32 @!p0 $0xBB00;
	[sflag:s5] =	ssyncadd.s32 @!p0 $0xFFFFD880  }
0x260: {  	[tilespmem:s10], [sflag:$0x3] =	stream.linear.gather @!p0 [spmem:s21], $0x278, $0x38;
	[tilespmem:$0x1F8B8] =	vst v63  }
0x261: {  	_ =	swait.ge @!p0 [sflag:s5], $0x278  }
0x262: {  	[sflag:s5] =	ssyncset.done @!p0 $0x0  }
0x263: {  	s11 =	simm.s32 @!p0 $0x0;
	s12 =	rddreg [dreg:$0x10];
	[sflag:s5] =	ssyncadd.s32 @!p0 $0xFFFFFD88  }
0x264: {  	[hbm4b:s12+s11] =	stream.linear.scatter @!p0 [tilespmem:s10], [sflag:$0x3], $0x278, $0x38;
	[tilespmem:$0x1F8B8] =	vst v63  }
0x265: {  	_ =	swait.ge @!p0 [sflag:s5], $0x278  }
0x266: {  	s4 =	sadd.s32 $0x1, s4;
	s16 =	rddreg [dreg:$0x16]  }
0x267: {  	p1 =	sne.s32 s4, s16  }
.Ltmp3:
0x268: {  	_ = 	snop;
	(pc) =	sbr.rel @p1 .LBB2_1-.Ltmp3, $3  }
0x269: {  	[sflag:s5] =	ssyncset.done @!p0 $0x0  }
0x26a: {  	[sflag:s5] =	ssyncadd.s32 @!p0 $0xFFFFFD88  }
0x26b: {  	[bflag:$0x0] =	sbarrier.arrive $0xFFFF;
	_ =	sdelay $0x1  }
0x26c: {  	_ =	sfence.sel $0x180000  }
0x26d: {  	[bflag:$0x0] =	sbarrier.arrive $0xFFFF  }
0x26e: {  	_ =	strace $0x90000047  }
0x26f: {  	s0 =	stileid.u32;
	[bflag:$0x2] =	sbarrier.arrive $0xFFFF  }
0x270: {  	p0 =	sne.s32 s0, $0x0;
	s0 =	rddreg [dreg:$0x4]  }
0x271: {  	s0 =	sadd.s32 @!p0 $0x100000, s0  }
0x272: {  	[sflag:s0] =	ssyncadd.tile.s32 @!p0 $0x1;
	_ =	shalt  }
.Lfunc_end2:
_tile_overlayer_lowered:
.L_overlay_start_2:
0x273: {  	(tag) =	ssettag $0x2  }
0x274: {  	s0 =	rddreg [dreg:$0x0];
	s2 =	stileid.u32  }
0x275: {  	s1 =	rddreg [dreg:$0x1];
	p0 =	sne.s32 s2, $0x0  }
0x276: {  	s3 =	rddreg [dreg:$0x2];
	[bflag:$0x3] =	sbarrier.arrive $0xFFFF;
	s2 =	simm.s32 @!p0 $0x1C03  }
0x277: {  	[timem:s3], [sflag:s2] =	dma.local @!p0 [hbm:s0], s1  }
0x278: {  	s0 =	simm.s32 @!p0 $0x3  }
0x279: {  	_ =	swait.ge @!p0 [sflag:s0], s1  }
0x27a: {  	s1 =	ssub.s32 @!p0 $0x0, s1;
	[sflag:s0] =	ssyncset.done @!p0 $0x0  }
0x27b: {  	[sflag:s0] =	ssyncadd.s32 @!p0 s1  }
0x27c: {  	[bflag:$0x3] =	sbarrier.arrive $0xFFFF  }
0x27d: {  	_ =	shalt  }

</sc_bundles>
